<compile_context>
chip_gen: v7x
topology: tpu7x:2x2x1
jax: 0.10.2.dev20260603
libtpu: 0.0.44.dev20260713+nightly
codegen_flags: <defaults>
</compile_context>

<pallas_src>
import functools

import jax
import jax.numpy as jnp
from jax import lax
from jax.experimental import pallas as pl
from jax.experimental.pallas import tpu as pltpu
from jax.experimental.pallas import tpu_sc as plsc

N = 10000
E = 320000
D_IN = 128
D_HID = 128
D_OUT = 64

NC = 2
NS = 16
NW = NC * NS
CH = 128
CPT = 80
E_PAD = NW * CPT * CH
N_TAB = 10240
RPT = N_TAB // NS
D = 128

_f32 = jnp.float32
_i32 = jnp.int32


@functools.lru_cache(maxsize=None)
def _mesh():
    return plsc.VectorSubcoreMesh(core_axis_name="c", subcore_axis_name="s",
                                  num_cores=NC, num_subcores=NS)


def _fill(buf, rows, width, value):
    vec = jnp.full((16,), value, _f32)

    def body(i, carry):
        for j in range(width // 16):
            buf[i, pl.ds(j * 16, 16)] = vec
        return carry

    lax.fori_loop(0, rows, body, 0)


@functools.lru_cache(maxsize=None)
def _make_agg():

    @functools.partial(
        pl.kernel,
        out_type=jax.ShapeDtypeStruct((NC, N_TAB, D), _f32),
        mesh=_mesh(),
        scratch_types=[
            pltpu.VMEM((CPT, CH), _i32),
            pltpu.VMEM((2, CH), _i32),
            pltpu.VMEM((CH, D), _f32),
            pltpu.VMEM((CH, D), _f32),
            pltpu.SemaphoreType.DMA,
            pltpu.SemaphoreType.DMA,
            pltpu.SemaphoreType.DMA,
            pltpu.SemaphoreType.DMA,
            pltpu.VMEM_SHARED((N_TAB, D), _f32),
        ],
    )
    def agg(y_hbm, src_hbm, dst_hbm, out_hbm, srcv, dstv, bufa, bufb,
            sema, semb, semd0, semd1, acc):
        cid = lax.axis_index("c")
        sid = lax.axis_index("s")
        wid = sid * NC + cid
        pltpu.sync_copy(src_hbm.at[wid], srcv)
        _fill(bufa, CH, D, 0.0)
        for r in range(RPT // CH):
            pltpu.sync_copy(bufa, acc.at[pl.ds(sid * RPT + r * CH, CH)])
        plsc.subcore_barrier()

        pltpu.async_copy(y_hbm.at[srcv.at[0]], bufa, sema)
        pltpu.async_copy(y_hbm.at[srcv.at[1]], bufb, semb)
        pltpu.async_copy(dst_hbm.at[wid, 0], dstv.at[0], semd0)
        pltpu.async_copy(dst_hbm.at[wid, 1], dstv.at[1], semd1)

        def half(g, buf, sem, slot, semd):
            pltpu.make_async_copy(y_hbm.at[srcv.at[g]], buf, sem).wait()
            pltpu.make_async_copy(dst_hbm.at[wid, g], dstv.at[slot], semd).wait()
            pltpu.sync_copy(buf, acc.at[dstv.at[slot]], add=True)

            @pl.when(g + 2 < CPT)
            def _():
                pltpu.async_copy(y_hbm.at[srcv.at[g + 2]], buf, sem)
                pltpu.async_copy(dst_hbm.at[wid, g + 2], dstv.at[slot], semd)

        def step(k, carry):
            g = k * 2
            half(g, bufa, sema, 0, semd0)
            half(g + 1, bufb, semb, 1, semd1)
            return carry

        lax.fori_loop(0, CPT // 2, step, 0)
        plsc.subcore_barrier()
        pltpu.sync_copy(acc.at[pl.ds(sid * RPT, RPT)],
                        out_hbm.at[cid, pl.ds(sid * RPT, RPT)])

    return agg


@functools.lru_cache(maxsize=None)
def _make_degrees():

    @functools.partial(
        pl.kernel,
        out_type=(
            jax.ShapeDtypeStruct((NC, N_TAB, D), _f32),
            jax.ShapeDtypeStruct((NC, N_TAB, D), _f32),
        ),
        mesh=_mesh(),
        scratch_types=[
            pltpu.VMEM((CPT, CH), _i32),
            pltpu.VMEM((CPT, CH), _i32),
            pltpu.VMEM((CH, D), _f32),
            pltpu.VMEM_SHARED((N_TAB, D), _f32),
        ],
    )
    def degk(src_hbm, dst_hbm, od_out, id_out, srcv, dstv, buf, acc):
        cid = lax.axis_index("c")
        sid = lax.axis_index("s")
        wid = sid * NC + cid
        pltpu.sync_copy(src_hbm.at[wid], srcv)
        pltpu.sync_copy(dst_hbm.at[wid], dstv)
        for idx, out in ((srcv, od_out), (dstv, id_out)):
            _fill(buf, CH, D, 0.0)
            for r in range(RPT // CH):
                pltpu.sync_copy(buf, acc.at[pl.ds(sid * RPT + r * CH, CH)])
            _fill(buf, CH, D, 1.0)
            plsc.subcore_barrier()

            def step(g, carry, _idx=idx):
                pltpu.sync_copy(buf, acc.at[_idx.at[g]], add=True)
                return carry

            lax.fori_loop(0, CPT, step, 0)
            plsc.subcore_barrier()
            pltpu.sync_copy(acc.at[pl.ds(sid * RPT, RPT)],
                            out.at[cid, pl.ds(sid * RPT, RPT)])
            plsc.subcore_barrier()

    return degk


BLK = 512


def _scales(deg_ref):
    return lax.rsqrt(jnp.maximum(deg_ref[...], 1.0))


def _tc_first_body(x_ref, od_ref, w_ref, y_ref):
    s = _scales(od_ref)
    y_ref[...] = jnp.dot(x_ref[...] * s, w_ref[...],
                         preferred_element_type=_f32)


def _tc_mid_body(p_ref, od_ref, id_ref, w_ref, y_ref):
    s = _scales(od_ref)
    t = _scales(id_ref)
    h = jnp.maximum((p_ref[0] + p_ref[1]) * t, 0.0) * s
    y_ref[...] = jnp.dot(h, w_ref[...], preferred_element_type=_f32)


def _tc_last_body(p_ref, id_ref, y_ref):
    t = _scales(id_ref)
    y_ref[...] = (p_ref[0][:, :D_OUT] + p_ref[1][:, :D_OUT]) * t


def _deg_spec():
    return pl.BlockSpec((BLK, 1), lambda i: (i, 0))


def _tc_first(x, od, w):
    return pl.pallas_call(
        _tc_first_body,
        grid=(N_TAB // BLK,),
        in_specs=[
            pl.BlockSpec((BLK, D_IN), lambda i: (i, 0)),
            _deg_spec(),
            pl.BlockSpec((D_IN, D), lambda i: (0, 0)),
        ],
        out_specs=pl.BlockSpec((BLK, D), lambda i: (i, 0)),
        out_shape=jax.ShapeDtypeStruct((N_TAB, D), _f32),
    )(x, od, w)


def _tc_mid(p, od, idp, w):
    return pl.pallas_call(
        _tc_mid_body,
        grid=(N_TAB // BLK,),
        in_specs=[
            pl.BlockSpec((NC, BLK, D), lambda i: (0, i, 0)),
            _deg_spec(),
            _deg_spec(),
            pl.BlockSpec((D, D), lambda i: (0, 0)),
        ],
        out_specs=pl.BlockSpec((BLK, D), lambda i: (i, 0)),
        out_shape=jax.ShapeDtypeStruct((N_TAB, D), _f32),
    )(p, od, idp, w)


def _tc_last(p, idp):
    return pl.pallas_call(
        _tc_last_body,
        grid=(N_TAB // BLK,),
        in_specs=[
            pl.BlockSpec((NC, BLK, D), lambda i: (0, i, 0)),
            _deg_spec(),
        ],
        out_specs=pl.BlockSpec((BLK, D_OUT), lambda i: (i, 0)),
        out_shape=jax.ShapeDtypeStruct((N_TAB, D_OUT), _f32),
    )(p, idp)


def kernel(features, edge_index, W0, W1, W2):
    src = edge_index[0].astype(_i32)
    dst = edge_index[1].astype(_i32)
    src3 = jnp.pad(src, (0, E_PAD - E), constant_values=N).reshape(NW, CPT, CH)
    dst3 = jnp.pad(dst, (0, E_PAD - E), constant_values=N).reshape(NW, CPT, CH)
    x = jnp.pad(features, ((0, N_TAB - N), (0, 0)))
    w2p = jnp.pad(W2, ((0, 0), (0, D - D_OUT)))

    agg = _make_agg()
    odr, idr = _make_degrees()(src3, dst3)
    od = (odr[0, :, 0] + odr[1, :, 0])[:, None]
    idp = (idr[0, :, 0] + idr[1, :, 0])[:, None]

    y0 = _tc_first(x, od, W0)
    p0 = agg(y0, src3, dst3)
    y1 = _tc_mid(p0, od, idp, W1)
    p1 = agg(y1, src3, dst3)
    y2 = _tc_mid(p1, od, idp, w2p)
    p2 = agg(y2, src3, dst3)
    out = _tc_last(p2, idp)
    return out[:N]

# --- scband reference (transcript-rebuilt; emitter-appended) ---
"""Pipeline reference for scband-deep-gcn-35613868818502 (READ-ONLY COPY).

The authoritative reference and input builder live on the scoring server;
editing this copy changes nothing except your own understanding.
"""

import jax, jax.numpy as jnp
import numpy as np

N_NODES = 10000
N_EDGES = 320000
D_IN = 128
D_HID = 128
D_OUT = 64


def setup_inputs(seed: int = 0) -> dict:
    key = jax.random.key(seed)
    k1, k2, k3, k4, k5 = jax.random.split(key, 5)
    features = jax.random.normal(k1, (N_NODES, D_IN), dtype=jnp.float32)
    edge_index = jax.random.randint(k2, (2, N_EDGES), 0, N_NODES)
    # Glorot-style weight init per GraphConv layer (bias=False)
    W0 = jax.random.normal(k3, (D_IN, D_HID), dtype=jnp.float32) * (1.0 / np.sqrt(D_IN))
    W1 = jax.random.normal(k4, (D_HID, D_HID), dtype=jnp.float32) * (1.0 / np.sqrt(D_HID))
    W2 = jax.random.normal(k5, (D_HID, D_OUT), dtype=jnp.float32) * (1.0 / np.sqrt(D_HID))
    return {"features": features, "edge_index": edge_index, "W0": W0, "W1": W1, "W2": W2}


def _gcn_layer(x, W, src, dst):
    # DGL GraphConv with norm='both', bias=False, allow_zero_in_degree=True
    n = x.shape[0]
    out_deg = jnp.zeros((n,), dtype=x.dtype).at[src].add(1.0)
    out_deg = jnp.clip(out_deg, 1.0, None)
    h = x * (out_deg ** -0.5)[:, None]
    h = h @ W
    agg = jnp.zeros((n, h.shape[1]), dtype=h.dtype).at[dst].add(h[src])
    in_deg = jnp.zeros((n,), dtype=x.dtype).at[dst].add(1.0)
    in_deg = jnp.clip(in_deg, 1.0, None)
    return agg * (in_deg ** -0.5)[:, None]


def reference(features, edge_index, W0, W1, W2):
    # eval mode: F.dropout is identity
    src = edge_index[0]
    dst = edge_index[1]
    h = _gcn_layer(features, W0, src, dst)
    h = jax.nn.relu(h)  # activation=True
    h = _gcn_layer(h, W1, src, dst)
    h = jax.nn.relu(h)
    h = _gcn_layer(h, W2, src, dst)
    return h

if __name__ == "__main__":
    import jax
    _d = setup_inputs()
    print(jax.jit(kernel)(*tuple(_d.values())))

</pallas_src>

<mosaic_0001>
#map = affine_map<(d0, d1) -> (0, 0, 0)>
module attributes {stable_mosaic.version = 14 : i64} {
  func.func @degk(%arg0: i32, %arg1: i32, %arg2: memref<32x80x128xi32, #tpu.memory_space<hbm>>, %arg3: memref<32x80x128xi32, #tpu.memory_space<hbm>>, %arg4: memref<2x10240x128xf32, #tpu.memory_space<hbm>>, %arg5: memref<2x10240x128xf32, #tpu.memory_space<hbm>>, %arg6: memref<80x128xi32, #tpu.memory_space<vmem>>, %arg7: memref<80x128xi32, #tpu.memory_space<vmem>>, %arg8: memref<128x128xf32, #tpu.memory_space<vmem>>, %arg9: memref<10240x128xf32, #tpu.memory_space<vmem_shared>>) attributes {dimension_semantics = [#tpu.dimension_semantics<core_parallel>, #tpu.dimension_semantics<subcore_parallel>], iteration_bounds = array<i64: 2, 16>, scalar_prefetch = 0 : i64, scratch_operands = 4 : i64, tpu.core_type = #tpu.core_type<sc_vector_subcore>, window_params = [{transform_indices = #map}, {transform_indices = #map}, {transform_indices = #map}, {transform_indices = #map}]} {
    %mul3A = arith.constant 2 : i32
    %mul3A_0 = arith.muli %arg1, %mul3A : i32
    %add3A = arith.addi %mul3A_0, %arg0 : i32
    "tpu.region"() ({
      %run_scoped3A = tpu.sem_alloc : memref<!tpu.dma_semaphore, #tpu.memory_space<semaphore_mem>>
      %dma_start3A = arith.constant 0 : i32
      %dma_start3A_96 = arith.constant 0 : i32
      %dma_start3A_97 = tpu.memref_slice %arg2[%add3A, %dma_start3A, %dma_start3A_96] : memref<32x80x128xi32, #tpu.memory_space<hbm>> -> memref<1x80x128xi32, #tpu.memory_space<hbm>>
      %dma_start3A_98 = tpu.memref_squeeze %dma_start3A_97 : memref<1x80x128xi32, #tpu.memory_space<hbm>> -> memref<80x128xi32, #tpu.memory_space<hbm>>
      %dma_start3A_99 = arith.constant 0 : i32
      %dma_start3A_100 = arith.constant 0 : i32
      %dma_start3A_101 = tpu.memref_slice %arg2[%add3A, %dma_start3A_99, %dma_start3A_100] : memref<32x80x128xi32, #tpu.memory_space<hbm>> -> memref<1x80x128xi32, #tpu.memory_space<hbm>>
      %dma_start3A_102 = tpu.memref_squeeze %dma_start3A_101 : memref<1x80x128xi32, #tpu.memory_space<hbm>> -> memref<80x128xi32, #tpu.memory_space<hbm>>
      tpu.enqueue_dma source(%dma_start3A_102 : memref<80x128xi32, #tpu.memory_space<hbm>>) target(%arg6 : memref<80x128xi32, #tpu.memory_space<vmem>>) target_semaphore(%run_scoped3A : memref<!tpu.dma_semaphore, #tpu.memory_space<semaphore_mem>>)
      %dma_wait3A = arith.constant 0 : i32
      %dma_wait3A_103 = arith.constant 0 : i32
      %dma_wait3A_104 = tpu.memref_slice %arg2[%add3A, %dma_wait3A, %dma_wait3A_103] : memref<32x80x128xi32, #tpu.memory_space<hbm>> -> memref<1x80x128xi32, #tpu.memory_space<hbm>>
      %dma_wait3A_105 = tpu.memref_squeeze %dma_wait3A_104 : memref<1x80x128xi32, #tpu.memory_space<hbm>> -> memref<80x128xi32, #tpu.memory_space<hbm>>
      %dma_wait3A_106 = arith.constant 0 : i32
      %dma_wait3A_107 = arith.constant 0 : i32
      %dma_wait3A_108 = tpu.memref_slice %arg2[%add3A, %dma_wait3A_106, %dma_wait3A_107] : memref<32x80x128xi32, #tpu.memory_space<hbm>> -> memref<1x80x128xi32, #tpu.memory_space<hbm>>
      %dma_wait3A_109 = tpu.memref_squeeze %dma_wait3A_108 : memref<1x80x128xi32, #tpu.memory_space<hbm>> -> memref<80x128xi32, #tpu.memory_space<hbm>>
      tpu.wait_dma2 semaphore(%run_scoped3A : memref<!tpu.dma_semaphore, #tpu.memory_space<semaphore_mem>>) src(%dma_wait3A_109 : memref<80x128xi32, #tpu.memory_space<hbm>>) dst(%arg6 : memref<80x128xi32, #tpu.memory_space<vmem>>)
      tpu.yield
    }) : () -> ()
    "tpu.region"() ({
      %run_scoped3A = tpu.sem_alloc : memref<!tpu.dma_semaphore, #tpu.memory_space<semaphore_mem>>
      %dma_start3A = arith.constant 0 : i32
      %dma_start3A_96 = arith.constant 0 : i32
      %dma_start3A_97 = tpu.memref_slice %arg3[%add3A, %dma_start3A, %dma_start3A_96] : memref<32x80x128xi32, #tpu.memory_space<hbm>> -> memref<1x80x128xi32, #tpu.memory_space<hbm>>
      %dma_start3A_98 = tpu.memref_squeeze %dma_start3A_97 : memref<1x80x128xi32, #tpu.memory_space<hbm>> -> memref<80x128xi32, #tpu.memory_space<hbm>>
      %dma_start3A_99 = arith.constant 0 : i32
      %dma_start3A_100 = arith.constant 0 : i32
      %dma_start3A_101 = tpu.memref_slice %arg3[%add3A, %dma_start3A_99, %dma_start3A_100] : memref<32x80x128xi32, #tpu.memory_space<hbm>> -> memref<1x80x128xi32, #tpu.memory_space<hbm>>
      %dma_start3A_102 = tpu.memref_squeeze %dma_start3A_101 : memref<1x80x128xi32, #tpu.memory_space<hbm>> -> memref<80x128xi32, #tpu.memory_space<hbm>>
      tpu.enqueue_dma source(%dma_start3A_102 : memref<80x128xi32, #tpu.memory_space<hbm>>) target(%arg7 : memref<80x128xi32, #tpu.memory_space<vmem>>) target_semaphore(%run_scoped3A : memref<!tpu.dma_semaphore, #tpu.memory_space<semaphore_mem>>)
      %dma_wait3A = arith.constant 0 : i32
      %dma_wait3A_103 = arith.constant 0 : i32
      %dma_wait3A_104 = tpu.memref_slice %arg3[%add3A, %dma_wait3A, %dma_wait3A_103] : memref<32x80x128xi32, #tpu.memory_space<hbm>> -> memref<1x80x128xi32, #tpu.memory_space<hbm>>
      %dma_wait3A_105 = tpu.memref_squeeze %dma_wait3A_104 : memref<1x80x128xi32, #tpu.memory_space<hbm>> -> memref<80x128xi32, #tpu.memory_space<hbm>>
      %dma_wait3A_106 = arith.constant 0 : i32
      %dma_wait3A_107 = arith.constant 0 : i32
      %dma_wait3A_108 = tpu.memref_slice %arg3[%add3A, %dma_wait3A_106, %dma_wait3A_107] : memref<32x80x128xi32, #tpu.memory_space<hbm>> -> memref<1x80x128xi32, #tpu.memory_space<hbm>>
      %dma_wait3A_109 = tpu.memref_squeeze %dma_wait3A_108 : memref<1x80x128xi32, #tpu.memory_space<hbm>> -> memref<80x128xi32, #tpu.memory_space<hbm>>
      tpu.wait_dma2 semaphore(%run_scoped3A : memref<!tpu.dma_semaphore, #tpu.memory_space<semaphore_mem>>) src(%dma_wait3A_109 : memref<80x128xi32, #tpu.memory_space<hbm>>) dst(%arg7 : memref<80x128xi32, #tpu.memory_space<vmem>>)
      tpu.yield
    }) : () -> ()
    %broadcast_in_dim3A = arith.constant 0.000000e+00 : f32
    %broadcast_in_dim3A_1 = vector.broadcast %broadcast_in_dim3A : f32 to vector<16xf32>
    %scan3A = arith.constant 0 : i32
    %scan3A_2 = arith.constant 0 : i32
    %scan3A_3 = arith.constant 128 : i32
    %scan3A_4 = arith.addi %scan3A_2, %scan3A_3 : i32
    %scan3A_5 = arith.constant 1 : i32
    scf.for %scan3A_96 = %scan3A_2 to %scan3A_4 step %scan3A_5  : i32 {
      %swap3A = arith.index_cast %scan3A_96 : i32 to index
      %swap3A_97 = arith.constant 0 : index
      %swap3A_98 = tpu.vector_load %arg8[%swap3A, %swap3A_97] {strides = array<i32>} : memref<128x128xf32, #tpu.memory_space<vmem>>, vector<1x16xf32>,
      %swap3A_99 = vector.shape_cast %swap3A_98 : vector<1x16xf32> to vector<16xf32>
      %swap3A_100 = vector.shape_cast %broadcast_in_dim3A_1 : vector<16xf32> to vector<1x16xf32>
      tpu.vector_store %arg8[%swap3A, %swap3A_97], %swap3A_100 {strides = array<i32>} : memref<128x128xf32, #tpu.memory_space<vmem>>, vector<1x16xf32>,
      %swap3A_101 = arith.index_cast %scan3A_96 : i32 to index
      %swap3A_102 = arith.constant 16 : index
      %swap3A_103 = tpu.vector_load %arg8[%swap3A_101, %swap3A_102] {strides = array<i32>} : memref<128x128xf32, #tpu.memory_space<vmem>>, vector<1x16xf32>,
      %swap3A_104 = vector.shape_cast %swap3A_103 : vector<1x16xf32> to vector<16xf32>
      %swap3A_105 = vector.shape_cast %broadcast_in_dim3A_1 : vector<16xf32> to vector<1x16xf32>
      tpu.vector_store %arg8[%swap3A_101, %swap3A_102], %swap3A_105 {strides = array<i32>} : memref<128x128xf32, #tpu.memory_space<vmem>>, vector<1x16xf32>,
      %swap3A_106 = arith.index_cast %scan3A_96 : i32 to index
      %swap3A_107 = arith.constant 32 : index
      %swap3A_108 = tpu.vector_load %arg8[%swap3A_106, %swap3A_107] {strides = array<i32>} : memref<128x128xf32, #tpu.memory_space<vmem>>, vector<1x16xf32>,
      %swap3A_109 = vector.shape_cast %swap3A_108 : vector<1x16xf32> to vector<16xf32>
      %swap3A_110 = vector.shape_cast %broadcast_in_dim3A_1 : vector<16xf32> to vector<1x16xf32>
      tpu.vector_store %arg8[%swap3A_106, %swap3A_107], %swap3A_110 {strides = array<i32>} : memref<128x128xf32, #tpu.memory_space<vmem>>, vector<1x16xf32>,
      %swap3A_111 = arith.index_cast %scan3A_96 : i32 to index
      %swap3A_112 = arith.constant 48 : index
      %swap3A_113 = tpu.vector_load %arg8[%swap3A_111, %swap3A_112] {strides = array<i32>} : memref<128x128xf32, #tpu.memory_space<vmem>>, vector<1x16xf32>,
      %swap3A_114 = vector.shape_cast %swap3A_113 : vector<1x16xf32> to vector<16xf32>
      %swap3A_115 = vector.shape_cast %broadcast_in_dim3A_1 : vector<16xf32> to vector<1x16xf32>
      tpu.vector_store %arg8[%swap3A_111, %swap3A_112], %swap3A_115 {strides = array<i32>} : memref<128x128xf32, #tpu.memory_space<vmem>>, vector<1x16xf32>,
      %swap3A_116 = arith.index_cast %scan3A_96 : i32 to index
      %swap3A_117 = arith.constant 64 : index
      %swap3A_118 = tpu.vector_load %arg8[%swap3A_116, %swap3A_117] {strides = array<i32>} : memref<128x128xf32, #tpu.memory_space<vmem>>, vector<1x16xf32>,
      %swap3A_119 = vector.shape_cast %swap3A_118 : vector<1x16xf32> to vector<16xf32>
      %swap3A_120 = vector.shape_cast %broadcast_in_dim3A_1 : vector<16xf32> to vector<1x16xf32>
      tpu.vector_store %arg8[%swap3A_116, %swap3A_117], %swap3A_120 {strides = array<i32>} : memref<128x128xf32, #tpu.memory_space<vmem>>, vector<1x16xf32>,
      %swap3A_121 = arith.index_cast %scan3A_96 : i32 to index
      %swap3A_122 = arith.constant 80 : index
      %swap3A_123 = tpu.vector_load %arg8[%swap3A_121, %swap3A_122] {strides = array<i32>} : memref<128x128xf32, #tpu.memory_space<vmem>>, vector<1x16xf32>,
      %swap3A_124 = vector.shape_cast %swap3A_123 : vector<1x16xf32> to vector<16xf32>
      %swap3A_125 = vector.shape_cast %broadcast_in_dim3A_1 : vector<16xf32> to vector<1x16xf32>
      tpu.vector_store %arg8[%swap3A_121, %swap3A_122], %swap3A_125 {strides = array<i32>} : memref<128x128xf32, #tpu.memory_space<vmem>>, vector<1x16xf32>,
      %swap3A_126 = arith.index_cast %scan3A_96 : i32 to index
      %swap3A_127 = arith.constant 96 : index
      %swap3A_128 = tpu.vector_load %arg8[%swap3A_126, %swap3A_127] {strides = array<i32>} : memref<128x128xf32, #tpu.memory_space<vmem>>, vector<1x16xf32>,
      %swap3A_129 = vector.shape_cast %swap3A_128 : vector<1x16xf32> to vector<16xf32>
      %swap3A_130 = vector.shape_cast %broadcast_in_dim3A_1 : vector<16xf32> to vector<1x16xf32>
      tpu.vector_store %arg8[%swap3A_126, %swap3A_127], %swap3A_130 {strides = array<i32>} : memref<128x128xf32, #tpu.memory_space<vmem>>, vector<1x16xf32>,
      %swap3A_131 = arith.index_cast %scan3A_96 : i32 to index
      %swap3A_132 = arith.constant 112 : index
      %swap3A_133 = tpu.vector_load %arg8[%swap3A_131, %swap3A_132] {strides = array<i32>} : memref<128x128xf32, #tpu.memory_space<vmem>>, vector<1x16xf32>,
      %swap3A_134 = vector.shape_cast %swap3A_133 : vector<1x16xf32> to vector<16xf32>
      %swap3A_135 = vector.shape_cast %broadcast_in_dim3A_1 : vector<16xf32> to vector<1x16xf32>
      tpu.vector_store %arg8[%swap3A_131, %swap3A_132], %swap3A_135 {strides = array<i32>} : memref<128x128xf32, #tpu.memory_space<vmem>>, vector<1x16xf32>,
    }
    %scan3A_6 = arith.constant 128 : i32
    %mul3A_7 = arith.constant 640 : i32
    %mul3A_8 = arith.muli %arg1, %mul3A_7 : i32
    %add3A_9 = arith.constant 0 : i32
    %add3A_10 = arith.addi %mul3A_8, %add3A_9 : i32
    "tpu.region"() ({
      %run_scoped3A = tpu.sem_alloc : memref<!tpu.dma_semaphore, #tpu.memory_space<semaphore_mem>>
      %dma_start3A = arith.constant 0 : i32
      %dma_start3A_96 = tpu.memref_slice %arg9[%add3A_10, %dma_start3A] : memref<10240x128xf32, #tpu.memory_space<vmem_shared>> -> memref<128x128xf32, #tpu.memory_space<vmem_shared>>
      %dma_start3A_97 = arith.constant 0 : i32
      %dma_start3A_98 = tpu.memref_slice %arg9[%add3A_10, %dma_start3A_97] : memref<10240x128xf32, #tpu.memory_space<vmem_shared>> -> memref<128x128xf32, #tpu.memory_space<vmem_shared>>
      tpu.enqueue_dma source(%arg8 : memref<128x128xf32, #tpu.memory_space<vmem>>) target(%dma_start3A_98 : memref<128x128xf32, #tpu.memory_space<vmem_shared>>) target_semaphore(%run_scoped3A : memref<!tpu.dma_semaphore, #tpu.memory_space<semaphore_mem>>)
      %dma_wait3A = arith.constant 0 : i32
      %dma_wait3A_99 = tpu.memref_slice %arg9[%add3A_10, %dma_wait3A] : memref<10240x128xf32, #tpu.memory_space<vmem_shared>> -> memref<128x128xf32, #tpu.memory_space<vmem_shared>>
      %dma_wait3A_100 = arith.constant 0 : i32
      %dma_wait3A_101 = tpu.memref_slice %arg9[%add3A_10, %dma_wait3A_100] : memref<10240x128xf32, #tpu.memory_space<vmem_shared>> -> memref<128x128xf32, #tpu.memory_space<vmem_shared>>
      tpu.wait_dma2 semaphore(%run_scoped3A : memref<!tpu.dma_semaphore, #tpu.memory_space<semaphore_mem>>) src(%arg8 : memref<128x128xf32, #tpu.memory_space<vmem>>) dst(%dma_wait3A_101 : memref<128x128xf32, #tpu.memory_space<vmem_shared>>)
      tpu.yield
    }) : () -> ()
    %mul3A_11 = arith.constant 640 : i32
    %mul3A_12 = arith.muli %arg1, %mul3A_11 : i32
    %add3A_13 = arith.constant 128 : i32
    %add3A_14 = arith.addi %mul3A_12, %add3A_13 : i32
    "tpu.region"() ({
      %run_scoped3A = tpu.sem_alloc : memref<!tpu.dma_semaphore, #tpu.memory_space<semaphore_mem>>
      %dma_start3A = arith.constant 0 : i32
      %dma_start3A_96 = tpu.memref_slice %arg9[%add3A_14, %dma_start3A] : memref<10240x128xf32, #tpu.memory_space<vmem_shared>> -> memref<128x128xf32, #tpu.memory_space<vmem_shared>>
      %dma_start3A_97 = arith.constant 0 : i32
      %dma_start3A_98 = tpu.memref_slice %arg9[%add3A_14, %dma_start3A_97] : memref<10240x128xf32, #tpu.memory_space<vmem_shared>> -> memref<128x128xf32, #tpu.memory_space<vmem_shared>>
      tpu.enqueue_dma source(%arg8 : memref<128x128xf32, #tpu.memory_space<vmem>>) target(%dma_start3A_98 : memref<128x128xf32, #tpu.memory_space<vmem_shared>>) target_semaphore(%run_scoped3A : memref<!tpu.dma_semaphore, #tpu.memory_space<semaphore_mem>>)
      %dma_wait3A = arith.constant 0 : i32
      %dma_wait3A_99 = tpu.memref_slice %arg9[%add3A_14, %dma_wait3A] : memref<10240x128xf32, #tpu.memory_space<vmem_shared>> -> memref<128x128xf32, #tpu.memory_space<vmem_shared>>
      %dma_wait3A_100 = arith.constant 0 : i32
      %dma_wait3A_101 = tpu.memref_slice %arg9[%add3A_14, %dma_wait3A_100] : memref<10240x128xf32, #tpu.memory_space<vmem_shared>> -> memref<128x128xf32, #tpu.memory_space<vmem_shared>>
      tpu.wait_dma2 semaphore(%run_scoped3A : memref<!tpu.dma_semaphore, #tpu.memory_space<semaphore_mem>>) src(%arg8 : memref<128x128xf32, #tpu.memory_space<vmem>>) dst(%dma_wait3A_101 : memref<128x128xf32, #tpu.memory_space<vmem_shared>>)
      tpu.yield
    }) : () -> ()
    %mul3A_15 = arith.constant 640 : i32
    %mul3A_16 = arith.muli %arg1, %mul3A_15 : i32
    %add3A_17 = arith.constant 256 : i32
    %add3A_18 = arith.addi %mul3A_16, %add3A_17 : i32
    "tpu.region"() ({
      %run_scoped3A = tpu.sem_alloc : memref<!tpu.dma_semaphore, #tpu.memory_space<semaphore_mem>>
      %dma_start3A = arith.constant 0 : i32
      %dma_start3A_96 = tpu.memref_slice %arg9[%add3A_18, %dma_start3A] : memref<10240x128xf32, #tpu.memory_space<vmem_shared>> -> memref<128x128xf32, #tpu.memory_space<vmem_shared>>
      %dma_start3A_97 = arith.constant 0 : i32
      %dma_start3A_98 = tpu.memref_slice %arg9[%add3A_18, %dma_start3A_97] : memref<10240x128xf32, #tpu.memory_space<vmem_shared>> -> memref<128x128xf32, #tpu.memory_space<vmem_shared>>
      tpu.enqueue_dma source(%arg8 : memref<128x128xf32, #tpu.memory_space<vmem>>) target(%dma_start3A_98 : memref<128x128xf32, #tpu.memory_space<vmem_shared>>) target_semaphore(%run_scoped3A : memref<!tpu.dma_semaphore, #tpu.memory_space<semaphore_mem>>)
      %dma_wait3A = arith.constant 0 : i32
      %dma_wait3A_99 = tpu.memref_slice %arg9[%add3A_18, %dma_wait3A] : memref<10240x128xf32, #tpu.memory_space<vmem_shared>> -> memref<128x128xf32, #tpu.memory_space<vmem_shared>>
      %dma_wait3A_100 = arith.constant 0 : i32
      %dma_wait3A_101 = tpu.memref_slice %arg9[%add3A_18, %dma_wait3A_100] : memref<10240x128xf32, #tpu.memory_space<vmem_shared>> -> memref<128x128xf32, #tpu.memory_space<vmem_shared>>
      tpu.wait_dma2 semaphore(%run_scoped3A : memref<!tpu.dma_semaphore, #tpu.memory_space<semaphore_mem>>) src(%arg8 : memref<128x128xf32, #tpu.memory_space<vmem>>) dst(%dma_wait3A_101 : memref<128x128xf32, #tpu.memory_space<vmem_shared>>)
      tpu.yield
    }) : () -> ()
    %mul3A_19 = arith.constant 640 : i32
    %mul3A_20 = arith.muli %arg1, %mul3A_19 : i32
    %add3A_21 = arith.constant 384 : i32
    %add3A_22 = arith.addi %mul3A_20, %add3A_21 : i32
    "tpu.region"() ({
      %run_scoped3A = tpu.sem_alloc : memref<!tpu.dma_semaphore, #tpu.memory_space<semaphore_mem>>
      %dma_start3A = arith.constant 0 : i32
      %dma_start3A_96 = tpu.memref_slice %arg9[%add3A_22, %dma_start3A] : memref<10240x128xf32, #tpu.memory_space<vmem_shared>> -> memref<128x128xf32, #tpu.memory_space<vmem_shared>>
      %dma_start3A_97 = arith.constant 0 : i32
      %dma_start3A_98 = tpu.memref_slice %arg9[%add3A_22, %dma_start3A_97] : memref<10240x128xf32, #tpu.memory_space<vmem_shared>> -> memref<128x128xf32, #tpu.memory_space<vmem_shared>>
      tpu.enqueue_dma source(%arg8 : memref<128x128xf32, #tpu.memory_space<vmem>>) target(%dma_start3A_98 : memref<128x128xf32, #tpu.memory_space<vmem_shared>>) target_semaphore(%run_scoped3A : memref<!tpu.dma_semaphore, #tpu.memory_space<semaphore_mem>>)
      %dma_wait3A = arith.constant 0 : i32
      %dma_wait3A_99 = tpu.memref_slice %arg9[%add3A_22, %dma_wait3A] : memref<10240x128xf32, #tpu.memory_space<vmem_shared>> -> memref<128x128xf32, #tpu.memory_space<vmem_shared>>
      %dma_wait3A_100 = arith.constant 0 : i32
      %dma_wait3A_101 = tpu.memref_slice %arg9[%add3A_22, %dma_wait3A_100] : memref<10240x128xf32, #tpu.memory_space<vmem_shared>> -> memref<128x128xf32, #tpu.memory_space<vmem_shared>>
      tpu.wait_dma2 semaphore(%run_scoped3A : memref<!tpu.dma_semaphore, #tpu.memory_space<semaphore_mem>>) src(%arg8 : memref<128x128xf32, #tpu.memory_space<vmem>>) dst(%dma_wait3A_101 : memref<128x128xf32, #tpu.memory_space<vmem_shared>>)
      tpu.yield
    }) : () -> ()
    %mul3A_23 = arith.constant 640 : i32
    %mul3A_24 = arith.muli %arg1, %mul3A_23 : i32
    %add3A_25 = arith.constant 512 : i32
    %add3A_26 = arith.addi %mul3A_24, %add3A_25 : i32
    "tpu.region"() ({
      %run_scoped3A = tpu.sem_alloc : memref<!tpu.dma_semaphore, #tpu.memory_space<semaphore_mem>>
      %dma_start3A = arith.constant 0 : i32
      %dma_start3A_96 = tpu.memref_slice %arg9[%add3A_26, %dma_start3A] : memref<10240x128xf32, #tpu.memory_space<vmem_shared>> -> memref<128x128xf32, #tpu.memory_space<vmem_shared>>
      %dma_start3A_97 = arith.constant 0 : i32
      %dma_start3A_98 = tpu.memref_slice %arg9[%add3A_26, %dma_start3A_97] : memref<10240x128xf32, #tpu.memory_space<vmem_shared>> -> memref<128x128xf32, #tpu.memory_space<vmem_shared>>
      tpu.enqueue_dma source(%arg8 : memref<128x128xf32, #tpu.memory_space<vmem>>) target(%dma_start3A_98 : memref<128x128xf32, #tpu.memory_space<vmem_shared>>) target_semaphore(%run_scoped3A : memref<!tpu.dma_semaphore, #tpu.memory_space<semaphore_mem>>)
      %dma_wait3A = arith.constant 0 : i32
      %dma_wait3A_99 = tpu.memref_slice %arg9[%add3A_26, %dma_wait3A] : memref<10240x128xf32, #tpu.memory_space<vmem_shared>> -> memref<128x128xf32, #tpu.memory_space<vmem_shared>>
      %dma_wait3A_100 = arith.constant 0 : i32
      %dma_wait3A_101 = tpu.memref_slice %arg9[%add3A_26, %dma_wait3A_100] : memref<10240x128xf32, #tpu.memory_space<vmem_shared>> -> memref<128x128xf32, #tpu.memory_space<vmem_shared>>
      tpu.wait_dma2 semaphore(%run_scoped3A : memref<!tpu.dma_semaphore, #tpu.memory_space<semaphore_mem>>) src(%arg8 : memref<128x128xf32, #tpu.memory_space<vmem>>) dst(%dma_wait3A_101 : memref<128x128xf32, #tpu.memory_space<vmem_shared>>)
      tpu.yield
    }) : () -> ()
    %broadcast_in_dim3A_27 = arith.constant 1.000000e+00 : f32
    %broadcast_in_dim3A_28 = vector.broadcast %broadcast_in_dim3A_27 : f32 to vector<16xf32>
    %scan3A_29 = arith.constant 0 : i32
    %scan3A_30 = arith.constant 0 : i32
    %scan3A_31 = arith.constant 128 : i32
    %scan3A_32 = arith.addi %scan3A_30, %scan3A_31 : i32
    %scan3A_33 = arith.constant 1 : i32
    scf.for %scan3A_96 = %scan3A_30 to %scan3A_32 step %scan3A_33  : i32 {
      %swap3A = arith.index_cast %scan3A_96 : i32 to index
      %swap3A_97 = arith.constant 0 : index
      %swap3A_98 = tpu.vector_load %arg8[%swap3A, %swap3A_97] {strides = array<i32>} : memref<128x128xf32, #tpu.memory_space<vmem>>, vector<1x16xf32>,
      %swap3A_99 = vector.shape_cast %swap3A_98 : vector<1x16xf32> to vector<16xf32>
      %swap3A_100 = vector.shape_cast %broadcast_in_dim3A_28 : vector<16xf32> to vector<1x16xf32>
      tpu.vector_store %arg8[%swap3A, %swap3A_97], %swap3A_100 {strides = array<i32>} : memref<128x128xf32, #tpu.memory_space<vmem>>, vector<1x16xf32>,
      %swap3A_101 = arith.index_cast %scan3A_96 : i32 to index
      %swap3A_102 = arith.constant 16 : index
      %swap3A_103 = tpu.vector_load %arg8[%swap3A_101, %swap3A_102] {strides = array<i32>} : memref<128x128xf32, #tpu.memory_space<vmem>>, vector<1x16xf32>,
      %swap3A_104 = vector.shape_cast %swap3A_103 : vector<1x16xf32> to vector<16xf32>
      %swap3A_105 = vector.shape_cast %broadcast_in_dim3A_28 : vector<16xf32> to vector<1x16xf32>
      tpu.vector_store %arg8[%swap3A_101, %swap3A_102], %swap3A_105 {strides = array<i32>} : memref<128x128xf32, #tpu.memory_space<vmem>>, vector<1x16xf32>,
      %swap3A_106 = arith.index_cast %scan3A_96 : i32 to index
      %swap3A_107 = arith.constant 32 : index
      %swap3A_108 = tpu.vector_load %arg8[%swap3A_106, %swap3A_107] {strides = array<i32>} : memref<128x128xf32, #tpu.memory_space<vmem>>, vector<1x16xf32>,
      %swap3A_109 = vector.shape_cast %swap3A_108 : vector<1x16xf32> to vector<16xf32>
      %swap3A_110 = vector.shape_cast %broadcast_in_dim3A_28 : vector<16xf32> to vector<1x16xf32>
      tpu.vector_store %arg8[%swap3A_106, %swap3A_107], %swap3A_110 {strides = array<i32>} : memref<128x128xf32, #tpu.memory_space<vmem>>, vector<1x16xf32>,
      %swap3A_111 = arith.index_cast %scan3A_96 : i32 to index
      %swap3A_112 = arith.constant 48 : index
      %swap3A_113 = tpu.vector_load %arg8[%swap3A_111, %swap3A_112] {strides = array<i32>} : memref<128x128xf32, #tpu.memory_space<vmem>>, vector<1x16xf32>,
      %swap3A_114 = vector.shape_cast %swap3A_113 : vector<1x16xf32> to vector<16xf32>
      %swap3A_115 = vector.shape_cast %broadcast_in_dim3A_28 : vector<16xf32> to vector<1x16xf32>
      tpu.vector_store %arg8[%swap3A_111, %swap3A_112], %swap3A_115 {strides = array<i32>} : memref<128x128xf32, #tpu.memory_space<vmem>>, vector<1x16xf32>,
      %swap3A_116 = arith.index_cast %scan3A_96 : i32 to index
      %swap3A_117 = arith.constant 64 : index
      %swap3A_118 = tpu.vector_load %arg8[%swap3A_116, %swap3A_117] {strides = array<i32>} : memref<128x128xf32, #tpu.memory_space<vmem>>, vector<1x16xf32>,
      %swap3A_119 = vector.shape_cast %swap3A_118 : vector<1x16xf32> to vector<16xf32>
      %swap3A_120 = vector.shape_cast %broadcast_in_dim3A_28 : vector<16xf32> to vector<1x16xf32>
      tpu.vector_store %arg8[%swap3A_116, %swap3A_117], %swap3A_120 {strides = array<i32>} : memref<128x128xf32, #tpu.memory_space<vmem>>, vector<1x16xf32>,
      %swap3A_121 = arith.index_cast %scan3A_96 : i32 to index
      %swap3A_122 = arith.constant 80 : index
      %swap3A_123 = tpu.vector_load %arg8[%swap3A_121, %swap3A_122] {strides = array<i32>} : memref<128x128xf32, #tpu.memory_space<vmem>>, vector<1x16xf32>,
      %swap3A_124 = vector.shape_cast %swap3A_123 : vector<1x16xf32> to vector<16xf32>
      %swap3A_125 = vector.shape_cast %broadcast_in_dim3A_28 : vector<16xf32> to vector<1x16xf32>
      tpu.vector_store %arg8[%swap3A_121, %swap3A_122], %swap3A_125 {strides = array<i32>} : memref<128x128xf32, #tpu.memory_space<vmem>>, vector<1x16xf32>,
      %swap3A_126 = arith.index_cast %scan3A_96 : i32 to index
      %swap3A_127 = arith.constant 96 : index
      %swap3A_128 = tpu.vector_load %arg8[%swap3A_126, %swap3A_127] {strides = array<i32>} : memref<128x128xf32, #tpu.memory_space<vmem>>, vector<1x16xf32>,
      %swap3A_129 = vector.shape_cast %swap3A_128 : vector<1x16xf32> to vector<16xf32>
      %swap3A_130 = vector.shape_cast %broadcast_in_dim3A_28 : vector<16xf32> to vector<1x16xf32>
      tpu.vector_store %arg8[%swap3A_126, %swap3A_127], %swap3A_130 {strides = array<i32>} : memref<128x128xf32, #tpu.memory_space<vmem>>, vector<1x16xf32>,
      %swap3A_131 = arith.index_cast %scan3A_96 : i32 to index
      %swap3A_132 = arith.constant 112 : index
      %swap3A_133 = tpu.vector_load %arg8[%swap3A_131, %swap3A_132] {strides = array<i32>} : memref<128x128xf32, #tpu.memory_space<vmem>>, vector<1x16xf32>,
      %swap3A_134 = vector.shape_cast %swap3A_133 : vector<1x16xf32> to vector<16xf32>
      %swap3A_135 = vector.shape_cast %broadcast_in_dim3A_28 : vector<16xf32> to vector<1x16xf32>
      tpu.vector_store %arg8[%swap3A_131, %swap3A_132], %swap3A_135 {strides = array<i32>} : memref<128x128xf32, #tpu.memory_space<vmem>>, vector<1x16xf32>,
    }
    %scan3A_34 = arith.constant 128 : i32
    %barrier3A = arith.constant 0 : index
    tpu.barrier barrier_id(%barrier3A)
    %scan3A_35 = arith.constant 0 : i32
    %scan3A_36 = arith.constant 0 : i32
    %scan3A_37 = arith.constant 80 : i32
    %scan3A_38 = arith.addi %scan3A_36, %scan3A_37 : i32
    %scan3A_39 = arith.constant 1 : i32
    scf.for %scan3A_96 = %scan3A_36 to %scan3A_38 step %scan3A_39  : i32 {
      "tpu.region"() ({
        %run_scoped3A = tpu.sem_alloc : memref<!tpu.dma_semaphore, #tpu.memory_space<semaphore_mem>>
        %dma_start3A = arith.constant 0 : i32
        %dma_start3A_97 = tpu.memref_slice %arg6[%scan3A_96, %dma_start3A] : memref<80x128xi32, #tpu.memory_space<vmem>> -> memref<1x128xi32, #tpu.memory_space<vmem>>
        %dma_start3A_98 = tpu.memref_squeeze %dma_start3A_97 : memref<1x128xi32, #tpu.memory_space<vmem>> -> memref<128xi32, #tpu.memory_space<vmem>>
        %dma_start3A_99 = arith.constant 0 : i32
        %dma_start3A_100 = arith.constant 0 : i32
        %dma_start3A_101 = tpu.memref_slice %arg9[%dma_start3A_99, %dma_start3A_100] : memref<10240x128xf32, #tpu.memory_space<vmem_shared>> -> memref<10240x128xf32, #tpu.memory_space<vmem_shared>>
        tpu.enqueue_indirect_dma source(%arg8 : memref<128x128xf32, #tpu.memory_space<vmem>>) target(%dma_start3A_101 : memref<10240x128xf32, #tpu.memory_space<vmem_shared>>) offsets(%dma_start3A_98 : memref<128xi32, #tpu.memory_space<vmem>>) semaphore(%run_scoped3A : memref<!tpu.dma_semaphore, #tpu.memory_space<semaphore_mem>>) {add = true}
        %dma_wait3A = arith.constant 0 : i32
        %dma_wait3A_102 = tpu.memref_slice %arg6[%scan3A_96, %dma_wait3A] : memref<80x128xi32, #tpu.memory_space<vmem>> -> memref<1x128xi32, #tpu.memory_space<vmem>>
        %dma_wait3A_103 = tpu.memref_squeeze %dma_wait3A_102 : memref<1x128xi32, #tpu.memory_space<vmem>> -> memref<128xi32, #tpu.memory_space<vmem>>
        %dma_wait3A_104 = arith.constant 0 : i32
        %dma_wait3A_105 = arith.constant 0 : i32
        %dma_wait3A_106 = tpu.memref_slice %arg9[%dma_wait3A_104, %dma_wait3A_105] : memref<10240x128xf32, #tpu.memory_space<vmem_shared>> -> memref<10240x128xf32, #tpu.memory_space<vmem_shared>>
        tpu.wait_indirect_dma semaphore(%run_scoped3A : memref<!tpu.dma_semaphore, #tpu.memory_space<semaphore_mem>>) src(%arg8 : memref<128x128xf32, #tpu.memory_space<vmem>>) dst(%dma_wait3A_106 : memref<10240x128xf32, #tpu.memory_space<vmem_shared>>)
        tpu.yield
      }) : () -> ()
    }
    %scan3A_40 = arith.constant 80 : i32
    %barrier3A_41 = arith.constant 0 : index
    tpu.barrier barrier_id(%barrier3A_41)
    %mul3A_42 = arith.constant 640 : i32
    %mul3A_43 = arith.muli %arg1, %mul3A_42 : i32
    %mul3A_44 = arith.constant 640 : i32
    %mul3A_45 = arith.muli %arg1, %mul3A_44 : i32
    "tpu.region"() ({
      %run_scoped3A = tpu.sem_alloc : memref<!tpu.dma_semaphore, #tpu.memory_space<semaphore_mem>>
      %dma_start3A = arith.constant 0 : i32
      %dma_start3A_96 = tpu.memref_slice %arg4[%arg0, %mul3A_45, %dma_start3A] : memref<2x10240x128xf32, #tpu.memory_space<hbm>> -> memref<1x640x128xf32, #tpu.memory_space<hbm>>
      %dma_start3A_97 = tpu.memref_squeeze %dma_start3A_96 : memref<1x640x128xf32, #tpu.memory_space<hbm>> -> memref<640x128xf32, #tpu.memory_space<hbm>>
      %dma_start3A_98 = arith.constant 0 : i32
      %dma_start3A_99 = tpu.memref_slice %arg9[%mul3A_43, %dma_start3A_98] : memref<10240x128xf32, #tpu.memory_space<vmem_shared>> -> memref<640x128xf32, #tpu.memory_space<vmem_shared>>
      tpu.enqueue_dma source(%dma_start3A_99 : memref<640x128xf32, #tpu.memory_space<vmem_shared>>) target(%dma_start3A_97 : memref<640x128xf32, #tpu.memory_space<hbm>>) target_semaphore(%run_scoped3A : memref<!tpu.dma_semaphore, #tpu.memory_space<semaphore_mem>>)
      %dma_wait3A = arith.constant 0 : i32
      %dma_wait3A_100 = tpu.memref_slice %arg4[%arg0, %mul3A_45, %dma_wait3A] : memref<2x10240x128xf32, #tpu.memory_space<hbm>> -> memref<1x640x128xf32, #tpu.memory_space<hbm>>
      %dma_wait3A_101 = tpu.memref_squeeze %dma_wait3A_100 : memref<1x640x128xf32, #tpu.memory_space<hbm>> -> memref<640x128xf32, #tpu.memory_space<hbm>>
      %dma_wait3A_102 = arith.constant 0 : i32
      %dma_wait3A_103 = tpu.memref_slice %arg9[%mul3A_43, %dma_wait3A_102] : memref<10240x128xf32, #tpu.memory_space<vmem_shared>> -> memref<640x128xf32, #tpu.memory_space<vmem_shared>>
      tpu.wait_dma2 semaphore(%run_scoped3A : memref<!tpu.dma_semaphore, #tpu.memory_space<semaphore_mem>>) src(%dma_wait3A_103 : memref<640x128xf32, #tpu.memory_space<vmem_shared>>) dst(%dma_wait3A_101 : memref<640x128xf32, #tpu.memory_space<hbm>>)
      tpu.yield
    }) : () -> ()
    %barrier3A_46 = arith.constant 0 : index
    tpu.barrier barrier_id(%barrier3A_46)
    %broadcast_in_dim3A_47 = arith.constant 0.000000e+00 : f32
    %broadcast_in_dim3A_48 = vector.broadcast %broadcast_in_dim3A_47 : f32 to vector<16xf32>
    %scan3A_49 = arith.constant 0 : i32
    %scan3A_50 = arith.constant 0 : i32
    %scan3A_51 = arith.constant 128 : i32
    %scan3A_52 = arith.addi %scan3A_50, %scan3A_51 : i32
    %scan3A_53 = arith.constant 1 : i32
    scf.for %scan3A_96 = %scan3A_50 to %scan3A_52 step %scan3A_53  : i32 {
      %swap3A = arith.index_cast %scan3A_96 : i32 to index
      %swap3A_97 = arith.constant 0 : index
      %swap3A_98 = tpu.vector_load %arg8[%swap3A, %swap3A_97] {strides = array<i32>} : memref<128x128xf32, #tpu.memory_space<vmem>>, vector<1x16xf32>,
      %swap3A_99 = vector.shape_cast %swap3A_98 : vector<1x16xf32> to vector<16xf32>
      %swap3A_100 = vector.shape_cast %broadcast_in_dim3A_48 : vector<16xf32> to vector<1x16xf32>
      tpu.vector_store %arg8[%swap3A, %swap3A_97], %swap3A_100 {strides = array<i32>} : memref<128x128xf32, #tpu.memory_space<vmem>>, vector<1x16xf32>,
      %swap3A_101 = arith.index_cast %scan3A_96 : i32 to index
      %swap3A_102 = arith.constant 16 : index
      %swap3A_103 = tpu.vector_load %arg8[%swap3A_101, %swap3A_102] {strides = array<i32>} : memref<128x128xf32, #tpu.memory_space<vmem>>, vector<1x16xf32>,
      %swap3A_104 = vector.shape_cast %swap3A_103 : vector<1x16xf32> to vector<16xf32>
      %swap3A_105 = vector.shape_cast %broadcast_in_dim3A_48 : vector<16xf32> to vector<1x16xf32>
      tpu.vector_store %arg8[%swap3A_101, %swap3A_102], %swap3A_105 {strides = array<i32>} : memref<128x128xf32, #tpu.memory_space<vmem>>, vector<1x16xf32>,
      %swap3A_106 = arith.index_cast %scan3A_96 : i32 to index
      %swap3A_107 = arith.constant 32 : index
      %swap3A_108 = tpu.vector_load %arg8[%swap3A_106, %swap3A_107] {strides = array<i32>} : memref<128x128xf32, #tpu.memory_space<vmem>>, vector<1x16xf32>,
      %swap3A_109 = vector.shape_cast %swap3A_108 : vector<1x16xf32> to vector<16xf32>
      %swap3A_110 = vector.shape_cast %broadcast_in_dim3A_48 : vector<16xf32> to vector<1x16xf32>
      tpu.vector_store %arg8[%swap3A_106, %swap3A_107], %swap3A_110 {strides = array<i32>} : memref<128x128xf32, #tpu.memory_space<vmem>>, vector<1x16xf32>,
      %swap3A_111 = arith.index_cast %scan3A_96 : i32 to index
      %swap3A_112 = arith.constant 48 : index
      %swap3A_113 = tpu.vector_load %arg8[%swap3A_111, %swap3A_112] {strides = array<i32>} : memref<128x128xf32, #tpu.memory_space<vmem>>, vector<1x16xf32>,
      %swap3A_114 = vector.shape_cast %swap3A_113 : vector<1x16xf32> to vector<16xf32>
      %swap3A_115 = vector.shape_cast %broadcast_in_dim3A_48 : vector<16xf32> to vector<1x16xf32>
      tpu.vector_store %arg8[%swap3A_111, %swap3A_112], %swap3A_115 {strides = array<i32>} : memref<128x128xf32, #tpu.memory_space<vmem>>, vector<1x16xf32>,
      %swap3A_116 = arith.index_cast %scan3A_96 : i32 to index
      %swap3A_117 = arith.constant 64 : index
      %swap3A_118 = tpu.vector_load %arg8[%swap3A_116, %swap3A_117] {strides = array<i32>} : memref<128x128xf32, #tpu.memory_space<vmem>>, vector<1x16xf32>,
      %swap3A_119 = vector.shape_cast %swap3A_118 : vector<1x16xf32> to vector<16xf32>
      %swap3A_120 = vector.shape_cast %broadcast_in_dim3A_48 : vector<16xf32> to vector<1x16xf32>
      tpu.vector_store %arg8[%swap3A_116, %swap3A_117], %swap3A_120 {strides = array<i32>} : memref<128x128xf32, #tpu.memory_space<vmem>>, vector<1x16xf32>,
      %swap3A_121 = arith.index_cast %scan3A_96 : i32 to index
      %swap3A_122 = arith.constant 80 : index
      %swap3A_123 = tpu.vector_load %arg8[%swap3A_121, %swap3A_122] {strides = array<i32>} : memref<128x128xf32, #tpu.memory_space<vmem>>, vector<1x16xf32>,
      %swap3A_124 = vector.shape_cast %swap3A_123 : vector<1x16xf32> to vector<16xf32>
      %swap3A_125 = vector.shape_cast %broadcast_in_dim3A_48 : vector<16xf32> to vector<1x16xf32>
      tpu.vector_store %arg8[%swap3A_121, %swap3A_122], %swap3A_125 {strides = array<i32>} : memref<128x128xf32, #tpu.memory_space<vmem>>, vector<1x16xf32>,
      %swap3A_126 = arith.index_cast %scan3A_96 : i32 to index
      %swap3A_127 = arith.constant 96 : index
      %swap3A_128 = tpu.vector_load %arg8[%swap3A_126, %swap3A_127] {strides = array<i32>} : memref<128x128xf32, #tpu.memory_space<vmem>>, vector<1x16xf32>,
      %swap3A_129 = vector.shape_cast %swap3A_128 : vector<1x16xf32> to vector<16xf32>
      %swap3A_130 = vector.shape_cast %broadcast_in_dim3A_48 : vector<16xf32> to vector<1x16xf32>
      tpu.vector_store %arg8[%swap3A_126, %swap3A_127], %swap3A_130 {strides = array<i32>} : memref<128x128xf32, #tpu.memory_space<vmem>>, vector<1x16xf32>,
      %swap3A_131 = arith.index_cast %scan3A_96 : i32 to index
      %swap3A_132 = arith.constant 112 : index
      %swap3A_133 = tpu.vector_load %arg8[%swap3A_131, %swap3A_132] {strides = array<i32>} : memref<128x128xf32, #tpu.memory_space<vmem>>, vector<1x16xf32>,
      %swap3A_134 = vector.shape_cast %swap3A_133 : vector<1x16xf32> to vector<16xf32>
      %swap3A_135 = vector.shape_cast %broadcast_in_dim3A_48 : vector<16xf32> to vector<1x16xf32>
      tpu.vector_store %arg8[%swap3A_131, %swap3A_132], %swap3A_135 {strides = array<i32>} : memref<128x128xf32, #tpu.memory_space<vmem>>, vector<1x16xf32>,
    }
    %scan3A_54 = arith.constant 128 : i32
    %mul3A_55 = arith.constant 640 : i32
    %mul3A_56 = arith.muli %arg1, %mul3A_55 : i32
    %add3A_57 = arith.constant 0 : i32
    %add3A_58 = arith.addi %mul3A_56, %add3A_57 : i32
    "tpu.region"() ({
      %run_scoped3A = tpu.sem_alloc : memref<!tpu.dma_semaphore, #tpu.memory_space<semaphore_mem>>
      %dma_start3A = arith.constant 0 : i32
      %dma_start3A_96 = tpu.memref_slice %arg9[%add3A_58, %dma_start3A] : memref<10240x128xf32, #tpu.memory_space<vmem_shared>> -> memref<128x128xf32, #tpu.memory_space<vmem_shared>>
      %dma_start3A_97 = arith.constant 0 : i32
      %dma_start3A_98 = tpu.memref_slice %arg9[%add3A_58, %dma_start3A_97] : memref<10240x128xf32, #tpu.memory_space<vmem_shared>> -> memref<128x128xf32, #tpu.memory_space<vmem_shared>>
      tpu.enqueue_dma source(%arg8 : memref<128x128xf32, #tpu.memory_space<vmem>>) target(%dma_start3A_98 : memref<128x128xf32, #tpu.memory_space<vmem_shared>>) target_semaphore(%run_scoped3A : memref<!tpu.dma_semaphore, #tpu.memory_space<semaphore_mem>>)
      %dma_wait3A = arith.constant 0 : i32
      %dma_wait3A_99 = tpu.memref_slice %arg9[%add3A_58, %dma_wait3A] : memref<10240x128xf32, #tpu.memory_space<vmem_shared>> -> memref<128x128xf32, #tpu.memory_space<vmem_shared>>
      %dma_wait3A_100 = arith.constant 0 : i32
      %dma_wait3A_101 = tpu.memref_slice %arg9[%add3A_58, %dma_wait3A_100] : memref<10240x128xf32, #tpu.memory_space<vmem_shared>> -> memref<128x128xf32, #tpu.memory_space<vmem_shared>>
      tpu.wait_dma2 semaphore(%run_scoped3A : memref<!tpu.dma_semaphore, #tpu.memory_space<semaphore_mem>>) src(%arg8 : memref<128x128xf32, #tpu.memory_space<vmem>>) dst(%dma_wait3A_101 : memref<128x128xf32, #tpu.memory_space<vmem_shared>>)
      tpu.yield
    }) : () -> ()
    %mul3A_59 = arith.constant 640 : i32
    %mul3A_60 = arith.muli %arg1, %mul3A_59 : i32
    %add3A_61 = arith.constant 128 : i32
    %add3A_62 = arith.addi %mul3A_60, %add3A_61 : i32
    "tpu.region"() ({
      %run_scoped3A = tpu.sem_alloc : memref<!tpu.dma_semaphore, #tpu.memory_space<semaphore_mem>>
      %dma_start3A = arith.constant 0 : i32
      %dma_start3A_96 = tpu.memref_slice %arg9[%add3A_62, %dma_start3A] : memref<10240x128xf32, #tpu.memory_space<vmem_shared>> -> memref<128x128xf32, #tpu.memory_space<vmem_shared>>
      %dma_start3A_97 = arith.constant 0 : i32
      %dma_start3A_98 = tpu.memref_slice %arg9[%add3A_62, %dma_start3A_97] : memref<10240x128xf32, #tpu.memory_space<vmem_shared>> -> memref<128x128xf32, #tpu.memory_space<vmem_shared>>
      tpu.enqueue_dma source(%arg8 : memref<128x128xf32, #tpu.memory_space<vmem>>) target(%dma_start3A_98 : memref<128x128xf32, #tpu.memory_space<vmem_shared>>) target_semaphore(%run_scoped3A : memref<!tpu.dma_semaphore, #tpu.memory_space<semaphore_mem>>)
      %dma_wait3A = arith.constant 0 : i32
      %dma_wait3A_99 = tpu.memref_slice %arg9[%add3A_62, %dma_wait3A] : memref<10240x128xf32, #tpu.memory_space<vmem_shared>> -> memref<128x128xf32, #tpu.memory_space<vmem_shared>>
      %dma_wait3A_100 = arith.constant 0 : i32
      %dma_wait3A_101 = tpu.memref_slice %arg9[%add3A_62, %dma_wait3A_100] : memref<10240x128xf32, #tpu.memory_space<vmem_shared>> -> memref<128x128xf32, #tpu.memory_space<vmem_shared>>
      tpu.wait_dma2 semaphore(%run_scoped3A : memref<!tpu.dma_semaphore, #tpu.memory_space<semaphore_mem>>) src(%arg8 : memref<128x128xf32, #tpu.memory_space<vmem>>) dst(%dma_wait3A_101 : memref<128x128xf32, #tpu.memory_space<vmem_shared>>)
      tpu.yield
    }) : () -> ()
    %mul3A_63 = arith.constant 640 : i32
    %mul3A_64 = arith.muli %arg1, %mul3A_63 : i32
    %add3A_65 = arith.constant 256 : i32
    %add3A_66 = arith.addi %mul3A_64, %add3A_65 : i32
    "tpu.region"() ({
      %run_scoped3A = tpu.sem_alloc : memref<!tpu.dma_semaphore, #tpu.memory_space<semaphore_mem>>
      %dma_start3A = arith.constant 0 : i32
      %dma_start3A_96 = tpu.memref_slice %arg9[%add3A_66, %dma_start3A] : memref<10240x128xf32, #tpu.memory_space<vmem_shared>> -> memref<128x128xf32, #tpu.memory_space<vmem_shared>>
      %dma_start3A_97 = arith.constant 0 : i32
      %dma_start3A_98 = tpu.memref_slice %arg9[%add3A_66, %dma_start3A_97] : memref<10240x128xf32, #tpu.memory_space<vmem_shared>> -> memref<128x128xf32, #tpu.memory_space<vmem_shared>>
      tpu.enqueue_dma source(%arg8 : memref<128x128xf32, #tpu.memory_space<vmem>>) target(%dma_start3A_98 : memref<128x128xf32, #tpu.memory_space<vmem_shared>>) target_semaphore(%run_scoped3A : memref<!tpu.dma_semaphore, #tpu.memory_space<semaphore_mem>>)
      %dma_wait3A = arith.constant 0 : i32
      %dma_wait3A_99 = tpu.memref_slice %arg9[%add3A_66, %dma_wait3A] : memref<10240x128xf32, #tpu.memory_space<vmem_shared>> -> memref<128x128xf32, #tpu.memory_space<vmem_shared>>
      %dma_wait3A_100 = arith.constant 0 : i32
      %dma_wait3A_101 = tpu.memref_slice %arg9[%add3A_66, %dma_wait3A_100] : memref<10240x128xf32, #tpu.memory_space<vmem_shared>> -> memref<128x128xf32, #tpu.memory_space<vmem_shared>>
      tpu.wait_dma2 semaphore(%run_scoped3A : memref<!tpu.dma_semaphore, #tpu.memory_space<semaphore_mem>>) src(%arg8 : memref<128x128xf32, #tpu.memory_space<vmem>>) dst(%dma_wait3A_101 : memref<128x128xf32, #tpu.memory_space<vmem_shared>>)
      tpu.yield
    }) : () -> ()
    %mul3A_67 = arith.constant 640 : i32
    %mul3A_68 = arith.muli %arg1, %mul3A_67 : i32
    %add3A_69 = arith.constant 384 : i32
    %add3A_70 = arith.addi %mul3A_68, %add3A_69 : i32
    "tpu.region"() ({
      %run_scoped3A = tpu.sem_alloc : memref<!tpu.dma_semaphore, #tpu.memory_space<semaphore_mem>>
      %dma_start3A = arith.constant 0 : i32
      %dma_start3A_96 = tpu.memref_slice %arg9[%add3A_70, %dma_start3A] : memref<10240x128xf32, #tpu.memory_space<vmem_shared>> -> memref<128x128xf32, #tpu.memory_space<vmem_shared>>
      %dma_start3A_97 = arith.constant 0 : i32
      %dma_start3A_98 = tpu.memref_slice %arg9[%add3A_70, %dma_start3A_97] : memref<10240x128xf32, #tpu.memory_space<vmem_shared>> -> memref<128x128xf32, #tpu.memory_space<vmem_shared>>
      tpu.enqueue_dma source(%arg8 : memref<128x128xf32, #tpu.memory_space<vmem>>) target(%dma_start3A_98 : memref<128x128xf32, #tpu.memory_space<vmem_shared>>) target_semaphore(%run_scoped3A : memref<!tpu.dma_semaphore, #tpu.memory_space<semaphore_mem>>)
      %dma_wait3A = arith.constant 0 : i32
      %dma_wait3A_99 = tpu.memref_slice %arg9[%add3A_70, %dma_wait3A] : memref<10240x128xf32, #tpu.memory_space<vmem_shared>> -> memref<128x128xf32, #tpu.memory_space<vmem_shared>>
      %dma_wait3A_100 = arith.constant 0 : i32
      %dma_wait3A_101 = tpu.memref_slice %arg9[%add3A_70, %dma_wait3A_100] : memref<10240x128xf32, #tpu.memory_space<vmem_shared>> -> memref<128x128xf32, #tpu.memory_space<vmem_shared>>
      tpu.wait_dma2 semaphore(%run_scoped3A : memref<!tpu.dma_semaphore, #tpu.memory_space<semaphore_mem>>) src(%arg8 : memref<128x128xf32, #tpu.memory_space<vmem>>) dst(%dma_wait3A_101 : memref<128x128xf32, #tpu.memory_space<vmem_shared>>)
      tpu.yield
    }) : () -> ()
    %mul3A_71 = arith.constant 640 : i32
    %mul3A_72 = arith.muli %arg1, %mul3A_71 : i32
    %add3A_73 = arith.constant 512 : i32
    %add3A_74 = arith.addi %mul3A_72, %add3A_73 : i32
    "tpu.region"() ({
      %run_scoped3A = tpu.sem_alloc : memref<!tpu.dma_semaphore, #tpu.memory_space<semaphore_mem>>
      %dma_start3A = arith.constant 0 : i32
      %dma_start3A_96 = tpu.memref_slice %arg9[%add3A_74, %dma_start3A] : memref<10240x128xf32, #tpu.memory_space<vmem_shared>> -> memref<128x128xf32, #tpu.memory_space<vmem_shared>>
      %dma_start3A_97 = arith.constant 0 : i32
      %dma_start3A_98 = tpu.memref_slice %arg9[%add3A_74, %dma_start3A_97] : memref<10240x128xf32, #tpu.memory_space<vmem_shared>> -> memref<128x128xf32, #tpu.memory_space<vmem_shared>>
      tpu.enqueue_dma source(%arg8 : memref<128x128xf32, #tpu.memory_space<vmem>>) target(%dma_start3A_98 : memref<128x128xf32, #tpu.memory_space<vmem_shared>>) target_semaphore(%run_scoped3A : memref<!tpu.dma_semaphore, #tpu.memory_space<semaphore_mem>>)
      %dma_wait3A = arith.constant 0 : i32
      %dma_wait3A_99 = tpu.memref_slice %arg9[%add3A_74, %dma_wait3A] : memref<10240x128xf32, #tpu.memory_space<vmem_shared>> -> memref<128x128xf32, #tpu.memory_space<vmem_shared>>
      %dma_wait3A_100 = arith.constant 0 : i32
      %dma_wait3A_101 = tpu.memref_slice %arg9[%add3A_74, %dma_wait3A_100] : memref<10240x128xf32, #tpu.memory_space<vmem_shared>> -> memref<128x128xf32, #tpu.memory_space<vmem_shared>>
      tpu.wait_dma2 semaphore(%run_scoped3A : memref<!tpu.dma_semaphore, #tpu.memory_space<semaphore_mem>>) src(%arg8 : memref<128x128xf32, #tpu.memory_space<vmem>>) dst(%dma_wait3A_101 : memref<128x128xf32, #tpu.memory_space<vmem_shared>>)
      tpu.yield
    }) : () -> ()
    %broadcast_in_dim3A_75 = arith.constant 1.000000e+00 : f32
    %broadcast_in_dim3A_76 = vector.broadcast %broadcast_in_dim3A_75 : f32 to vector<16xf32>
    %scan3A_77 = arith.constant 0 : i32
    %scan3A_78 = arith.constant 0 : i32
    %scan3A_79 = arith.constant 128 : i32
    %scan3A_80 = arith.addi %scan3A_78, %scan3A_79 : i32
    %scan3A_81 = arith.constant 1 : i32
    scf.for %scan3A_96 = %scan3A_78 to %scan3A_80 step %scan3A_81  : i32 {
      %swap3A = arith.index_cast %scan3A_96 : i32 to index
      %swap3A_97 = arith.constant 0 : index
      %swap3A_98 = tpu.vector_load %arg8[%swap3A, %swap3A_97] {strides = array<i32>} : memref<128x128xf32, #tpu.memory_space<vmem>>, vector<1x16xf32>,
      %swap3A_99 = vector.shape_cast %swap3A_98 : vector<1x16xf32> to vector<16xf32>
      %swap3A_100 = vector.shape_cast %broadcast_in_dim3A_76 : vector<16xf32> to vector<1x16xf32>
      tpu.vector_store %arg8[%swap3A, %swap3A_97], %swap3A_100 {strides = array<i32>} : memref<128x128xf32, #tpu.memory_space<vmem>>, vector<1x16xf32>,
      %swap3A_101 = arith.index_cast %scan3A_96 : i32 to index
      %swap3A_102 = arith.constant 16 : index
      %swap3A_103 = tpu.vector_load %arg8[%swap3A_101, %swap3A_102] {strides = array<i32>} : memref<128x128xf32, #tpu.memory_space<vmem>>, vector<1x16xf32>,
      %swap3A_104 = vector.shape_cast %swap3A_103 : vector<1x16xf32> to vector<16xf32>
      %swap3A_105 = vector.shape_cast %broadcast_in_dim3A_76 : vector<16xf32> to vector<1x16xf32>
      tpu.vector_store %arg8[%swap3A_101, %swap3A_102], %swap3A_105 {strides = array<i32>} : memref<128x128xf32, #tpu.memory_space<vmem>>, vector<1x16xf32>,
      %swap3A_106 = arith.index_cast %scan3A_96 : i32 to index
      %swap3A_107 = arith.constant 32 : index
      %swap3A_108 = tpu.vector_load %arg8[%swap3A_106, %swap3A_107] {strides = array<i32>} : memref<128x128xf32, #tpu.memory_space<vmem>>, vector<1x16xf32>,
      %swap3A_109 = vector.shape_cast %swap3A_108 : vector<1x16xf32> to vector<16xf32>
      %swap3A_110 = vector.shape_cast %broadcast_in_dim3A_76 : vector<16xf32> to vector<1x16xf32>
      tpu.vector_store %arg8[%swap3A_106, %swap3A_107], %swap3A_110 {strides = array<i32>} : memref<128x128xf32, #tpu.memory_space<vmem>>, vector<1x16xf32>,
      %swap3A_111 = arith.index_cast %scan3A_96 : i32 to index
      %swap3A_112 = arith.constant 48 : index
      %swap3A_113 = tpu.vector_load %arg8[%swap3A_111, %swap3A_112] {strides = array<i32>} : memref<128x128xf32, #tpu.memory_space<vmem>>, vector<1x16xf32>,
      %swap3A_114 = vector.shape_cast %swap3A_113 : vector<1x16xf32> to vector<16xf32>
      %swap3A_115 = vector.shape_cast %broadcast_in_dim3A_76 : vector<16xf32> to vector<1x16xf32>
      tpu.vector_store %arg8[%swap3A_111, %swap3A_112], %swap3A_115 {strides = array<i32>} : memref<128x128xf32, #tpu.memory_space<vmem>>, vector<1x16xf32>,
      %swap3A_116 = arith.index_cast %scan3A_96 : i32 to index
      %swap3A_117 = arith.constant 64 : index
      %swap3A_118 = tpu.vector_load %arg8[%swap3A_116, %swap3A_117] {strides = array<i32>} : memref<128x128xf32, #tpu.memory_space<vmem>>, vector<1x16xf32>,
      %swap3A_119 = vector.shape_cast %swap3A_118 : vector<1x16xf32> to vector<16xf32>
      %swap3A_120 = vector.shape_cast %broadcast_in_dim3A_76 : vector<16xf32> to vector<1x16xf32>
      tpu.vector_store %arg8[%swap3A_116, %swap3A_117], %swap3A_120 {strides = array<i32>} : memref<128x128xf32, #tpu.memory_space<vmem>>, vector<1x16xf32>,
      %swap3A_121 = arith.index_cast %scan3A_96 : i32 to index
      %swap3A_122 = arith.constant 80 : index
      %swap3A_123 = tpu.vector_load %arg8[%swap3A_121, %swap3A_122] {strides = array<i32>} : memref<128x128xf32, #tpu.memory_space<vmem>>, vector<1x16xf32>,
      %swap3A_124 = vector.shape_cast %swap3A_123 : vector<1x16xf32> to vector<16xf32>
      %swap3A_125 = vector.shape_cast %broadcast_in_dim3A_76 : vector<16xf32> to vector<1x16xf32>
      tpu.vector_store %arg8[%swap3A_121, %swap3A_122], %swap3A_125 {strides = array<i32>} : memref<128x128xf32, #tpu.memory_space<vmem>>, vector<1x16xf32>,
      %swap3A_126 = arith.index_cast %scan3A_96 : i32 to index
      %swap3A_127 = arith.constant 96 : index
      %swap3A_128 = tpu.vector_load %arg8[%swap3A_126, %swap3A_127] {strides = array<i32>} : memref<128x128xf32, #tpu.memory_space<vmem>>, vector<1x16xf32>,
      %swap3A_129 = vector.shape_cast %swap3A_128 : vector<1x16xf32> to vector<16xf32>
      %swap3A_130 = vector.shape_cast %broadcast_in_dim3A_76 : vector<16xf32> to vector<1x16xf32>
      tpu.vector_store %arg8[%swap3A_126, %swap3A_127], %swap3A_130 {strides = array<i32>} : memref<128x128xf32, #tpu.memory_space<vmem>>, vector<1x16xf32>,
      %swap3A_131 = arith.index_cast %scan3A_96 : i32 to index
      %swap3A_132 = arith.constant 112 : index
      %swap3A_133 = tpu.vector_load %arg8[%swap3A_131, %swap3A_132] {strides = array<i32>} : memref<128x128xf32, #tpu.memory_space<vmem>>, vector<1x16xf32>,
      %swap3A_134 = vector.shape_cast %swap3A_133 : vector<1x16xf32> to vector<16xf32>
      %swap3A_135 = vector.shape_cast %broadcast_in_dim3A_76 : vector<16xf32> to vector<1x16xf32>
      tpu.vector_store %arg8[%swap3A_131, %swap3A_132], %swap3A_135 {strides = array<i32>} : memref<128x128xf32, #tpu.memory_space<vmem>>, vector<1x16xf32>,
    }
    %scan3A_82 = arith.constant 128 : i32
    %barrier3A_83 = arith.constant 0 : index
    tpu.barrier barrier_id(%barrier3A_83)
    %scan3A_84 = arith.constant 0 : i32
    %scan3A_85 = arith.constant 0 : i32
    %scan3A_86 = arith.constant 80 : i32
    %scan3A_87 = arith.addi %scan3A_85, %scan3A_86 : i32
    %scan3A_88 = arith.constant 1 : i32
    scf.for %scan3A_96 = %scan3A_85 to %scan3A_87 step %scan3A_88  : i32 {
      "tpu.region"() ({
        %run_scoped3A = tpu.sem_alloc : memref<!tpu.dma_semaphore, #tpu.memory_space<semaphore_mem>>
        %dma_start3A = arith.constant 0 : i32
        %dma_start3A_97 = tpu.memref_slice %arg7[%scan3A_96, %dma_start3A] : memref<80x128xi32, #tpu.memory_space<vmem>> -> memref<1x128xi32, #tpu.memory_space<vmem>>
        %dma_start3A_98 = tpu.memref_squeeze %dma_start3A_97 : memref<1x128xi32, #tpu.memory_space<vmem>> -> memref<128xi32, #tpu.memory_space<vmem>>
        %dma_start3A_99 = arith.constant 0 : i32
        %dma_start3A_100 = arith.constant 0 : i32
        %dma_start3A_101 = tpu.memref_slice %arg9[%dma_start3A_99, %dma_start3A_100] : memref<10240x128xf32, #tpu.memory_space<vmem_shared>> -> memref<10240x128xf32, #tpu.memory_space<vmem_shared>>
        tpu.enqueue_indirect_dma source(%arg8 : memref<128x128xf32, #tpu.memory_space<vmem>>) target(%dma_start3A_101 : memref<10240x128xf32, #tpu.memory_space<vmem_shared>>) offsets(%dma_start3A_98 : memref<128xi32, #tpu.memory_space<vmem>>) semaphore(%run_scoped3A : memref<!tpu.dma_semaphore, #tpu.memory_space<semaphore_mem>>) {add = true}
        %dma_wait3A = arith.constant 0 : i32
        %dma_wait3A_102 = tpu.memref_slice %arg7[%scan3A_96, %dma_wait3A] : memref<80x128xi32, #tpu.memory_space<vmem>> -> memref<1x128xi32, #tpu.memory_space<vmem>>
        %dma_wait3A_103 = tpu.memref_squeeze %dma_wait3A_102 : memref<1x128xi32, #tpu.memory_space<vmem>> -> memref<128xi32, #tpu.memory_space<vmem>>
        %dma_wait3A_104 = arith.constant 0 : i32
        %dma_wait3A_105 = arith.constant 0 : i32
        %dma_wait3A_106 = tpu.memref_slice %arg9[%dma_wait3A_104, %dma_wait3A_105] : memref<10240x128xf32, #tpu.memory_space<vmem_shared>> -> memref<10240x128xf32, #tpu.memory_space<vmem_shared>>
        tpu.wait_indirect_dma semaphore(%run_scoped3A : memref<!tpu.dma_semaphore, #tpu.memory_space<semaphore_mem>>) src(%arg8 : memref<128x128xf32, #tpu.memory_space<vmem>>) dst(%dma_wait3A_106 : memref<10240x128xf32, #tpu.memory_space<vmem_shared>>)
        tpu.yield
      }) : () -> ()
    }
    %scan3A_89 = arith.constant 80 : i32
    %barrier3A_90 = arith.constant 0 : index
    tpu.barrier barrier_id(%barrier3A_90)
    %mul3A_91 = arith.constant 640 : i32
    %mul3A_92 = arith.muli %arg1, %mul3A_91 : i32
    %mul3A_93 = arith.constant 640 : i32
    %mul3A_94 = arith.muli %arg1, %mul3A_93 : i32
    "tpu.region"() ({
      %run_scoped3A = tpu.sem_alloc : memref<!tpu.dma_semaphore, #tpu.memory_space<semaphore_mem>>
      %dma_start3A = arith.constant 0 : i32
      %dma_start3A_96 = tpu.memref_slice %arg5[%arg0, %mul3A_94, %dma_start3A] : memref<2x10240x128xf32, #tpu.memory_space<hbm>> -> memref<1x640x128xf32, #tpu.memory_space<hbm>>
      %dma_start3A_97 = tpu.memref_squeeze %dma_start3A_96 : memref<1x640x128xf32, #tpu.memory_space<hbm>> -> memref<640x128xf32, #tpu.memory_space<hbm>>
      %dma_start3A_98 = arith.constant 0 : i32
      %dma_start3A_99 = tpu.memref_slice %arg9[%mul3A_92, %dma_start3A_98] : memref<10240x128xf32, #tpu.memory_space<vmem_shared>> -> memref<640x128xf32, #tpu.memory_space<vmem_shared>>
      tpu.enqueue_dma source(%dma_start3A_99 : memref<640x128xf32, #tpu.memory_space<vmem_shared>>) target(%dma_start3A_97 : memref<640x128xf32, #tpu.memory_space<hbm>>) target_semaphore(%run_scoped3A : memref<!tpu.dma_semaphore, #tpu.memory_space<semaphore_mem>>)
      %dma_wait3A = arith.constant 0 : i32
      %dma_wait3A_100 = tpu.memref_slice %arg5[%arg0, %mul3A_94, %dma_wait3A] : memref<2x10240x128xf32, #tpu.memory_space<hbm>> -> memref<1x640x128xf32, #tpu.memory_space<hbm>>
      %dma_wait3A_101 = tpu.memref_squeeze %dma_wait3A_100 : memref<1x640x128xf32, #tpu.memory_space<hbm>> -> memref<640x128xf32, #tpu.memory_space<hbm>>
      %dma_wait3A_102 = arith.constant 0 : i32
      %dma_wait3A_103 = tpu.memref_slice %arg9[%mul3A_92, %dma_wait3A_102] : memref<10240x128xf32, #tpu.memory_space<vmem_shared>> -> memref<640x128xf32, #tpu.memory_space<vmem_shared>>
      tpu.wait_dma2 semaphore(%run_scoped3A : memref<!tpu.dma_semaphore, #tpu.memory_space<semaphore_mem>>) src(%dma_wait3A_103 : memref<640x128xf32, #tpu.memory_space<vmem_shared>>) dst(%dma_wait3A_101 : memref<640x128xf32, #tpu.memory_space<hbm>>)
      tpu.yield
    }) : () -> ()
    %barrier3A_95 = arith.constant 0 : index
    tpu.barrier barrier_id(%barrier3A_95)
    return
  }
}

#map = affine_map<(d0, d1) -> (0, 0)>
#map1 = affine_map<(d0, d1) -> (0, 0, 0)>
module attributes {stable_mosaic.version = 14 : i64} {
  func.func @agg(%arg0: i32, %arg1: i32, %arg2: memref<10240x128xf32, #tpu.memory_space<hbm>>, %arg3: memref<32x80x128xi32, #tpu.memory_space<hbm>>, %arg4: memref<32x80x128xi32, #tpu.memory_space<hbm>>, %arg5: memref<2x10240x128xf32, #tpu.memory_space<hbm>>, %arg6: memref<80x128xi32, #tpu.memory_space<vmem>>, %arg7: memref<2x128xi32, #tpu.memory_space<vmem>>, %arg8: memref<128x128xf32, #tpu.memory_space<vmem>>, %arg9: memref<128x128xf32, #tpu.memory_space<vmem>>, %arg10: memref<!tpu.dma_semaphore, #tpu.memory_space<semaphore_mem>>, %arg11: memref<!tpu.dma_semaphore, #tpu.memory_space<semaphore_mem>>, %arg12: memref<!tpu.dma_semaphore, #tpu.memory_space<semaphore_mem>>, %arg13: memref<!tpu.dma_semaphore, #tpu.memory_space<semaphore_mem>>, %arg14: memref<10240x128xf32, #tpu.memory_space<vmem_shared>>) attributes {dimension_semantics = [#tpu.dimension_semantics<core_parallel>, #tpu.dimension_semantics<subcore_parallel>], iteration_bounds = array<i64: 2, 16>, scalar_prefetch = 0 : i64, scratch_operands = 9 : i64, tpu.core_type = #tpu.core_type<sc_vector_subcore>, window_params = [{transform_indices = #map}, {transform_indices = #map1}, {transform_indices = #map1}, {transform_indices = #map1}]} {
    %mul3A = arith.constant 2 : i32
    %mul3A_0 = arith.muli %arg1, %mul3A : i32
    %add3A = arith.addi %mul3A_0, %arg0 : i32
    "tpu.region"() ({
      %run_scoped3A = tpu.sem_alloc : memref<!tpu.dma_semaphore, #tpu.memory_space<semaphore_mem>>
      %dma_start3A_79 = arith.constant 0 : i32
      %dma_start3A_80 = arith.constant 0 : i32
      %dma_start3A_81 = tpu.memref_slice %arg3[%add3A, %dma_start3A_79, %dma_start3A_80] : memref<32x80x128xi32, #tpu.memory_space<hbm>> -> memref<1x80x128xi32, #tpu.memory_space<hbm>>
      %dma_start3A_82 = tpu.memref_squeeze %dma_start3A_81 : memref<1x80x128xi32, #tpu.memory_space<hbm>> -> memref<80x128xi32, #tpu.memory_space<hbm>>
      %dma_start3A_83 = arith.constant 0 : i32
      %dma_start3A_84 = arith.constant 0 : i32
      %dma_start3A_85 = tpu.memref_slice %arg3[%add3A, %dma_start3A_83, %dma_start3A_84] : memref<32x80x128xi32, #tpu.memory_space<hbm>> -> memref<1x80x128xi32, #tpu.memory_space<hbm>>
      %dma_start3A_86 = tpu.memref_squeeze %dma_start3A_85 : memref<1x80x128xi32, #tpu.memory_space<hbm>> -> memref<80x128xi32, #tpu.memory_space<hbm>>
      tpu.enqueue_dma source(%dma_start3A_86 : memref<80x128xi32, #tpu.memory_space<hbm>>) target(%arg6 : memref<80x128xi32, #tpu.memory_space<vmem>>) target_semaphore(%run_scoped3A : memref<!tpu.dma_semaphore, #tpu.memory_space<semaphore_mem>>)
      %dma_wait3A = arith.constant 0 : i32
      %dma_wait3A_87 = arith.constant 0 : i32
      %dma_wait3A_88 = tpu.memref_slice %arg3[%add3A, %dma_wait3A, %dma_wait3A_87] : memref<32x80x128xi32, #tpu.memory_space<hbm>> -> memref<1x80x128xi32, #tpu.memory_space<hbm>>
      %dma_wait3A_89 = tpu.memref_squeeze %dma_wait3A_88 : memref<1x80x128xi32, #tpu.memory_space<hbm>> -> memref<80x128xi32, #tpu.memory_space<hbm>>
      %dma_wait3A_90 = arith.constant 0 : i32
      %dma_wait3A_91 = arith.constant 0 : i32
      %dma_wait3A_92 = tpu.memref_slice %arg3[%add3A, %dma_wait3A_90, %dma_wait3A_91] : memref<32x80x128xi32, #tpu.memory_space<hbm>> -> memref<1x80x128xi32, #tpu.memory_space<hbm>>
      %dma_wait3A_93 = tpu.memref_squeeze %dma_wait3A_92 : memref<1x80x128xi32, #tpu.memory_space<hbm>> -> memref<80x128xi32, #tpu.memory_space<hbm>>
      tpu.wait_dma2 semaphore(%run_scoped3A : memref<!tpu.dma_semaphore, #tpu.memory_space<semaphore_mem>>) src(%dma_wait3A_93 : memref<80x128xi32, #tpu.memory_space<hbm>>) dst(%arg6 : memref<80x128xi32, #tpu.memory_space<vmem>>)
      tpu.yield
    }) : () -> ()
    %broadcast_in_dim3A = arith.constant 0.000000e+00 : f32
    %broadcast_in_dim3A_1 = vector.broadcast %broadcast_in_dim3A : f32 to vector<16xf32>
    %scan3A = arith.constant 0 : i32
    %scan3A_2 = arith.constant 0 : i32
    %scan3A_3 = arith.constant 128 : i32
    %scan3A_4 = arith.addi %scan3A_2, %scan3A_3 : i32
    %scan3A_5 = arith.constant 1 : i32
    scf.for %scan3A_79 = %scan3A_2 to %scan3A_4 step %scan3A_5  : i32 {
      %swap3A = arith.index_cast %scan3A_79 : i32 to index
      %swap3A_80 = arith.constant 0 : index
      %swap3A_81 = tpu.vector_load %arg8[%swap3A, %swap3A_80] {strides = array<i32>} : memref<128x128xf32, #tpu.memory_space<vmem>>, vector<1x16xf32>,
      %swap3A_82 = vector.shape_cast %swap3A_81 : vector<1x16xf32> to vector<16xf32>
      %swap3A_83 = vector.shape_cast %broadcast_in_dim3A_1 : vector<16xf32> to vector<1x16xf32>
      tpu.vector_store %arg8[%swap3A, %swap3A_80], %swap3A_83 {strides = array<i32>} : memref<128x128xf32, #tpu.memory_space<vmem>>, vector<1x16xf32>,
      %swap3A_84 = arith.index_cast %scan3A_79 : i32 to index
      %swap3A_85 = arith.constant 16 : index
      %swap3A_86 = tpu.vector_load %arg8[%swap3A_84, %swap3A_85] {strides = array<i32>} : memref<128x128xf32, #tpu.memory_space<vmem>>, vector<1x16xf32>,
      %swap3A_87 = vector.shape_cast %swap3A_86 : vector<1x16xf32> to vector<16xf32>
      %swap3A_88 = vector.shape_cast %broadcast_in_dim3A_1 : vector<16xf32> to vector<1x16xf32>
      tpu.vector_store %arg8[%swap3A_84, %swap3A_85], %swap3A_88 {strides = array<i32>} : memref<128x128xf32, #tpu.memory_space<vmem>>, vector<1x16xf32>,
      %swap3A_89 = arith.index_cast %scan3A_79 : i32 to index
      %swap3A_90 = arith.constant 32 : index
      %swap3A_91 = tpu.vector_load %arg8[%swap3A_89, %swap3A_90] {strides = array<i32>} : memref<128x128xf32, #tpu.memory_space<vmem>>, vector<1x16xf32>,
      %swap3A_92 = vector.shape_cast %swap3A_91 : vector<1x16xf32> to vector<16xf32>
      %swap3A_93 = vector.shape_cast %broadcast_in_dim3A_1 : vector<16xf32> to vector<1x16xf32>
      tpu.vector_store %arg8[%swap3A_89, %swap3A_90], %swap3A_93 {strides = array<i32>} : memref<128x128xf32, #tpu.memory_space<vmem>>, vector<1x16xf32>,
      %swap3A_94 = arith.index_cast %scan3A_79 : i32 to index
      %swap3A_95 = arith.constant 48 : index
      %swap3A_96 = tpu.vector_load %arg8[%swap3A_94, %swap3A_95] {strides = array<i32>} : memref<128x128xf32, #tpu.memory_space<vmem>>, vector<1x16xf32>,
      %swap3A_97 = vector.shape_cast %swap3A_96 : vector<1x16xf32> to vector<16xf32>
      %swap3A_98 = vector.shape_cast %broadcast_in_dim3A_1 : vector<16xf32> to vector<1x16xf32>
      tpu.vector_store %arg8[%swap3A_94, %swap3A_95], %swap3A_98 {strides = array<i32>} : memref<128x128xf32, #tpu.memory_space<vmem>>, vector<1x16xf32>,
      %swap3A_99 = arith.index_cast %scan3A_79 : i32 to index
      %swap3A_100 = arith.constant 64 : index
      %swap3A_101 = tpu.vector_load %arg8[%swap3A_99, %swap3A_100] {strides = array<i32>} : memref<128x128xf32, #tpu.memory_space<vmem>>, vector<1x16xf32>,
      %swap3A_102 = vector.shape_cast %swap3A_101 : vector<1x16xf32> to vector<16xf32>
      %swap3A_103 = vector.shape_cast %broadcast_in_dim3A_1 : vector<16xf32> to vector<1x16xf32>
      tpu.vector_store %arg8[%swap3A_99, %swap3A_100], %swap3A_103 {strides = array<i32>} : memref<128x128xf32, #tpu.memory_space<vmem>>, vector<1x16xf32>,
      %swap3A_104 = arith.index_cast %scan3A_79 : i32 to index
      %swap3A_105 = arith.constant 80 : index
      %swap3A_106 = tpu.vector_load %arg8[%swap3A_104, %swap3A_105] {strides = array<i32>} : memref<128x128xf32, #tpu.memory_space<vmem>>, vector<1x16xf32>,
      %swap3A_107 = vector.shape_cast %swap3A_106 : vector<1x16xf32> to vector<16xf32>
      %swap3A_108 = vector.shape_cast %broadcast_in_dim3A_1 : vector<16xf32> to vector<1x16xf32>
      tpu.vector_store %arg8[%swap3A_104, %swap3A_105], %swap3A_108 {strides = array<i32>} : memref<128x128xf32, #tpu.memory_space<vmem>>, vector<1x16xf32>,
      %swap3A_109 = arith.index_cast %scan3A_79 : i32 to index
      %swap3A_110 = arith.constant 96 : index
      %swap3A_111 = tpu.vector_load %arg8[%swap3A_109, %swap3A_110] {strides = array<i32>} : memref<128x128xf32, #tpu.memory_space<vmem>>, vector<1x16xf32>,
      %swap3A_112 = vector.shape_cast %swap3A_111 : vector<1x16xf32> to vector<16xf32>
      %swap3A_113 = vector.shape_cast %broadcast_in_dim3A_1 : vector<16xf32> to vector<1x16xf32>
      tpu.vector_store %arg8[%swap3A_109, %swap3A_110], %swap3A_113 {strides = array<i32>} : memref<128x128xf32, #tpu.memory_space<vmem>>, vector<1x16xf32>,
      %swap3A_114 = arith.index_cast %scan3A_79 : i32 to index
      %swap3A_115 = arith.constant 112 : index
      %swap3A_116 = tpu.vector_load %arg8[%swap3A_114, %swap3A_115] {strides = array<i32>} : memref<128x128xf32, #tpu.memory_space<vmem>>, vector<1x16xf32>,
      %swap3A_117 = vector.shape_cast %swap3A_116 : vector<1x16xf32> to vector<16xf32>
      %swap3A_118 = vector.shape_cast %broadcast_in_dim3A_1 : vector<16xf32> to vector<1x16xf32>
      tpu.vector_store %arg8[%swap3A_114, %swap3A_115], %swap3A_118 {strides = array<i32>} : memref<128x128xf32, #tpu.memory_space<vmem>>, vector<1x16xf32>,
    }
    %scan3A_6 = arith.constant 128 : i32
    %mul3A_7 = arith.constant 640 : i32
    %mul3A_8 = arith.muli %arg1, %mul3A_7 : i32
    %add3A_9 = arith.constant 0 : i32
    %add3A_10 = arith.addi %mul3A_8, %add3A_9 : i32
    "tpu.region"() ({
      %run_scoped3A = tpu.sem_alloc : memref<!tpu.dma_semaphore, #tpu.memory_space<semaphore_mem>>
      %dma_start3A_79 = arith.constant 0 : i32
      %dma_start3A_80 = tpu.memref_slice %arg14[%add3A_10, %dma_start3A_79] : memref<10240x128xf32, #tpu.memory_space<vmem_shared>> -> memref<128x128xf32, #tpu.memory_space<vmem_shared>>
      %dma_start3A_81 = arith.constant 0 : i32
      %dma_start3A_82 = tpu.memref_slice %arg14[%add3A_10, %dma_start3A_81] : memref<10240x128xf32, #tpu.memory_space<vmem_shared>> -> memref<128x128xf32, #tpu.memory_space<vmem_shared>>
      tpu.enqueue_dma source(%arg8 : memref<128x128xf32, #tpu.memory_space<vmem>>) target(%dma_start3A_82 : memref<128x128xf32, #tpu.memory_space<vmem_shared>>) target_semaphore(%run_scoped3A : memref<!tpu.dma_semaphore, #tpu.memory_space<semaphore_mem>>)
      %dma_wait3A = arith.constant 0 : i32
      %dma_wait3A_83 = tpu.memref_slice %arg14[%add3A_10, %dma_wait3A] : memref<10240x128xf32, #tpu.memory_space<vmem_shared>> -> memref<128x128xf32, #tpu.memory_space<vmem_shared>>
      %dma_wait3A_84 = arith.constant 0 : i32
      %dma_wait3A_85 = tpu.memref_slice %arg14[%add3A_10, %dma_wait3A_84] : memref<10240x128xf32, #tpu.memory_space<vmem_shared>> -> memref<128x128xf32, #tpu.memory_space<vmem_shared>>
      tpu.wait_dma2 semaphore(%run_scoped3A : memref<!tpu.dma_semaphore, #tpu.memory_space<semaphore_mem>>) src(%arg8 : memref<128x128xf32, #tpu.memory_space<vmem>>) dst(%dma_wait3A_85 : memref<128x128xf32, #tpu.memory_space<vmem_shared>>)
      tpu.yield
    }) : () -> ()
    %mul3A_11 = arith.constant 640 : i32
    %mul3A_12 = arith.muli %arg1, %mul3A_11 : i32
    %add3A_13 = arith.constant 128 : i32
    %add3A_14 = arith.addi %mul3A_12, %add3A_13 : i32
    "tpu.region"() ({
      %run_scoped3A = tpu.sem_alloc : memref<!tpu.dma_semaphore, #tpu.memory_space<semaphore_mem>>
      %dma_start3A_79 = arith.constant 0 : i32
      %dma_start3A_80 = tpu.memref_slice %arg14[%add3A_14, %dma_start3A_79] : memref<10240x128xf32, #tpu.memory_space<vmem_shared>> -> memref<128x128xf32, #tpu.memory_space<vmem_shared>>
      %dma_start3A_81 = arith.constant 0 : i32
      %dma_start3A_82 = tpu.memref_slice %arg14[%add3A_14, %dma_start3A_81] : memref<10240x128xf32, #tpu.memory_space<vmem_shared>> -> memref<128x128xf32, #tpu.memory_space<vmem_shared>>
      tpu.enqueue_dma source(%arg8 : memref<128x128xf32, #tpu.memory_space<vmem>>) target(%dma_start3A_82 : memref<128x128xf32, #tpu.memory_space<vmem_shared>>) target_semaphore(%run_scoped3A : memref<!tpu.dma_semaphore, #tpu.memory_space<semaphore_mem>>)
      %dma_wait3A = arith.constant 0 : i32
      %dma_wait3A_83 = tpu.memref_slice %arg14[%add3A_14, %dma_wait3A] : memref<10240x128xf32, #tpu.memory_space<vmem_shared>> -> memref<128x128xf32, #tpu.memory_space<vmem_shared>>
      %dma_wait3A_84 = arith.constant 0 : i32
      %dma_wait3A_85 = tpu.memref_slice %arg14[%add3A_14, %dma_wait3A_84] : memref<10240x128xf32, #tpu.memory_space<vmem_shared>> -> memref<128x128xf32, #tpu.memory_space<vmem_shared>>
      tpu.wait_dma2 semaphore(%run_scoped3A : memref<!tpu.dma_semaphore, #tpu.memory_space<semaphore_mem>>) src(%arg8 : memref<128x128xf32, #tpu.memory_space<vmem>>) dst(%dma_wait3A_85 : memref<128x128xf32, #tpu.memory_space<vmem_shared>>)
      tpu.yield
    }) : () -> ()
    %mul3A_15 = arith.constant 640 : i32
    %mul3A_16 = arith.muli %arg1, %mul3A_15 : i32
    %add3A_17 = arith.constant 256 : i32
    %add3A_18 = arith.addi %mul3A_16, %add3A_17 : i32
    "tpu.region"() ({
      %run_scoped3A = tpu.sem_alloc : memref<!tpu.dma_semaphore, #tpu.memory_space<semaphore_mem>>
      %dma_start3A_79 = arith.constant 0 : i32
      %dma_start3A_80 = tpu.memref_slice %arg14[%add3A_18, %dma_start3A_79] : memref<10240x128xf32, #tpu.memory_space<vmem_shared>> -> memref<128x128xf32, #tpu.memory_space<vmem_shared>>
      %dma_start3A_81 = arith.constant 0 : i32
      %dma_start3A_82 = tpu.memref_slice %arg14[%add3A_18, %dma_start3A_81] : memref<10240x128xf32, #tpu.memory_space<vmem_shared>> -> memref<128x128xf32, #tpu.memory_space<vmem_shared>>
      tpu.enqueue_dma source(%arg8 : memref<128x128xf32, #tpu.memory_space<vmem>>) target(%dma_start3A_82 : memref<128x128xf32, #tpu.memory_space<vmem_shared>>) target_semaphore(%run_scoped3A : memref<!tpu.dma_semaphore, #tpu.memory_space<semaphore_mem>>)
      %dma_wait3A = arith.constant 0 : i32
      %dma_wait3A_83 = tpu.memref_slice %arg14[%add3A_18, %dma_wait3A] : memref<10240x128xf32, #tpu.memory_space<vmem_shared>> -> memref<128x128xf32, #tpu.memory_space<vmem_shared>>
      %dma_wait3A_84 = arith.constant 0 : i32
      %dma_wait3A_85 = tpu.memref_slice %arg14[%add3A_18, %dma_wait3A_84] : memref<10240x128xf32, #tpu.memory_space<vmem_shared>> -> memref<128x128xf32, #tpu.memory_space<vmem_shared>>
      tpu.wait_dma2 semaphore(%run_scoped3A : memref<!tpu.dma_semaphore, #tpu.memory_space<semaphore_mem>>) src(%arg8 : memref<128x128xf32, #tpu.memory_space<vmem>>) dst(%dma_wait3A_85 : memref<128x128xf32, #tpu.memory_space<vmem_shared>>)
      tpu.yield
    }) : () -> ()
    %mul3A_19 = arith.constant 640 : i32
    %mul3A_20 = arith.muli %arg1, %mul3A_19 : i32
    %add3A_21 = arith.constant 384 : i32
    %add3A_22 = arith.addi %mul3A_20, %add3A_21 : i32
    "tpu.region"() ({
      %run_scoped3A = tpu.sem_alloc : memref<!tpu.dma_semaphore, #tpu.memory_space<semaphore_mem>>
      %dma_start3A_79 = arith.constant 0 : i32
      %dma_start3A_80 = tpu.memref_slice %arg14[%add3A_22, %dma_start3A_79] : memref<10240x128xf32, #tpu.memory_space<vmem_shared>> -> memref<128x128xf32, #tpu.memory_space<vmem_shared>>
      %dma_start3A_81 = arith.constant 0 : i32
      %dma_start3A_82 = tpu.memref_slice %arg14[%add3A_22, %dma_start3A_81] : memref<10240x128xf32, #tpu.memory_space<vmem_shared>> -> memref<128x128xf32, #tpu.memory_space<vmem_shared>>
      tpu.enqueue_dma source(%arg8 : memref<128x128xf32, #tpu.memory_space<vmem>>) target(%dma_start3A_82 : memref<128x128xf32, #tpu.memory_space<vmem_shared>>) target_semaphore(%run_scoped3A : memref<!tpu.dma_semaphore, #tpu.memory_space<semaphore_mem>>)
      %dma_wait3A = arith.constant 0 : i32
      %dma_wait3A_83 = tpu.memref_slice %arg14[%add3A_22, %dma_wait3A] : memref<10240x128xf32, #tpu.memory_space<vmem_shared>> -> memref<128x128xf32, #tpu.memory_space<vmem_shared>>
      %dma_wait3A_84 = arith.constant 0 : i32
      %dma_wait3A_85 = tpu.memref_slice %arg14[%add3A_22, %dma_wait3A_84] : memref<10240x128xf32, #tpu.memory_space<vmem_shared>> -> memref<128x128xf32, #tpu.memory_space<vmem_shared>>
      tpu.wait_dma2 semaphore(%run_scoped3A : memref<!tpu.dma_semaphore, #tpu.memory_space<semaphore_mem>>) src(%arg8 : memref<128x128xf32, #tpu.memory_space<vmem>>) dst(%dma_wait3A_85 : memref<128x128xf32, #tpu.memory_space<vmem_shared>>)
      tpu.yield
    }) : () -> ()
    %mul3A_23 = arith.constant 640 : i32
    %mul3A_24 = arith.muli %arg1, %mul3A_23 : i32
    %add3A_25 = arith.constant 512 : i32
    %add3A_26 = arith.addi %mul3A_24, %add3A_25 : i32
    "tpu.region"() ({
      %run_scoped3A = tpu.sem_alloc : memref<!tpu.dma_semaphore, #tpu.memory_space<semaphore_mem>>
      %dma_start3A_79 = arith.constant 0 : i32
      %dma_start3A_80 = tpu.memref_slice %arg14[%add3A_26, %dma_start3A_79] : memref<10240x128xf32, #tpu.memory_space<vmem_shared>> -> memref<128x128xf32, #tpu.memory_space<vmem_shared>>
      %dma_start3A_81 = arith.constant 0 : i32
      %dma_start3A_82 = tpu.memref_slice %arg14[%add3A_26, %dma_start3A_81] : memref<10240x128xf32, #tpu.memory_space<vmem_shared>> -> memref<128x128xf32, #tpu.memory_space<vmem_shared>>
      tpu.enqueue_dma source(%arg8 : memref<128x128xf32, #tpu.memory_space<vmem>>) target(%dma_start3A_82 : memref<128x128xf32, #tpu.memory_space<vmem_shared>>) target_semaphore(%run_scoped3A : memref<!tpu.dma_semaphore, #tpu.memory_space<semaphore_mem>>)
      %dma_wait3A = arith.constant 0 : i32
      %dma_wait3A_83 = tpu.memref_slice %arg14[%add3A_26, %dma_wait3A] : memref<10240x128xf32, #tpu.memory_space<vmem_shared>> -> memref<128x128xf32, #tpu.memory_space<vmem_shared>>
      %dma_wait3A_84 = arith.constant 0 : i32
      %dma_wait3A_85 = tpu.memref_slice %arg14[%add3A_26, %dma_wait3A_84] : memref<10240x128xf32, #tpu.memory_space<vmem_shared>> -> memref<128x128xf32, #tpu.memory_space<vmem_shared>>
      tpu.wait_dma2 semaphore(%run_scoped3A : memref<!tpu.dma_semaphore, #tpu.memory_space<semaphore_mem>>) src(%arg8 : memref<128x128xf32, #tpu.memory_space<vmem>>) dst(%dma_wait3A_85 : memref<128x128xf32, #tpu.memory_space<vmem_shared>>)
      tpu.yield
    }) : () -> ()
    %barrier3A = arith.constant 0 : index
    tpu.barrier barrier_id(%barrier3A)
    %dma_start3A = arith.constant 0 : i32
    %dma_start3A_27 = arith.constant 0 : i32
    %dma_start3A_28 = tpu.memref_slice %arg6[%dma_start3A, %dma_start3A_27] : memref<80x128xi32, #tpu.memory_space<vmem>> -> memref<1x128xi32, #tpu.memory_space<vmem>>
    %dma_start3A_29 = tpu.memref_squeeze %dma_start3A_28 : memref<1x128xi32, #tpu.memory_space<vmem>> -> memref<128xi32, #tpu.memory_space<vmem>>
    %dma_start3A_30 = arith.constant 0 : i32
    %dma_start3A_31 = arith.constant 0 : i32
    %dma_start3A_32 = tpu.memref_slice %arg2[%dma_start3A_30, %dma_start3A_31] : memref<10240x128xf32, #tpu.memory_space<hbm>> -> memref<10240x128xf32, #tpu.memory_space<hbm>>
    tpu.enqueue_indirect_dma source(%dma_start3A_32 : memref<10240x128xf32, #tpu.memory_space<hbm>>) target(%arg8 : memref<128x128xf32, #tpu.memory_space<vmem>>) offsets(%dma_start3A_29 : memref<128xi32, #tpu.memory_space<vmem>>) semaphore(%arg10 : memref<!tpu.dma_semaphore, #tpu.memory_space<semaphore_mem>>)
    %dma_start3A_33 = arith.constant 1 : i32
    %dma_start3A_34 = arith.constant 0 : i32
    %dma_start3A_35 = tpu.memref_slice %arg6[%dma_start3A_33, %dma_start3A_34] : memref<80x128xi32, #tpu.memory_space<vmem>> -> memref<1x128xi32, #tpu.memory_space<vmem>>
    %dma_start3A_36 = tpu.memref_squeeze %dma_start3A_35 : memref<1x128xi32, #tpu.memory_space<vmem>> -> memref<128xi32, #tpu.memory_space<vmem>>
    %dma_start3A_37 = arith.constant 0 : i32
    %dma_start3A_38 = arith.constant 0 : i32
    %dma_start3A_39 = tpu.memref_slice %arg2[%dma_start3A_37, %dma_start3A_38] : memref<10240x128xf32, #tpu.memory_space<hbm>> -> memref<10240x128xf32, #tpu.memory_space<hbm>>
    tpu.enqueue_indirect_dma source(%dma_start3A_39 : memref<10240x128xf32, #tpu.memory_space<hbm>>) target(%arg9 : memref<128x128xf32, #tpu.memory_space<vmem>>) offsets(%dma_start3A_36 : memref<128xi32, #tpu.memory_space<vmem>>) semaphore(%arg11 : memref<!tpu.dma_semaphore, #tpu.memory_space<semaphore_mem>>)
    %dma_start3A_40 = arith.constant 0 : i32
    %dma_start3A_41 = arith.constant 0 : i32
    %dma_start3A_42 = arith.constant 0 : i32
    %dma_start3A_43 = tpu.memref_slice %arg7[%dma_start3A_41, %dma_start3A_42] : memref<2x128xi32, #tpu.memory_space<vmem>> -> memref<1x128xi32, #tpu.memory_space<vmem>>
    %dma_start3A_44 = tpu.memref_squeeze %dma_start3A_43 : memref<1x128xi32, #tpu.memory_space<vmem>> -> memref<128xi32, #tpu.memory_space<vmem>>
    %dma_start3A_45 = arith.constant 0 : i32
    %dma_start3A_46 = tpu.memref_slice %arg4[%add3A, %dma_start3A_40, %dma_start3A_45] : memref<32x80x128xi32, #tpu.memory_space<hbm>> -> memref<1x1x128xi32, #tpu.memory_space<hbm>>
    %dma_start3A_47 = tpu.memref_squeeze %dma_start3A_46 : memref<1x1x128xi32, #tpu.memory_space<hbm>> -> memref<128xi32, #tpu.memory_space<hbm>>
    %dma_start3A_48 = arith.constant 0 : i32
    %dma_start3A_49 = tpu.memref_slice %arg7[%dma_start3A_41, %dma_start3A_48] : memref<2x128xi32, #tpu.memory_space<vmem>> -> memref<1x128xi32, #tpu.memory_space<vmem>>
    %dma_start3A_50 = tpu.memref_squeeze %dma_start3A_49 : memref<1x128xi32, #tpu.memory_space<vmem>> -> memref<128xi32, #tpu.memory_space<vmem>>
    %dma_start3A_51 = arith.constant 0 : i32
    %dma_start3A_52 = tpu.memref_slice %arg4[%add3A, %dma_start3A_40, %dma_start3A_51] : memref<32x80x128xi32, #tpu.memory_space<hbm>> -> memref<1x1x128xi32, #tpu.memory_space<hbm>>
    %dma_start3A_53 = tpu.memref_squeeze %dma_start3A_52 : memref<1x1x128xi32, #tpu.memory_space<hbm>> -> memref<128xi32, #tpu.memory_space<hbm>>
    tpu.enqueue_dma source(%dma_start3A_53 : memref<128xi32, #tpu.memory_space<hbm>>) target(%dma_start3A_50 : memref<128xi32, #tpu.memory_space<vmem>>) target_semaphore(%arg12 : memref<!tpu.dma_semaphore, #tpu.memory_space<semaphore_mem>>)
    %dma_start3A_54 = arith.constant 1 : i32
    %dma_start3A_55 = arith.constant 1 : i32
    %dma_start3A_56 = arith.constant 0 : i32
    %dma_start3A_57 = tpu.memref_slice %arg7[%dma_start3A_55, %dma_start3A_56] : memref<2x128xi32, #tpu.memory_space<vmem>> -> memref<1x128xi32, #tpu.memory_space<vmem>>
    %dma_start3A_58 = tpu.memref_squeeze %dma_start3A_57 : memref<1x128xi32, #tpu.memory_space<vmem>> -> memref<128xi32, #tpu.memory_space<vmem>>
    %dma_start3A_59 = arith.constant 0 : i32
    %dma_start3A_60 = tpu.memref_slice %arg4[%add3A, %dma_start3A_54, %dma_start3A_59] : memref<32x80x128xi32, #tpu.memory_space<hbm>> -> memref<1x1x128xi32, #tpu.memory_space<hbm>>
    %dma_start3A_61 = tpu.memref_squeeze %dma_start3A_60 : memref<1x1x128xi32, #tpu.memory_space<hbm>> -> memref<128xi32, #tpu.memory_space<hbm>>
    %dma_start3A_62 = arith.constant 0 : i32
    %dma_start3A_63 = tpu.memref_slice %arg7[%dma_start3A_55, %dma_start3A_62] : memref<2x128xi32, #tpu.memory_space<vmem>> -> memref<1x128xi32, #tpu.memory_space<vmem>>
    %dma_start3A_64 = tpu.memref_squeeze %dma_start3A_63 : memref<1x128xi32, #tpu.memory_space<vmem>> -> memref<128xi32, #tpu.memory_space<vmem>>
    %dma_start3A_65 = arith.constant 0 : i32
    %dma_start3A_66 = tpu.memref_slice %arg4[%add3A, %dma_start3A_54, %dma_start3A_65] : memref<32x80x128xi32, #tpu.memory_space<hbm>> -> memref<1x1x128xi32, #tpu.memory_space<hbm>>
    %dma_start3A_67 = tpu.memref_squeeze %dma_start3A_66 : memref<1x1x128xi32, #tpu.memory_space<hbm>> -> memref<128xi32, #tpu.memory_space<hbm>>
    tpu.enqueue_dma source(%dma_start3A_67 : memref<128xi32, #tpu.memory_space<hbm>>) target(%dma_start3A_64 : memref<128xi32, #tpu.memory_space<vmem>>) target_semaphore(%arg13 : memref<!tpu.dma_semaphore, #tpu.memory_space<semaphore_mem>>)
    %scan3A_68 = arith.constant 0 : i32
    %scan3A_69 = arith.constant 0 : i32
    %scan3A_70 = arith.constant 40 : i32
    %scan3A_71 = arith.addi %scan3A_69, %scan3A_70 : i32
    %scan3A_72 = arith.constant 1 : i32
    scf.for %scan3A_79 = %scan3A_69 to %scan3A_71 step %scan3A_72  : i32 {
      %mul3A_80 = arith.constant 2 : i32
      %mul3A_81 = arith.muli %scan3A_79, %mul3A_80 : i32
      %dma_wait3A = arith.constant 0 : i32
      %dma_wait3A_82 = tpu.memref_slice %arg6[%mul3A_81, %dma_wait3A] : memref<80x128xi32, #tpu.memory_space<vmem>> -> memref<1x128xi32, #tpu.memory_space<vmem>>
      %dma_wait3A_83 = tpu.memref_squeeze %dma_wait3A_82 : memref<1x128xi32, #tpu.memory_space<vmem>> -> memref<128xi32, #tpu.memory_space<vmem>>
      %dma_wait3A_84 = arith.constant 0 : i32
      %dma_wait3A_85 = arith.constant 0 : i32
      %dma_wait3A_86 = tpu.memref_slice %arg2[%dma_wait3A_84, %dma_wait3A_85] : memref<10240x128xf32, #tpu.memory_space<hbm>> -> memref<10240x128xf32, #tpu.memory_space<hbm>>
      tpu.wait_indirect_dma semaphore(%arg10 : memref<!tpu.dma_semaphore, #tpu.memory_space<semaphore_mem>>) src(%dma_wait3A_86 : memref<10240x128xf32, #tpu.memory_space<hbm>>) dst(%arg8 : memref<128x128xf32, #tpu.memory_space<vmem>>)
      %dma_wait3A_87 = arith.constant 0 : i32
      %dma_wait3A_88 = arith.constant 0 : i32
      %dma_wait3A_89 = tpu.memref_slice %arg7[%dma_wait3A_87, %dma_wait3A_88] : memref<2x128xi32, #tpu.memory_space<vmem>> -> memref<1x128xi32, #tpu.memory_space<vmem>>
      %dma_wait3A_90 = tpu.memref_squeeze %dma_wait3A_89 : memref<1x128xi32, #tpu.memory_space<vmem>> -> memref<128xi32, #tpu.memory_space<vmem>>
      %dma_wait3A_91 = arith.constant 0 : i32
      %dma_wait3A_92 = tpu.memref_slice %arg4[%add3A, %mul3A_81, %dma_wait3A_91] : memref<32x80x128xi32, #tpu.memory_space<hbm>> -> memref<1x1x128xi32, #tpu.memory_space<hbm>>
      %dma_wait3A_93 = tpu.memref_squeeze %dma_wait3A_92 : memref<1x1x128xi32, #tpu.memory_space<hbm>> -> memref<128xi32, #tpu.memory_space<hbm>>
      %dma_wait3A_94 = arith.constant 0 : i32
      %dma_wait3A_95 = tpu.memref_slice %arg7[%dma_wait3A_87, %dma_wait3A_94] : memref<2x128xi32, #tpu.memory_space<vmem>> -> memref<1x128xi32, #tpu.memory_space<vmem>>
      %dma_wait3A_96 = tpu.memref_squeeze %dma_wait3A_95 : memref<1x128xi32, #tpu.memory_space<vmem>> -> memref<128xi32, #tpu.memory_space<vmem>>
      %dma_wait3A_97 = arith.constant 0 : i32
      %dma_wait3A_98 = tpu.memref_slice %arg4[%add3A, %mul3A_81, %dma_wait3A_97] : memref<32x80x128xi32, #tpu.memory_space<hbm>> -> memref<1x1x128xi32, #tpu.memory_space<hbm>>
      %dma_wait3A_99 = tpu.memref_squeeze %dma_wait3A_98 : memref<1x1x128xi32, #tpu.memory_space<hbm>> -> memref<128xi32, #tpu.memory_space<hbm>>
      tpu.wait_dma2 semaphore(%arg12 : memref<!tpu.dma_semaphore, #tpu.memory_space<semaphore_mem>>) src(%dma_wait3A_99 : memref<128xi32, #tpu.memory_space<hbm>>) dst(%dma_wait3A_96 : memref<128xi32, #tpu.memory_space<vmem>>)
      %run_scoped3A = arith.constant 0 : i32
      "tpu.region"() ({
        %run_scoped3A_133 = tpu.sem_alloc : memref<!tpu.dma_semaphore, #tpu.memory_space<semaphore_mem>>
        %dma_start3A_134 = arith.constant 0 : i32
        %dma_start3A_135 = tpu.memref_slice %arg7[%run_scoped3A, %dma_start3A_134] : memref<2x128xi32, #tpu.memory_space<vmem>> -> memref<1x128xi32, #tpu.memory_space<vmem>>
        %dma_start3A_136 = tpu.memref_squeeze %dma_start3A_135 : memref<1x128xi32, #tpu.memory_space<vmem>> -> memref<128xi32, #tpu.memory_space<vmem>>
        %dma_start3A_137 = arith.constant 0 : i32
        %dma_start3A_138 = arith.constant 0 : i32
        %dma_start3A_139 = tpu.memref_slice %arg14[%dma_start3A_137, %dma_start3A_138] : memref<10240x128xf32, #tpu.memory_space<vmem_shared>> -> memref<10240x128xf32, #tpu.memory_space<vmem_shared>>
        tpu.enqueue_indirect_dma source(%arg8 : memref<128x128xf32, #tpu.memory_space<vmem>>) target(%dma_start3A_139 : memref<10240x128xf32, #tpu.memory_space<vmem_shared>>) offsets(%dma_start3A_136 : memref<128xi32, #tpu.memory_space<vmem>>) semaphore(%run_scoped3A_133 : memref<!tpu.dma_semaphore, #tpu.memory_space<semaphore_mem>>) {add = true}
        %dma_wait3A_140 = arith.constant 0 : i32
        %dma_wait3A_141 = tpu.memref_slice %arg7[%run_scoped3A, %dma_wait3A_140] : memref<2x128xi32, #tpu.memory_space<vmem>> -> memref<1x128xi32, #tpu.memory_space<vmem>>
        %dma_wait3A_142 = tpu.memref_squeeze %dma_wait3A_141 : memref<1x128xi32, #tpu.memory_space<vmem>> -> memref<128xi32, #tpu.memory_space<vmem>>
        %dma_wait3A_143 = arith.constant 0 : i32
        %dma_wait3A_144 = arith.constant 0 : i32
        %dma_wait3A_145 = tpu.memref_slice %arg14[%dma_wait3A_143, %dma_wait3A_144] : memref<10240x128xf32, #tpu.memory_space<vmem_shared>> -> memref<10240x128xf32, #tpu.memory_space<vmem_shared>>
        tpu.wait_indirect_dma semaphore(%run_scoped3A_133 : memref<!tpu.dma_semaphore, #tpu.memory_space<semaphore_mem>>) src(%arg8 : memref<128x128xf32, #tpu.memory_space<vmem>>) dst(%dma_wait3A_145 : memref<10240x128xf32, #tpu.memory_space<vmem_shared>>)
        tpu.yield
      }) : () -> ()
      %add3A_100 = arith.constant 2 : i32
      %add3A_101 = arith.addi %mul3A_81, %add3A_100 : i32
      %lt3A = arith.constant 80 : i32
      %lt3A_102 = arith.cmpi slt, %add3A_101, %lt3A : i32
      %convert_element_type3A = arith.extui %lt3A_102 : i1 to i32
      %cond3A = arith.constant 0 : i32
      %cond3A_103 = arith.cmpi ne, %convert_element_type3A, %cond3A : i32
      scf.if %cond3A_103 {
        %add3A_133 = arith.constant 2 : i32
        %add3A_134 = arith.addi %mul3A_81, %add3A_133 : i32
        %dma_start3A_135 = arith.constant 0 : i32
        %dma_start3A_136 = tpu.memref_slice %arg6[%add3A_134, %dma_start3A_135] : memref<80x128xi32, #tpu.memory_space<vmem>> -> memref<1x128xi32, #tpu.memory_space<vmem>>
        %dma_start3A_137 = tpu.memref_squeeze %dma_start3A_136 : memref<1x128xi32, #tpu.memory_space<vmem>> -> memref<128xi32, #tpu.memory_space<vmem>>
        %dma_start3A_138 = arith.constant 0 : i32
        %dma_start3A_139 = arith.constant 0 : i32
        %dma_start3A_140 = tpu.memref_slice %arg2[%dma_start3A_138, %dma_start3A_139] : memref<10240x128xf32, #tpu.memory_space<hbm>> -> memref<10240x128xf32, #tpu.memory_space<hbm>>
        tpu.enqueue_indirect_dma source(%dma_start3A_140 : memref<10240x128xf32, #tpu.memory_space<hbm>>) target(%arg8 : memref<128x128xf32, #tpu.memory_space<vmem>>) offsets(%dma_start3A_137 : memref<128xi32, #tpu.memory_space<vmem>>) semaphore(%arg10 : memref<!tpu.dma_semaphore, #tpu.memory_space<semaphore_mem>>)
        %add3A_141 = arith.constant 2 : i32
        %add3A_142 = arith.addi %mul3A_81, %add3A_141 : i32
        %dma_start3A_143 = arith.constant 0 : i32
        %dma_start3A_144 = arith.constant 0 : i32
        %dma_start3A_145 = tpu.memref_slice %arg7[%dma_start3A_143, %dma_start3A_144] : memref<2x128xi32, #tpu.memory_space<vmem>> -> memref<1x128xi32, #tpu.memory_space<vmem>>
        %dma_start3A_146 = tpu.memref_squeeze %dma_start3A_145 : memref<1x128xi32, #tpu.memory_space<vmem>> -> memref<128xi32, #tpu.memory_space<vmem>>
        %dma_start3A_147 = arith.constant 0 : i32
        %dma_start3A_148 = tpu.memref_slice %arg4[%add3A, %add3A_142, %dma_start3A_147] : memref<32x80x128xi32, #tpu.memory_space<hbm>> -> memref<1x1x128xi32, #tpu.memory_space<hbm>>
        %dma_start3A_149 = tpu.memref_squeeze %dma_start3A_148 : memref<1x1x128xi32, #tpu.memory_space<hbm>> -> memref<128xi32, #tpu.memory_space<hbm>>
        %dma_start3A_150 = arith.constant 0 : i32
        %dma_start3A_151 = tpu.memref_slice %arg7[%dma_start3A_143, %dma_start3A_150] : memref<2x128xi32, #tpu.memory_space<vmem>> -> memref<1x128xi32, #tpu.memory_space<vmem>>
        %dma_start3A_152 = tpu.memref_squeeze %dma_start3A_151 : memref<1x128xi32, #tpu.memory_space<vmem>> -> memref<128xi32, #tpu.memory_space<vmem>>
        %dma_start3A_153 = arith.constant 0 : i32
        %dma_start3A_154 = tpu.memref_slice %arg4[%add3A, %add3A_142, %dma_start3A_153] : memref<32x80x128xi32, #tpu.memory_space<hbm>> -> memref<1x1x128xi32, #tpu.memory_space<hbm>>
        %dma_start3A_155 = tpu.memref_squeeze %dma_start3A_154 : memref<1x1x128xi32, #tpu.memory_space<hbm>> -> memref<128xi32, #tpu.memory_space<hbm>>
        tpu.enqueue_dma source(%dma_start3A_155 : memref<128xi32, #tpu.memory_space<hbm>>) target(%dma_start3A_152 : memref<128xi32, #tpu.memory_space<vmem>>) target_semaphore(%arg12 : memref<!tpu.dma_semaphore, #tpu.memory_space<semaphore_mem>>)
      } else {
      }
      %add3A_104 = arith.constant 1 : i32
      %add3A_105 = arith.addi %mul3A_81, %add3A_104 : i32
      %dma_wait3A_106 = arith.constant 0 : i32
      %dma_wait3A_107 = tpu.memref_slice %arg6[%add3A_105, %dma_wait3A_106] : memref<80x128xi32, #tpu.memory_space<vmem>> -> memref<1x128xi32, #tpu.memory_space<vmem>>
      %dma_wait3A_108 = tpu.memref_squeeze %dma_wait3A_107 : memref<1x128xi32, #tpu.memory_space<vmem>> -> memref<128xi32, #tpu.memory_space<vmem>>
      %dma_wait3A_109 = arith.constant 0 : i32
      %dma_wait3A_110 = arith.constant 0 : i32
      %dma_wait3A_111 = tpu.memref_slice %arg2[%dma_wait3A_109, %dma_wait3A_110] : memref<10240x128xf32, #tpu.memory_space<hbm>> -> memref<10240x128xf32, #tpu.memory_space<hbm>>
      tpu.wait_indirect_dma semaphore(%arg11 : memref<!tpu.dma_semaphore, #tpu.memory_space<semaphore_mem>>) src(%dma_wait3A_111 : memref<10240x128xf32, #tpu.memory_space<hbm>>) dst(%arg9 : memref<128x128xf32, #tpu.memory_space<vmem>>)
      %dma_wait3A_112 = arith.constant 1 : i32
      %dma_wait3A_113 = arith.constant 0 : i32
      %dma_wait3A_114 = tpu.memref_slice %arg7[%dma_wait3A_112, %dma_wait3A_113] : memref<2x128xi32, #tpu.memory_space<vmem>> -> memref<1x128xi32, #tpu.memory_space<vmem>>
      %dma_wait3A_115 = tpu.memref_squeeze %dma_wait3A_114 : memref<1x128xi32, #tpu.memory_space<vmem>> -> memref<128xi32, #tpu.memory_space<vmem>>
      %dma_wait3A_116 = arith.constant 0 : i32
      %dma_wait3A_117 = tpu.memref_slice %arg4[%add3A, %add3A_105, %dma_wait3A_116] : memref<32x80x128xi32, #tpu.memory_space<hbm>> -> memref<1x1x128xi32, #tpu.memory_space<hbm>>
      %dma_wait3A_118 = tpu.memref_squeeze %dma_wait3A_117 : memref<1x1x128xi32, #tpu.memory_space<hbm>> -> memref<128xi32, #tpu.memory_space<hbm>>
      %dma_wait3A_119 = arith.constant 0 : i32
      %dma_wait3A_120 = tpu.memref_slice %arg7[%dma_wait3A_112, %dma_wait3A_119] : memref<2x128xi32, #tpu.memory_space<vmem>> -> memref<1x128xi32, #tpu.memory_space<vmem>>
      %dma_wait3A_121 = tpu.memref_squeeze %dma_wait3A_120 : memref<1x128xi32, #tpu.memory_space<vmem>> -> memref<128xi32, #tpu.memory_space<vmem>>
      %dma_wait3A_122 = arith.constant 0 : i32
      %dma_wait3A_123 = tpu.memref_slice %arg4[%add3A, %add3A_105, %dma_wait3A_122] : memref<32x80x128xi32, #tpu.memory_space<hbm>> -> memref<1x1x128xi32, #tpu.memory_space<hbm>>
      %dma_wait3A_124 = tpu.memref_squeeze %dma_wait3A_123 : memref<1x1x128xi32, #tpu.memory_space<hbm>> -> memref<128xi32, #tpu.memory_space<hbm>>
      tpu.wait_dma2 semaphore(%arg13 : memref<!tpu.dma_semaphore, #tpu.memory_space<semaphore_mem>>) src(%dma_wait3A_124 : memref<128xi32, #tpu.memory_space<hbm>>) dst(%dma_wait3A_121 : memref<128xi32, #tpu.memory_space<vmem>>)
      %run_scoped3A_125 = arith.constant 1 : i32
      "tpu.region"() ({
        %run_scoped3A_133 = tpu.sem_alloc : memref<!tpu.dma_semaphore, #tpu.memory_space<semaphore_mem>>
        %dma_start3A_134 = arith.constant 0 : i32
        %dma_start3A_135 = tpu.memref_slice %arg7[%run_scoped3A_125, %dma_start3A_134] : memref<2x128xi32, #tpu.memory_space<vmem>> -> memref<1x128xi32, #tpu.memory_space<vmem>>
        %dma_start3A_136 = tpu.memref_squeeze %dma_start3A_135 : memref<1x128xi32, #tpu.memory_space<vmem>> -> memref<128xi32, #tpu.memory_space<vmem>>
        %dma_start3A_137 = arith.constant 0 : i32
        %dma_start3A_138 = arith.constant 0 : i32
        %dma_start3A_139 = tpu.memref_slice %arg14[%dma_start3A_137, %dma_start3A_138] : memref<10240x128xf32, #tpu.memory_space<vmem_shared>> -> memref<10240x128xf32, #tpu.memory_space<vmem_shared>>
        tpu.enqueue_indirect_dma source(%arg9 : memref<128x128xf32, #tpu.memory_space<vmem>>) target(%dma_start3A_139 : memref<10240x128xf32, #tpu.memory_space<vmem_shared>>) offsets(%dma_start3A_136 : memref<128xi32, #tpu.memory_space<vmem>>) semaphore(%run_scoped3A_133 : memref<!tpu.dma_semaphore, #tpu.memory_space<semaphore_mem>>) {add = true}
        %dma_wait3A_140 = arith.constant 0 : i32
        %dma_wait3A_141 = tpu.memref_slice %arg7[%run_scoped3A_125, %dma_wait3A_140] : memref<2x128xi32, #tpu.memory_space<vmem>> -> memref<1x128xi32, #tpu.memory_space<vmem>>
        %dma_wait3A_142 = tpu.memref_squeeze %dma_wait3A_141 : memref<1x128xi32, #tpu.memory_space<vmem>> -> memref<128xi32, #tpu.memory_space<vmem>>
        %dma_wait3A_143 = arith.constant 0 : i32
        %dma_wait3A_144 = arith.constant 0 : i32
        %dma_wait3A_145 = tpu.memref_slice %arg14[%dma_wait3A_143, %dma_wait3A_144] : memref<10240x128xf32, #tpu.memory_space<vmem_shared>> -> memref<10240x128xf32, #tpu.memory_space<vmem_shared>>
        tpu.wait_indirect_dma semaphore(%run_scoped3A_133 : memref<!tpu.dma_semaphore, #tpu.memory_space<semaphore_mem>>) src(%arg9 : memref<128x128xf32, #tpu.memory_space<vmem>>) dst(%dma_wait3A_145 : memref<10240x128xf32, #tpu.memory_space<vmem_shared>>)
        tpu.yield
      }) : () -> ()
      %add3A_126 = arith.constant 2 : i32
      %add3A_127 = arith.addi %add3A_105, %add3A_126 : i32
      %lt3A_128 = arith.constant 80 : i32
      %lt3A_129 = arith.cmpi slt, %add3A_127, %lt3A_128 : i32
      %convert_element_type3A_130 = arith.extui %lt3A_129 : i1 to i32
      %cond3A_131 = arith.constant 0 : i32
      %cond3A_132 = arith.cmpi ne, %convert_element_type3A_130, %cond3A_131 : i32
      scf.if %cond3A_132 {
        %add3A_133 = arith.constant 2 : i32
        %add3A_134 = arith.addi %add3A_105, %add3A_133 : i32
        %dma_start3A_135 = arith.constant 0 : i32
        %dma_start3A_136 = tpu.memref_slice %arg6[%add3A_134, %dma_start3A_135] : memref<80x128xi32, #tpu.memory_space<vmem>> -> memref<1x128xi32, #tpu.memory_space<vmem>>
        %dma_start3A_137 = tpu.memref_squeeze %dma_start3A_136 : memref<1x128xi32, #tpu.memory_space<vmem>> -> memref<128xi32, #tpu.memory_space<vmem>>
        %dma_start3A_138 = arith.constant 0 : i32
        %dma_start3A_139 = arith.constant 0 : i32
        %dma_start3A_140 = tpu.memref_slice %arg2[%dma_start3A_138, %dma_start3A_139] : memref<10240x128xf32, #tpu.memory_space<hbm>> -> memref<10240x128xf32, #tpu.memory_space<hbm>>
        tpu.enqueue_indirect_dma source(%dma_start3A_140 : memref<10240x128xf32, #tpu.memory_space<hbm>>) target(%arg9 : memref<128x128xf32, #tpu.memory_space<vmem>>) offsets(%dma_start3A_137 : memref<128xi32, #tpu.memory_space<vmem>>) semaphore(%arg11 : memref<!tpu.dma_semaphore, #tpu.memory_space<semaphore_mem>>)
        %add3A_141 = arith.constant 2 : i32
        %add3A_142 = arith.addi %add3A_105, %add3A_141 : i32
        %dma_start3A_143 = arith.constant 1 : i32
        %dma_start3A_144 = arith.constant 0 : i32
        %dma_start3A_145 = tpu.memref_slice %arg7[%dma_start3A_143, %dma_start3A_144] : memref<2x128xi32, #tpu.memory_space<vmem>> -> memref<1x128xi32, #tpu.memory_space<vmem>>
        %dma_start3A_146 = tpu.memref_squeeze %dma_start3A_145 : memref<1x128xi32, #tpu.memory_space<vmem>> -> memref<128xi32, #tpu.memory_space<vmem>>
        %dma_start3A_147 = arith.constant 0 : i32
        %dma_start3A_148 = tpu.memref_slice %arg4[%add3A, %add3A_142, %dma_start3A_147] : memref<32x80x128xi32, #tpu.memory_space<hbm>> -> memref<1x1x128xi32, #tpu.memory_space<hbm>>
        %dma_start3A_149 = tpu.memref_squeeze %dma_start3A_148 : memref<1x1x128xi32, #tpu.memory_space<hbm>> -> memref<128xi32, #tpu.memory_space<hbm>>
        %dma_start3A_150 = arith.constant 0 : i32
        %dma_start3A_151 = tpu.memref_slice %arg7[%dma_start3A_143, %dma_start3A_150] : memref<2x128xi32, #tpu.memory_space<vmem>> -> memref<1x128xi32, #tpu.memory_space<vmem>>
        %dma_start3A_152 = tpu.memref_squeeze %dma_start3A_151 : memref<1x128xi32, #tpu.memory_space<vmem>> -> memref<128xi32, #tpu.memory_space<vmem>>
        %dma_start3A_153 = arith.constant 0 : i32
        %dma_start3A_154 = tpu.memref_slice %arg4[%add3A, %add3A_142, %dma_start3A_153] : memref<32x80x128xi32, #tpu.memory_space<hbm>> -> memref<1x1x128xi32, #tpu.memory_space<hbm>>
        %dma_start3A_155 = tpu.memref_squeeze %dma_start3A_154 : memref<1x1x128xi32, #tpu.memory_space<hbm>> -> memref<128xi32, #tpu.memory_space<hbm>>
        tpu.enqueue_dma source(%dma_start3A_155 : memref<128xi32, #tpu.memory_space<hbm>>) target(%dma_start3A_152 : memref<128xi32, #tpu.memory_space<vmem>>) target_semaphore(%arg13 : memref<!tpu.dma_semaphore, #tpu.memory_space<semaphore_mem>>)
      } else {
      }
    }
    %scan3A_73 = arith.constant 40 : i32
    %barrier3A_74 = arith.constant 0 : index
    tpu.barrier barrier_id(%barrier3A_74)
    %mul3A_75 = arith.constant 640 : i32
    %mul3A_76 = arith.muli %arg1, %mul3A_75 : i32
    %mul3A_77 = arith.constant 640 : i32
    %mul3A_78 = arith.muli %arg1, %mul3A_77 : i32
    "tpu.region"() ({
      %run_scoped3A = tpu.sem_alloc : memref<!tpu.dma_semaphore, #tpu.memory_space<semaphore_mem>>
      %dma_start3A_79 = arith.constant 0 : i32
      %dma_start3A_80 = tpu.memref_slice %arg5[%arg0, %mul3A_78, %dma_start3A_79] : memref<2x10240x128xf32, #tpu.memory_space<hbm>> -> memref<1x640x128xf32, #tpu.memory_space<hbm>>
      %dma_start3A_81 = tpu.memref_squeeze %dma_start3A_80 : memref<1x640x128xf32, #tpu.memory_space<hbm>> -> memref<640x128xf32, #tpu.memory_space<hbm>>
      %dma_start3A_82 = arith.constant 0 : i32
      %dma_start3A_83 = tpu.memref_slice %arg14[%mul3A_76, %dma_start3A_82] : memref<10240x128xf32, #tpu.memory_space<vmem_shared>> -> memref<640x128xf32, #tpu.memory_space<vmem_shared>>
      tpu.enqueue_dma source(%dma_start3A_83 : memref<640x128xf32, #tpu.memory_space<vmem_shared>>) target(%dma_start3A_81 : memref<640x128xf32, #tpu.memory_space<hbm>>) target_semaphore(%run_scoped3A : memref<!tpu.dma_semaphore, #tpu.memory_space<semaphore_mem>>)
      %dma_wait3A = arith.constant 0 : i32
      %dma_wait3A_84 = tpu.memref_slice %arg5[%arg0, %mul3A_78, %dma_wait3A] : memref<2x10240x128xf32, #tpu.memory_space<hbm>> -> memref<1x640x128xf32, #tpu.memory_space<hbm>>
      %dma_wait3A_85 = tpu.memref_squeeze %dma_wait3A_84 : memref<1x640x128xf32, #tpu.memory_space<hbm>> -> memref<640x128xf32, #tpu.memory_space<hbm>>
      %dma_wait3A_86 = arith.constant 0 : i32
      %dma_wait3A_87 = tpu.memref_slice %arg14[%mul3A_76, %dma_wait3A_86] : memref<10240x128xf32, #tpu.memory_space<vmem_shared>> -> memref<640x128xf32, #tpu.memory_space<vmem_shared>>
      tpu.wait_dma2 semaphore(%run_scoped3A : memref<!tpu.dma_semaphore, #tpu.memory_space<semaphore_mem>>) src(%dma_wait3A_87 : memref<640x128xf32, #tpu.memory_space<vmem_shared>>) dst(%dma_wait3A_85 : memref<640x128xf32, #tpu.memory_space<hbm>>)
      tpu.yield
    }) : () -> ()
    return
  }
}

#map = affine_map<(d0, d1) -> (0, 0)>
#map1 = affine_map<(d0, d1) -> (0, 0, 0)>
module attributes {stable_mosaic.version = 14 : i64} {
  func.func @agg(%arg0: i32, %arg1: i32, %arg2: memref<10240x128xf32, #tpu.memory_space<hbm>>, %arg3: memref<32x80x128xi32, #tpu.memory_space<hbm>>, %arg4: memref<32x80x128xi32, #tpu.memory_space<hbm>>, %arg5: memref<2x10240x128xf32, #tpu.memory_space<hbm>>, %arg6: memref<80x128xi32, #tpu.memory_space<vmem>>, %arg7: memref<2x128xi32, #tpu.memory_space<vmem>>, %arg8: memref<128x128xf32, #tpu.memory_space<vmem>>, %arg9: memref<128x128xf32, #tpu.memory_space<vmem>>, %arg10: memref<!tpu.dma_semaphore, #tpu.memory_space<semaphore_mem>>, %arg11: memref<!tpu.dma_semaphore, #tpu.memory_space<semaphore_mem>>, %arg12: memref<!tpu.dma_semaphore, #tpu.memory_space<semaphore_mem>>, %arg13: memref<!tpu.dma_semaphore, #tpu.memory_space<semaphore_mem>>, %arg14: memref<10240x128xf32, #tpu.memory_space<vmem_shared>>) attributes {dimension_semantics = [#tpu.dimension_semantics<core_parallel>, #tpu.dimension_semantics<subcore_parallel>], iteration_bounds = array<i64: 2, 16>, scalar_prefetch = 0 : i64, scratch_operands = 9 : i64, tpu.core_type = #tpu.core_type<sc_vector_subcore>, window_params = [{transform_indices = #map}, {transform_indices = #map1}, {transform_indices = #map1}, {transform_indices = #map1}]} {
    %mul3A = arith.constant 2 : i32
    %mul3A_0 = arith.muli %arg1, %mul3A : i32
    %add3A = arith.addi %mul3A_0, %arg0 : i32
    "tpu.region"() ({
      %run_scoped3A = tpu.sem_alloc : memref<!tpu.dma_semaphore, #tpu.memory_space<semaphore_mem>>
      %dma_start3A_79 = arith.constant 0 : i32
      %dma_start3A_80 = arith.constant 0 : i32
      %dma_start3A_81 = tpu.memref_slice %arg3[%add3A, %dma_start3A_79, %dma_start3A_80] : memref<32x80x128xi32, #tpu.memory_space<hbm>> -> memref<1x80x128xi32, #tpu.memory_space<hbm>>
      %dma_start3A_82 = tpu.memref_squeeze %dma_start3A_81 : memref<1x80x128xi32, #tpu.memory_space<hbm>> -> memref<80x128xi32, #tpu.memory_space<hbm>>
      %dma_start3A_83 = arith.constant 0 : i32
      %dma_start3A_84 = arith.constant 0 : i32
      %dma_start3A_85 = tpu.memref_slice %arg3[%add3A, %dma_start3A_83, %dma_start3A_84] : memref<32x80x128xi32, #tpu.memory_space<hbm>> -> memref<1x80x128xi32, #tpu.memory_space<hbm>>
      %dma_start3A_86 = tpu.memref_squeeze %dma_start3A_85 : memref<1x80x128xi32, #tpu.memory_space<hbm>> -> memref<80x128xi32, #tpu.memory_space<hbm>>
      tpu.enqueue_dma source(%dma_start3A_86 : memref<80x128xi32, #tpu.memory_space<hbm>>) target(%arg6 : memref<80x128xi32, #tpu.memory_space<vmem>>) target_semaphore(%run_scoped3A : memref<!tpu.dma_semaphore, #tpu.memory_space<semaphore_mem>>)
      %dma_wait3A = arith.constant 0 : i32
      %dma_wait3A_87 = arith.constant 0 : i32
      %dma_wait3A_88 = tpu.memref_slice %arg3[%add3A, %dma_wait3A, %dma_wait3A_87] : memref<32x80x128xi32, #tpu.memory_space<hbm>> -> memref<1x80x128xi32, #tpu.memory_space<hbm>>
      %dma_wait3A_89 = tpu.memref_squeeze %dma_wait3A_88 : memref<1x80x128xi32, #tpu.memory_space<hbm>> -> memref<80x128xi32, #tpu.memory_space<hbm>>
      %dma_wait3A_90 = arith.constant 0 : i32
      %dma_wait3A_91 = arith.constant 0 : i32
      %dma_wait3A_92 = tpu.memref_slice %arg3[%add3A, %dma_wait3A_90, %dma_wait3A_91] : memref<32x80x128xi32, #tpu.memory_space<hbm>> -> memref<1x80x128xi32, #tpu.memory_space<hbm>>
      %dma_wait3A_93 = tpu.memref_squeeze %dma_wait3A_92 : memref<1x80x128xi32, #tpu.memory_space<hbm>> -> memref<80x128xi32, #tpu.memory_space<hbm>>
      tpu.wait_dma2 semaphore(%run_scoped3A : memref<!tpu.dma_semaphore, #tpu.memory_space<semaphore_mem>>) src(%dma_wait3A_93 : memref<80x128xi32, #tpu.memory_space<hbm>>) dst(%arg6 : memref<80x128xi32, #tpu.memory_space<vmem>>)
      tpu.yield
    }) : () -> ()
    %broadcast_in_dim3A = arith.constant 0.000000e+00 : f32
    %broadcast_in_dim3A_1 = vector.broadcast %broadcast_in_dim3A : f32 to vector<16xf32>
    %scan3A = arith.constant 0 : i32
    %scan3A_2 = arith.constant 0 : i32
    %scan3A_3 = arith.constant 128 : i32
    %scan3A_4 = arith.addi %scan3A_2, %scan3A_3 : i32
    %scan3A_5 = arith.constant 1 : i32
    scf.for %scan3A_79 = %scan3A_2 to %scan3A_4 step %scan3A_5  : i32 {
      %swap3A = arith.index_cast %scan3A_79 : i32 to index
      %swap3A_80 = arith.constant 0 : index
      %swap3A_81 = tpu.vector_load %arg8[%swap3A, %swap3A_80] {strides = array<i32>} : memref<128x128xf32, #tpu.memory_space<vmem>>, vector<1x16xf32>,
      %swap3A_82 = vector.shape_cast %swap3A_81 : vector<1x16xf32> to vector<16xf32>
      %swap3A_83 = vector.shape_cast %broadcast_in_dim3A_1 : vector<16xf32> to vector<1x16xf32>
      tpu.vector_store %arg8[%swap3A, %swap3A_80], %swap3A_83 {strides = array<i32>} : memref<128x128xf32, #tpu.memory_space<vmem>>, vector<1x16xf32>,
      %swap3A_84 = arith.index_cast %scan3A_79 : i32 to index
      %swap3A_85 = arith.constant 16 : index
      %swap3A_86 = tpu.vector_load %arg8[%swap3A_84, %swap3A_85] {strides = array<i32>} : memref<128x128xf32, #tpu.memory_space<vmem>>, vector<1x16xf32>,
      %swap3A_87 = vector.shape_cast %swap3A_86 : vector<1x16xf32> to vector<16xf32>
      %swap3A_88 = vector.shape_cast %broadcast_in_dim3A_1 : vector<16xf32> to vector<1x16xf32>
      tpu.vector_store %arg8[%swap3A_84, %swap3A_85], %swap3A_88 {strides = array<i32>} : memref<128x128xf32, #tpu.memory_space<vmem>>, vector<1x16xf32>,
      %swap3A_89 = arith.index_cast %scan3A_79 : i32 to index
      %swap3A_90 = arith.constant 32 : index
      %swap3A_91 = tpu.vector_load %arg8[%swap3A_89, %swap3A_90] {strides = array<i32>} : memref<128x128xf32, #tpu.memory_space<vmem>>, vector<1x16xf32>,
      %swap3A_92 = vector.shape_cast %swap3A_91 : vector<1x16xf32> to vector<16xf32>
      %swap3A_93 = vector.shape_cast %broadcast_in_dim3A_1 : vector<16xf32> to vector<1x16xf32>
      tpu.vector_store %arg8[%swap3A_89, %swap3A_90], %swap3A_93 {strides = array<i32>} : memref<128x128xf32, #tpu.memory_space<vmem>>, vector<1x16xf32>,
      %swap3A_94 = arith.index_cast %scan3A_79 : i32 to index
      %swap3A_95 = arith.constant 48 : index
      %swap3A_96 = tpu.vector_load %arg8[%swap3A_94, %swap3A_95] {strides = array<i32>} : memref<128x128xf32, #tpu.memory_space<vmem>>, vector<1x16xf32>,
      %swap3A_97 = vector.shape_cast %swap3A_96 : vector<1x16xf32> to vector<16xf32>
      %swap3A_98 = vector.shape_cast %broadcast_in_dim3A_1 : vector<16xf32> to vector<1x16xf32>
      tpu.vector_store %arg8[%swap3A_94, %swap3A_95], %swap3A_98 {strides = array<i32>} : memref<128x128xf32, #tpu.memory_space<vmem>>, vector<1x16xf32>,
      %swap3A_99 = arith.index_cast %scan3A_79 : i32 to index
      %swap3A_100 = arith.constant 64 : index
      %swap3A_101 = tpu.vector_load %arg8[%swap3A_99, %swap3A_100] {strides = array<i32>} : memref<128x128xf32, #tpu.memory_space<vmem>>, vector<1x16xf32>,
      %swap3A_102 = vector.shape_cast %swap3A_101 : vector<1x16xf32> to vector<16xf32>
      %swap3A_103 = vector.shape_cast %broadcast_in_dim3A_1 : vector<16xf32> to vector<1x16xf32>
      tpu.vector_store %arg8[%swap3A_99, %swap3A_100], %swap3A_103 {strides = array<i32>} : memref<128x128xf32, #tpu.memory_space<vmem>>, vector<1x16xf32>,
      %swap3A_104 = arith.index_cast %scan3A_79 : i32 to index
      %swap3A_105 = arith.constant 80 : index
      %swap3A_106 = tpu.vector_load %arg8[%swap3A_104, %swap3A_105] {strides = array<i32>} : memref<128x128xf32, #tpu.memory_space<vmem>>, vector<1x16xf32>,
      %swap3A_107 = vector.shape_cast %swap3A_106 : vector<1x16xf32> to vector<16xf32>
      %swap3A_108 = vector.shape_cast %broadcast_in_dim3A_1 : vector<16xf32> to vector<1x16xf32>
      tpu.vector_store %arg8[%swap3A_104, %swap3A_105], %swap3A_108 {strides = array<i32>} : memref<128x128xf32, #tpu.memory_space<vmem>>, vector<1x16xf32>,
      %swap3A_109 = arith.index_cast %scan3A_79 : i32 to index
      %swap3A_110 = arith.constant 96 : index
      %swap3A_111 = tpu.vector_load %arg8[%swap3A_109, %swap3A_110] {strides = array<i32>} : memref<128x128xf32, #tpu.memory_space<vmem>>, vector<1x16xf32>,
      %swap3A_112 = vector.shape_cast %swap3A_111 : vector<1x16xf32> to vector<16xf32>
      %swap3A_113 = vector.shape_cast %broadcast_in_dim3A_1 : vector<16xf32> to vector<1x16xf32>
      tpu.vector_store %arg8[%swap3A_109, %swap3A_110], %swap3A_113 {strides = array<i32>} : memref<128x128xf32, #tpu.memory_space<vmem>>, vector<1x16xf32>,
      %swap3A_114 = arith.index_cast %scan3A_79 : i32 to index
      %swap3A_115 = arith.constant 112 : index
      %swap3A_116 = tpu.vector_load %arg8[%swap3A_114, %swap3A_115] {strides = array<i32>} : memref<128x128xf32, #tpu.memory_space<vmem>>, vector<1x16xf32>,
      %swap3A_117 = vector.shape_cast %swap3A_116 : vector<1x16xf32> to vector<16xf32>
      %swap3A_118 = vector.shape_cast %broadcast_in_dim3A_1 : vector<16xf32> to vector<1x16xf32>
      tpu.vector_store %arg8[%swap3A_114, %swap3A_115], %swap3A_118 {strides = array<i32>} : memref<128x128xf32, #tpu.memory_space<vmem>>, vector<1x16xf32>,
    }
    %scan3A_6 = arith.constant 128 : i32
    %mul3A_7 = arith.constant 640 : i32
    %mul3A_8 = arith.muli %arg1, %mul3A_7 : i32
    %add3A_9 = arith.constant 0 : i32
    %add3A_10 = arith.addi %mul3A_8, %add3A_9 : i32
    "tpu.region"() ({
      %run_scoped3A = tpu.sem_alloc : memref<!tpu.dma_semaphore, #tpu.memory_space<semaphore_mem>>
      %dma_start3A_79 = arith.constant 0 : i32
      %dma_start3A_80 = tpu.memref_slice %arg14[%add3A_10, %dma_start3A_79] : memref<10240x128xf32, #tpu.memory_space<vmem_shared>> -> memref<128x128xf32, #tpu.memory_space<vmem_shared>>
      %dma_start3A_81 = arith.constant 0 : i32
      %dma_start3A_82 = tpu.memref_slice %arg14[%add3A_10, %dma_start3A_81] : memref<10240x128xf32, #tpu.memory_space<vmem_shared>> -> memref<128x128xf32, #tpu.memory_space<vmem_shared>>
      tpu.enqueue_dma source(%arg8 : memref<128x128xf32, #tpu.memory_space<vmem>>) target(%dma_start3A_82 : memref<128x128xf32, #tpu.memory_space<vmem_shared>>) target_semaphore(%run_scoped3A : memref<!tpu.dma_semaphore, #tpu.memory_space<semaphore_mem>>)
      %dma_wait3A = arith.constant 0 : i32
      %dma_wait3A_83 = tpu.memref_slice %arg14[%add3A_10, %dma_wait3A] : memref<10240x128xf32, #tpu.memory_space<vmem_shared>> -> memref<128x128xf32, #tpu.memory_space<vmem_shared>>
      %dma_wait3A_84 = arith.constant 0 : i32
      %dma_wait3A_85 = tpu.memref_slice %arg14[%add3A_10, %dma_wait3A_84] : memref<10240x128xf32, #tpu.memory_space<vmem_shared>> -> memref<128x128xf32, #tpu.memory_space<vmem_shared>>
      tpu.wait_dma2 semaphore(%run_scoped3A : memref<!tpu.dma_semaphore, #tpu.memory_space<semaphore_mem>>) src(%arg8 : memref<128x128xf32, #tpu.memory_space<vmem>>) dst(%dma_wait3A_85 : memref<128x128xf32, #tpu.memory_space<vmem_shared>>)
      tpu.yield
    }) : () -> ()
    %mul3A_11 = arith.constant 640 : i32
    %mul3A_12 = arith.muli %arg1, %mul3A_11 : i32
    %add3A_13 = arith.constant 128 : i32
    %add3A_14 = arith.addi %mul3A_12, %add3A_13 : i32
    "tpu.region"() ({
      %run_scoped3A = tpu.sem_alloc : memref<!tpu.dma_semaphore, #tpu.memory_space<semaphore_mem>>
      %dma_start3A_79 = arith.constant 0 : i32
      %dma_start3A_80 = tpu.memref_slice %arg14[%add3A_14, %dma_start3A_79] : memref<10240x128xf32, #tpu.memory_space<vmem_shared>> -> memref<128x128xf32, #tpu.memory_space<vmem_shared>>
      %dma_start3A_81 = arith.constant 0 : i32
      %dma_start3A_82 = tpu.memref_slice %arg14[%add3A_14, %dma_start3A_81] : memref<10240x128xf32, #tpu.memory_space<vmem_shared>> -> memref<128x128xf32, #tpu.memory_space<vmem_shared>>
      tpu.enqueue_dma source(%arg8 : memref<128x128xf32, #tpu.memory_space<vmem>>) target(%dma_start3A_82 : memref<128x128xf32, #tpu.memory_space<vmem_shared>>) target_semaphore(%run_scoped3A : memref<!tpu.dma_semaphore, #tpu.memory_space<semaphore_mem>>)
      %dma_wait3A = arith.constant 0 : i32
      %dma_wait3A_83 = tpu.memref_slice %arg14[%add3A_14, %dma_wait3A] : memref<10240x128xf32, #tpu.memory_space<vmem_shared>> -> memref<128x128xf32, #tpu.memory_space<vmem_shared>>
      %dma_wait3A_84 = arith.constant 0 : i32
      %dma_wait3A_85 = tpu.memref_slice %arg14[%add3A_14, %dma_wait3A_84] : memref<10240x128xf32, #tpu.memory_space<vmem_shared>> -> memref<128x128xf32, #tpu.memory_space<vmem_shared>>
      tpu.wait_dma2 semaphore(%run_scoped3A : memref<!tpu.dma_semaphore, #tpu.memory_space<semaphore_mem>>) src(%arg8 : memref<128x128xf32, #tpu.memory_space<vmem>>) dst(%dma_wait3A_85 : memref<128x128xf32, #tpu.memory_space<vmem_shared>>)
      tpu.yield
    }) : () -> ()
    %mul3A_15 = arith.constant 640 : i32
    %mul3A_16 = arith.muli %arg1, %mul3A_15 : i32
    %add3A_17 = arith.constant 256 : i32
    %add3A_18 = arith.addi %mul3A_16, %add3A_17 : i32
    "tpu.region"() ({
      %run_scoped3A = tpu.sem_alloc : memref<!tpu.dma_semaphore, #tpu.memory_space<semaphore_mem>>
      %dma_start3A_79 = arith.constant 0 : i32
      %dma_start3A_80 = tpu.memref_slice %arg14[%add3A_18, %dma_start3A_79] : memref<10240x128xf32, #tpu.memory_space<vmem_shared>> -> memref<128x128xf32, #tpu.memory_space<vmem_shared>>
      %dma_start3A_81 = arith.constant 0 : i32
      %dma_start3A_82 = tpu.memref_slice %arg14[%add3A_18, %dma_start3A_81] : memref<10240x128xf32, #tpu.memory_space<vmem_shared>> -> memref<128x128xf32, #tpu.memory_space<vmem_shared>>
      tpu.enqueue_dma source(%arg8 : memref<128x128xf32, #tpu.memory_space<vmem>>) target(%dma_start3A_82 : memref<128x128xf32, #tpu.memory_space<vmem_shared>>) target_semaphore(%run_scoped3A : memref<!tpu.dma_semaphore, #tpu.memory_space<semaphore_mem>>)
      %dma_wait3A = arith.constant 0 : i32
      %dma_wait3A_83 = tpu.memref_slice %arg14[%add3A_18, %dma_wait3A] : memref<10240x128xf32, #tpu.memory_space<vmem_shared>> -> memref<128x128xf32, #tpu.memory_space<vmem_shared>>
      %dma_wait3A_84 = arith.constant 0 : i32
      %dma_wait3A_85 = tpu.memref_slice %arg14[%add3A_18, %dma_wait3A_84] : memref<10240x128xf32, #tpu.memory_space<vmem_shared>> -> memref<128x128xf32, #tpu.memory_space<vmem_shared>>
      tpu.wait_dma2 semaphore(%run_scoped3A : memref<!tpu.dma_semaphore, #tpu.memory_space<semaphore_mem>>) src(%arg8 : memref<128x128xf32, #tpu.memory_space<vmem>>) dst(%dma_wait3A_85 : memref<128x128xf32, #tpu.memory_space<vmem_shared>>)
      tpu.yield
    }) : () -> ()
    %mul3A_19 = arith.constant 640 : i32
    %mul3A_20 = arith.muli %arg1, %mul3A_19 : i32
    %add3A_21 = arith.constant 384 : i32
    %add3A_22 = arith.addi %mul3A_20, %add3A_21 : i32
    "tpu.region"() ({
      %run_scoped3A = tpu.sem_alloc : memref<!tpu.dma_semaphore, #tpu.memory_space<semaphore_mem>>
      %dma_start3A_79 = arith.constant 0 : i32
      %dma_start3A_80 = tpu.memref_slice %arg14[%add3A_22, %dma_start3A_79] : memref<10240x128xf32, #tpu.memory_space<vmem_shared>> -> memref<128x128xf32, #tpu.memory_space<vmem_shared>>
      %dma_start3A_81 = arith.constant 0 : i32
      %dma_start3A_82 = tpu.memref_slice %arg14[%add3A_22, %dma_start3A_81] : memref<10240x128xf32, #tpu.memory_space<vmem_shared>> -> memref<128x128xf32, #tpu.memory_space<vmem_shared>>
      tpu.enqueue_dma source(%arg8 : memref<128x128xf32, #tpu.memory_space<vmem>>) target(%dma_start3A_82 : memref<128x128xf32, #tpu.memory_space<vmem_shared>>) target_semaphore(%run_scoped3A : memref<!tpu.dma_semaphore, #tpu.memory_space<semaphore_mem>>)
      %dma_wait3A = arith.constant 0 : i32
      %dma_wait3A_83 = tpu.memref_slice %arg14[%add3A_22, %dma_wait3A] : memref<10240x128xf32, #tpu.memory_space<vmem_shared>> -> memref<128x128xf32, #tpu.memory_space<vmem_shared>>
      %dma_wait3A_84 = arith.constant 0 : i32
      %dma_wait3A_85 = tpu.memref_slice %arg14[%add3A_22, %dma_wait3A_84] : memref<10240x128xf32, #tpu.memory_space<vmem_shared>> -> memref<128x128xf32, #tpu.memory_space<vmem_shared>>
      tpu.wait_dma2 semaphore(%run_scoped3A : memref<!tpu.dma_semaphore, #tpu.memory_space<semaphore_mem>>) src(%arg8 : memref<128x128xf32, #tpu.memory_space<vmem>>) dst(%dma_wait3A_85 : memref<128x128xf32, #tpu.memory_space<vmem_shared>>)
      tpu.yield
    }) : () -> ()
    %mul3A_23 = arith.constant 640 : i32
    %mul3A_24 = arith.muli %arg1, %mul3A_23 : i32
    %add3A_25 = arith.constant 512 : i32
    %add3A_26 = arith.addi %mul3A_24, %add3A_25 : i32
    "tpu.region"() ({
      %run_scoped3A = tpu.sem_alloc : memref<!tpu.dma_semaphore, #tpu.memory_space<semaphore_mem>>
      %dma_start3A_79 = arith.constant 0 : i32
      %dma_start3A_80 = tpu.memref_slice %arg14[%add3A_26, %dma_start3A_79] : memref<10240x128xf32, #tpu.memory_space<vmem_shared>> -> memref<128x128xf32, #tpu.memory_space<vmem_shared>>
      %dma_start3A_81 = arith.constant 0 : i32
      %dma_start3A_82 = tpu.memref_slice %arg14[%add3A_26, %dma_start3A_81] : memref<10240x128xf32, #tpu.memory_space<vmem_shared>> -> memref<128x128xf32, #tpu.memory_space<vmem_shared>>
      tpu.enqueue_dma source(%arg8 : memref<128x128xf32, #tpu.memory_space<vmem>>) target(%dma_start3A_82 : memref<128x128xf32, #tpu.memory_space<vmem_shared>>) target_semaphore(%run_scoped3A : memref<!tpu.dma_semaphore, #tpu.memory_space<semaphore_mem>>)
      %dma_wait3A = arith.constant 0 : i32
      %dma_wait3A_83 = tpu.memref_slice %arg14[%add3A_26, %dma_wait3A] : memref<10240x128xf32, #tpu.memory_space<vmem_shared>> -> memref<128x128xf32, #tpu.memory_space<vmem_shared>>
      %dma_wait3A_84 = arith.constant 0 : i32
      %dma_wait3A_85 = tpu.memref_slice %arg14[%add3A_26, %dma_wait3A_84] : memref<10240x128xf32, #tpu.memory_space<vmem_shared>> -> memref<128x128xf32, #tpu.memory_space<vmem_shared>>
      tpu.wait_dma2 semaphore(%run_scoped3A : memref<!tpu.dma_semaphore, #tpu.memory_space<semaphore_mem>>) src(%arg8 : memref<128x128xf32, #tpu.memory_space<vmem>>) dst(%dma_wait3A_85 : memref<128x128xf32, #tpu.memory_space<vmem_shared>>)
      tpu.yield
    }) : () -> ()
    %barrier3A = arith.constant 0 : index
    tpu.barrier barrier_id(%barrier3A)
    %dma_start3A = arith.constant 0 : i32
    %dma_start3A_27 = arith.constant 0 : i32
    %dma_start3A_28 = tpu.memref_slice %arg6[%dma_start3A, %dma_start3A_27] : memref<80x128xi32, #tpu.memory_space<vmem>> -> memref<1x128xi32, #tpu.memory_space<vmem>>
    %dma_start3A_29 = tpu.memref_squeeze %dma_start3A_28 : memref<1x128xi32, #tpu.memory_space<vmem>> -> memref<128xi32, #tpu.memory_space<vmem>>
    %dma_start3A_30 = arith.constant 0 : i32
    %dma_start3A_31 = arith.constant 0 : i32
    %dma_start3A_32 = tpu.memref_slice %arg2[%dma_start3A_30, %dma_start3A_31] : memref<10240x128xf32, #tpu.memory_space<hbm>> -> memref<10240x128xf32, #tpu.memory_space<hbm>>
    tpu.enqueue_indirect_dma source(%dma_start3A_32 : memref<10240x128xf32, #tpu.memory_space<hbm>>) target(%arg8 : memref<128x128xf32, #tpu.memory_space<vmem>>) offsets(%dma_start3A_29 : memref<128xi32, #tpu.memory_space<vmem>>) semaphore(%arg10 : memref<!tpu.dma_semaphore, #tpu.memory_space<semaphore_mem>>)
    %dma_start3A_33 = arith.constant 1 : i32
    %dma_start3A_34 = arith.constant 0 : i32
    %dma_start3A_35 = tpu.memref_slice %arg6[%dma_start3A_33, %dma_start3A_34] : memref<80x128xi32, #tpu.memory_space<vmem>> -> memref<1x128xi32, #tpu.memory_space<vmem>>
    %dma_start3A_36 = tpu.memref_squeeze %dma_start3A_35 : memref<1x128xi32, #tpu.memory_space<vmem>> -> memref<128xi32, #tpu.memory_space<vmem>>
    %dma_start3A_37 = arith.constant 0 : i32
    %dma_start3A_38 = arith.constant 0 : i32
    %dma_start3A_39 = tpu.memref_slice %arg2[%dma_start3A_37, %dma_start3A_38] : memref<10240x128xf32, #tpu.memory_space<hbm>> -> memref<10240x128xf32, #tpu.memory_space<hbm>>
    tpu.enqueue_indirect_dma source(%dma_start3A_39 : memref<10240x128xf32, #tpu.memory_space<hbm>>) target(%arg9 : memref<128x128xf32, #tpu.memory_space<vmem>>) offsets(%dma_start3A_36 : memref<128xi32, #tpu.memory_space<vmem>>) semaphore(%arg11 : memref<!tpu.dma_semaphore, #tpu.memory_space<semaphore_mem>>)
    %dma_start3A_40 = arith.constant 0 : i32
    %dma_start3A_41 = arith.constant 0 : i32
    %dma_start3A_42 = arith.constant 0 : i32
    %dma_start3A_43 = tpu.memref_slice %arg7[%dma_start3A_41, %dma_start3A_42] : memref<2x128xi32, #tpu.memory_space<vmem>> -> memref<1x128xi32, #tpu.memory_space<vmem>>
    %dma_start3A_44 = tpu.memref_squeeze %dma_start3A_43 : memref<1x128xi32, #tpu.memory_space<vmem>> -> memref<128xi32, #tpu.memory_space<vmem>>
    %dma_start3A_45 = arith.constant 0 : i32
    %dma_start3A_46 = tpu.memref_slice %arg4[%add3A, %dma_start3A_40, %dma_start3A_45] : memref<32x80x128xi32, #tpu.memory_space<hbm>> -> memref<1x1x128xi32, #tpu.memory_space<hbm>>
    %dma_start3A_47 = tpu.memref_squeeze %dma_start3A_46 : memref<1x1x128xi32, #tpu.memory_space<hbm>> -> memref<128xi32, #tpu.memory_space<hbm>>
    %dma_start3A_48 = arith.constant 0 : i32
    %dma_start3A_49 = tpu.memref_slice %arg7[%dma_start3A_41, %dma_start3A_48] : memref<2x128xi32, #tpu.memory_space<vmem>> -> memref<1x128xi32, #tpu.memory_space<vmem>>
    %dma_start3A_50 = tpu.memref_squeeze %dma_start3A_49 : memref<1x128xi32, #tpu.memory_space<vmem>> -> memref<128xi32, #tpu.memory_space<vmem>>
    %dma_start3A_51 = arith.constant 0 : i32
    %dma_start3A_52 = tpu.memref_slice %arg4[%add3A, %dma_start3A_40, %dma_start3A_51] : memref<32x80x128xi32, #tpu.memory_space<hbm>> -> memref<1x1x128xi32, #tpu.memory_space<hbm>>
    %dma_start3A_53 = tpu.memref_squeeze %dma_start3A_52 : memref<1x1x128xi32, #tpu.memory_space<hbm>> -> memref<128xi32, #tpu.memory_space<hbm>>
    tpu.enqueue_dma source(%dma_start3A_53 : memref<128xi32, #tpu.memory_space<hbm>>) target(%dma_start3A_50 : memref<128xi32, #tpu.memory_space<vmem>>) target_semaphore(%arg12 : memref<!tpu.dma_semaphore, #tpu.memory_space<semaphore_mem>>)
    %dma_start3A_54 = arith.constant 1 : i32
    %dma_start3A_55 = arith.constant 1 : i32
    %dma_start3A_56 = arith.constant 0 : i32
    %dma_start3A_57 = tpu.memref_slice %arg7[%dma_start3A_55, %dma_start3A_56] : memref<2x128xi32, #tpu.memory_space<vmem>> -> memref<1x128xi32, #tpu.memory_space<vmem>>
    %dma_start3A_58 = tpu.memref_squeeze %dma_start3A_57 : memref<1x128xi32, #tpu.memory_space<vmem>> -> memref<128xi32, #tpu.memory_space<vmem>>
    %dma_start3A_59 = arith.constant 0 : i32
    %dma_start3A_60 = tpu.memref_slice %arg4[%add3A, %dma_start3A_54, %dma_start3A_59] : memref<32x80x128xi32, #tpu.memory_space<hbm>> -> memref<1x1x128xi32, #tpu.memory_space<hbm>>
    %dma_start3A_61 = tpu.memref_squeeze %dma_start3A_60 : memref<1x1x128xi32, #tpu.memory_space<hbm>> -> memref<128xi32, #tpu.memory_space<hbm>>
    %dma_start3A_62 = arith.constant 0 : i32
    %dma_start3A_63 = tpu.memref_slice %arg7[%dma_start3A_55, %dma_start3A_62] : memref<2x128xi32, #tpu.memory_space<vmem>> -> memref<1x128xi32, #tpu.memory_space<vmem>>
    %dma_start3A_64 = tpu.memref_squeeze %dma_start3A_63 : memref<1x128xi32, #tpu.memory_space<vmem>> -> memref<128xi32, #tpu.memory_space<vmem>>
    %dma_start3A_65 = arith.constant 0 : i32
    %dma_start3A_66 = tpu.memref_slice %arg4[%add3A, %dma_start3A_54, %dma_start3A_65] : memref<32x80x128xi32, #tpu.memory_space<hbm>> -> memref<1x1x128xi32, #tpu.memory_space<hbm>>
    %dma_start3A_67 = tpu.memref_squeeze %dma_start3A_66 : memref<1x1x128xi32, #tpu.memory_space<hbm>> -> memref<128xi32, #tpu.memory_space<hbm>>
    tpu.enqueue_dma source(%dma_start3A_67 : memref<128xi32, #tpu.memory_space<hbm>>) target(%dma_start3A_64 : memref<128xi32, #tpu.memory_space<vmem>>) target_semaphore(%arg13 : memref<!tpu.dma_semaphore, #tpu.memory_space<semaphore_mem>>)
    %scan3A_68 = arith.constant 0 : i32
    %scan3A_69 = arith.constant 0 : i32
    %scan3A_70 = arith.constant 40 : i32
    %scan3A_71 = arith.addi %scan3A_69, %scan3A_70 : i32
    %scan3A_72 = arith.constant 1 : i32
    scf.for %scan3A_79 = %scan3A_69 to %scan3A_71 step %scan3A_72  : i32 {
      %mul3A_80 = arith.constant 2 : i32
      %mul3A_81 = arith.muli %scan3A_79, %mul3A_80 : i32
      %dma_wait3A = arith.constant 0 : i32
      %dma_wait3A_82 = tpu.memref_slice %arg6[%mul3A_81, %dma_wait3A] : memref<80x128xi32, #tpu.memory_space<vmem>> -> memref<1x128xi32, #tpu.memory_space<vmem>>
      %dma_wait3A_83 = tpu.memref_squeeze %dma_wait3A_82 : memref<1x128xi32, #tpu.memory_space<vmem>> -> memref<128xi32, #tpu.memory_space<vmem>>
      %dma_wait3A_84 = arith.constant 0 : i32
      %dma_wait3A_85 = arith.constant 0 : i32
      %dma_wait3A_86 = tpu.memref_slice %arg2[%dma_wait3A_84, %dma_wait3A_85] : memref<10240x128xf32, #tpu.memory_space<hbm>> -> memref<10240x128xf32, #tpu.memory_space<hbm>>
      tpu.wait_indirect_dma semaphore(%arg10 : memref<!tpu.dma_semaphore, #tpu.memory_space<semaphore_mem>>) src(%dma_wait3A_86 : memref<10240x128xf32, #tpu.memory_space<hbm>>) dst(%arg8 : memref<128x128xf32, #tpu.memory_space<vmem>>)
      %dma_wait3A_87 = arith.constant 0 : i32
      %dma_wait3A_88 = arith.constant 0 : i32
      %dma_wait3A_89 = tpu.memref_slice %arg7[%dma_wait3A_87, %dma_wait3A_88] : memref<2x128xi32, #tpu.memory_space<vmem>> -> memref<1x128xi32, #tpu.memory_space<vmem>>
      %dma_wait3A_90 = tpu.memref_squeeze %dma_wait3A_89 : memref<1x128xi32, #tpu.memory_space<vmem>> -> memref<128xi32, #tpu.memory_space<vmem>>
      %dma_wait3A_91 = arith.constant 0 : i32
      %dma_wait3A_92 = tpu.memref_slice %arg4[%add3A, %mul3A_81, %dma_wait3A_91] : memref<32x80x128xi32, #tpu.memory_space<hbm>> -> memref<1x1x128xi32, #tpu.memory_space<hbm>>
      %dma_wait3A_93 = tpu.memref_squeeze %dma_wait3A_92 : memref<1x1x128xi32, #tpu.memory_space<hbm>> -> memref<128xi32, #tpu.memory_space<hbm>>
      %dma_wait3A_94 = arith.constant 0 : i32
      %dma_wait3A_95 = tpu.memref_slice %arg7[%dma_wait3A_87, %dma_wait3A_94] : memref<2x128xi32, #tpu.memory_space<vmem>> -> memref<1x128xi32, #tpu.memory_space<vmem>>
      %dma_wait3A_96 = tpu.memref_squeeze %dma_wait3A_95 : memref<1x128xi32, #tpu.memory_space<vmem>> -> memref<128xi32, #tpu.memory_space<vmem>>
      %dma_wait3A_97 = arith.constant 0 : i32
      %dma_wait3A_98 = tpu.memref_slice %arg4[%add3A, %mul3A_81, %dma_wait3A_97] : memref<32x80x128xi32, #tpu.memory_space<hbm>> -> memref<1x1x128xi32, #tpu.memory_space<hbm>>
      %dma_wait3A_99 = tpu.memref_squeeze %dma_wait3A_98 : memref<1x1x128xi32, #tpu.memory_space<hbm>> -> memref<128xi32, #tpu.memory_space<hbm>>
      tpu.wait_dma2 semaphore(%arg12 : memref<!tpu.dma_semaphore, #tpu.memory_space<semaphore_mem>>) src(%dma_wait3A_99 : memref<128xi32, #tpu.memory_space<hbm>>) dst(%dma_wait3A_96 : memref<128xi32, #tpu.memory_space<vmem>>)
      %run_scoped3A = arith.constant 0 : i32
      "tpu.region"() ({
        %run_scoped3A_133 = tpu.sem_alloc : memref<!tpu.dma_semaphore, #tpu.memory_space<semaphore_mem>>
        %dma_start3A_134 = arith.constant 0 : i32
        %dma_start3A_135 = tpu.memref_slice %arg7[%run_scoped3A, %dma_start3A_134] : memref<2x128xi32, #tpu.memory_space<vmem>> -> memref<1x128xi32, #tpu.memory_space<vmem>>
        %dma_start3A_136 = tpu.memref_squeeze %dma_start3A_135 : memref<1x128xi32, #tpu.memory_space<vmem>> -> memref<128xi32, #tpu.memory_space<vmem>>
        %dma_start3A_137 = arith.constant 0 : i32
        %dma_start3A_138 = arith.constant 0 : i32
        %dma_start3A_139 = tpu.memref_slice %arg14[%dma_start3A_137, %dma_start3A_138] : memref<10240x128xf32, #tpu.memory_space<vmem_shared>> -> memref<10240x128xf32, #tpu.memory_space<vmem_shared>>
        tpu.enqueue_indirect_dma source(%arg8 : memref<128x128xf32, #tpu.memory_space<vmem>>) target(%dma_start3A_139 : memref<10240x128xf32, #tpu.memory_space<vmem_shared>>) offsets(%dma_start3A_136 : memref<128xi32, #tpu.memory_space<vmem>>) semaphore(%run_scoped3A_133 : memref<!tpu.dma_semaphore, #tpu.memory_space<semaphore_mem>>) {add = true}
        %dma_wait3A_140 = arith.constant 0 : i32
        %dma_wait3A_141 = tpu.memref_slice %arg7[%run_scoped3A, %dma_wait3A_140] : memref<2x128xi32, #tpu.memory_space<vmem>> -> memref<1x128xi32, #tpu.memory_space<vmem>>
        %dma_wait3A_142 = tpu.memref_squeeze %dma_wait3A_141 : memref<1x128xi32, #tpu.memory_space<vmem>> -> memref<128xi32, #tpu.memory_space<vmem>>
        %dma_wait3A_143 = arith.constant 0 : i32
        %dma_wait3A_144 = arith.constant 0 : i32
        %dma_wait3A_145 = tpu.memref_slice %arg14[%dma_wait3A_143, %dma_wait3A_144] : memref<10240x128xf32, #tpu.memory_space<vmem_shared>> -> memref<10240x128xf32, #tpu.memory_space<vmem_shared>>
        tpu.wait_indirect_dma semaphore(%run_scoped3A_133 : memref<!tpu.dma_semaphore, #tpu.memory_space<semaphore_mem>>) src(%arg8 : memref<128x128xf32, #tpu.memory_space<vmem>>) dst(%dma_wait3A_145 : memref<10240x128xf32, #tpu.memory_space<vmem_shared>>)
        tpu.yield
      }) : () -> ()
      %add3A_100 = arith.constant 2 : i32
      %add3A_101 = arith.addi %mul3A_81, %add3A_100 : i32
      %lt3A = arith.constant 80 : i32
      %lt3A_102 = arith.cmpi slt, %add3A_101, %lt3A : i32
      %convert_element_type3A = arith.extui %lt3A_102 : i1 to i32
      %cond3A = arith.constant 0 : i32
      %cond3A_103 = arith.cmpi ne, %convert_element_type3A, %cond3A : i32
      scf.if %cond3A_103 {
        %add3A_133 = arith.constant 2 : i32
        %add3A_134 = arith.addi %mul3A_81, %add3A_133 : i32
        %dma_start3A_135 = arith.constant 0 : i32
        %dma_start3A_136 = tpu.memref_slice %arg6[%add3A_134, %dma_start3A_135] : memref<80x128xi32, #tpu.memory_space<vmem>> -> memref<1x128xi32, #tpu.memory_space<vmem>>
        %dma_start3A_137 = tpu.memref_squeeze %dma_start3A_136 : memref<1x128xi32, #tpu.memory_space<vmem>> -> memref<128xi32, #tpu.memory_space<vmem>>
        %dma_start3A_138 = arith.constant 0 : i32
        %dma_start3A_139 = arith.constant 0 : i32
        %dma_start3A_140 = tpu.memref_slice %arg2[%dma_start3A_138, %dma_start3A_139] : memref<10240x128xf32, #tpu.memory_space<hbm>> -> memref<10240x128xf32, #tpu.memory_space<hbm>>
        tpu.enqueue_indirect_dma source(%dma_start3A_140 : memref<10240x128xf32, #tpu.memory_space<hbm>>) target(%arg8 : memref<128x128xf32, #tpu.memory_space<vmem>>) offsets(%dma_start3A_137 : memref<128xi32, #tpu.memory_space<vmem>>) semaphore(%arg10 : memref<!tpu.dma_semaphore, #tpu.memory_space<semaphore_mem>>)
        %add3A_141 = arith.constant 2 : i32
        %add3A_142 = arith.addi %mul3A_81, %add3A_141 : i32
        %dma_start3A_143 = arith.constant 0 : i32
        %dma_start3A_144 = arith.constant 0 : i32
        %dma_start3A_145 = tpu.memref_slice %arg7[%dma_start3A_143, %dma_start3A_144] : memref<2x128xi32, #tpu.memory_space<vmem>> -> memref<1x128xi32, #tpu.memory_space<vmem>>
        %dma_start3A_146 = tpu.memref_squeeze %dma_start3A_145 : memref<1x128xi32, #tpu.memory_space<vmem>> -> memref<128xi32, #tpu.memory_space<vmem>>
        %dma_start3A_147 = arith.constant 0 : i32
        %dma_start3A_148 = tpu.memref_slice %arg4[%add3A, %add3A_142, %dma_start3A_147] : memref<32x80x128xi32, #tpu.memory_space<hbm>> -> memref<1x1x128xi32, #tpu.memory_space<hbm>>
        %dma_start3A_149 = tpu.memref_squeeze %dma_start3A_148 : memref<1x1x128xi32, #tpu.memory_space<hbm>> -> memref<128xi32, #tpu.memory_space<hbm>>
        %dma_start3A_150 = arith.constant 0 : i32
        %dma_start3A_151 = tpu.memref_slice %arg7[%dma_start3A_143, %dma_start3A_150] : memref<2x128xi32, #tpu.memory_space<vmem>> -> memref<1x128xi32, #tpu.memory_space<vmem>>
        %dma_start3A_152 = tpu.memref_squeeze %dma_start3A_151 : memref<1x128xi32, #tpu.memory_space<vmem>> -> memref<128xi32, #tpu.memory_space<vmem>>
        %dma_start3A_153 = arith.constant 0 : i32
        %dma_start3A_154 = tpu.memref_slice %arg4[%add3A, %add3A_142, %dma_start3A_153] : memref<32x80x128xi32, #tpu.memory_space<hbm>> -> memref<1x1x128xi32, #tpu.memory_space<hbm>>
        %dma_start3A_155 = tpu.memref_squeeze %dma_start3A_154 : memref<1x1x128xi32, #tpu.memory_space<hbm>> -> memref<128xi32, #tpu.memory_space<hbm>>
        tpu.enqueue_dma source(%dma_start3A_155 : memref<128xi32, #tpu.memory_space<hbm>>) target(%dma_start3A_152 : memref<128xi32, #tpu.memory_space<vmem>>) target_semaphore(%arg12 : memref<!tpu.dma_semaphore, #tpu.memory_space<semaphore_mem>>)
      } else {
      }
      %add3A_104 = arith.constant 1 : i32
      %add3A_105 = arith.addi %mul3A_81, %add3A_104 : i32
      %dma_wait3A_106 = arith.constant 0 : i32
      %dma_wait3A_107 = tpu.memref_slice %arg6[%add3A_105, %dma_wait3A_106] : memref<80x128xi32, #tpu.memory_space<vmem>> -> memref<1x128xi32, #tpu.memory_space<vmem>>
      %dma_wait3A_108 = tpu.memref_squeeze %dma_wait3A_107 : memref<1x128xi32, #tpu.memory_space<vmem>> -> memref<128xi32, #tpu.memory_space<vmem>>
      %dma_wait3A_109 = arith.constant 0 : i32
      %dma_wait3A_110 = arith.constant 0 : i32
      %dma_wait3A_111 = tpu.memref_slice %arg2[%dma_wait3A_109, %dma_wait3A_110] : memref<10240x128xf32, #tpu.memory_space<hbm>> -> memref<10240x128xf32, #tpu.memory_space<hbm>>
      tpu.wait_indirect_dma semaphore(%arg11 : memref<!tpu.dma_semaphore, #tpu.memory_space<semaphore_mem>>) src(%dma_wait3A_111 : memref<10240x128xf32, #tpu.memory_space<hbm>>) dst(%arg9 : memref<128x128xf32, #tpu.memory_space<vmem>>)
      %dma_wait3A_112 = arith.constant 1 : i32
      %dma_wait3A_113 = arith.constant 0 : i32
      %dma_wait3A_114 = tpu.memref_slice %arg7[%dma_wait3A_112, %dma_wait3A_113] : memref<2x128xi32, #tpu.memory_space<vmem>> -> memref<1x128xi32, #tpu.memory_space<vmem>>
      %dma_wait3A_115 = tpu.memref_squeeze %dma_wait3A_114 : memref<1x128xi32, #tpu.memory_space<vmem>> -> memref<128xi32, #tpu.memory_space<vmem>>
      %dma_wait3A_116 = arith.constant 0 : i32
      %dma_wait3A_117 = tpu.memref_slice %arg4[%add3A, %add3A_105, %dma_wait3A_116] : memref<32x80x128xi32, #tpu.memory_space<hbm>> -> memref<1x1x128xi32, #tpu.memory_space<hbm>>
      %dma_wait3A_118 = tpu.memref_squeeze %dma_wait3A_117 : memref<1x1x128xi32, #tpu.memory_space<hbm>> -> memref<128xi32, #tpu.memory_space<hbm>>
      %dma_wait3A_119 = arith.constant 0 : i32
      %dma_wait3A_120 = tpu.memref_slice %arg7[%dma_wait3A_112, %dma_wait3A_119] : memref<2x128xi32, #tpu.memory_space<vmem>> -> memref<1x128xi32, #tpu.memory_space<vmem>>
      %dma_wait3A_121 = tpu.memref_squeeze %dma_wait3A_120 : memref<1x128xi32, #tpu.memory_space<vmem>> -> memref<128xi32, #tpu.memory_space<vmem>>
      %dma_wait3A_122 = arith.constant 0 : i32
      %dma_wait3A_123 = tpu.memref_slice %arg4[%add3A, %add3A_105, %dma_wait3A_122] : memref<32x80x128xi32, #tpu.memory_space<hbm>> -> memref<1x1x128xi32, #tpu.memory_space<hbm>>
      %dma_wait3A_124 = tpu.memref_squeeze %dma_wait3A_123 : memref<1x1x128xi32, #tpu.memory_space<hbm>> -> memref<128xi32, #tpu.memory_space<hbm>>
      tpu.wait_dma2 semaphore(%arg13 : memref<!tpu.dma_semaphore, #tpu.memory_space<semaphore_mem>>) src(%dma_wait3A_124 : memref<128xi32, #tpu.memory_space<hbm>>) dst(%dma_wait3A_121 : memref<128xi32, #tpu.memory_space<vmem>>)
      %run_scoped3A_125 = arith.constant 1 : i32
      "tpu.region"() ({
        %run_scoped3A_133 = tpu.sem_alloc : memref<!tpu.dma_semaphore, #tpu.memory_space<semaphore_mem>>
        %dma_start3A_134 = arith.constant 0 : i32
        %dma_start3A_135 = tpu.memref_slice %arg7[%run_scoped3A_125, %dma_start3A_134] : memref<2x128xi32, #tpu.memory_space<vmem>> -> memref<1x128xi32, #tpu.memory_space<vmem>>
        %dma_start3A_136 = tpu.memref_squeeze %dma_start3A_135 : memref<1x128xi32, #tpu.memory_space<vmem>> -> memref<128xi32, #tpu.memory_space<vmem>>
        %dma_start3A_137 = arith.constant 0 : i32
        %dma_start3A_138 = arith.constant 0 : i32
        %dma_start3A_139 = tpu.memref_slice %arg14[%dma_start3A_137, %dma_start3A_138] : memref<10240x128xf32, #tpu.memory_space<vmem_shared>> -> memref<10240x128xf32, #tpu.memory_space<vmem_shared>>
        tpu.enqueue_indirect_dma source(%arg9 : memref<128x128xf32, #tpu.memory_space<vmem>>) target(%dma_start3A_139 : memref<10240x128xf32, #tpu.memory_space<vmem_shared>>) offsets(%dma_start3A_136 : memref<128xi32, #tpu.memory_space<vmem>>) semaphore(%run_scoped3A_133 : memref<!tpu.dma_semaphore, #tpu.memory_space<semaphore_mem>>) {add = true}
        %dma_wait3A_140 = arith.constant 0 : i32
        %dma_wait3A_141 = tpu.memref_slice %arg7[%run_scoped3A_125, %dma_wait3A_140] : memref<2x128xi32, #tpu.memory_space<vmem>> -> memref<1x128xi32, #tpu.memory_space<vmem>>
        %dma_wait3A_142 = tpu.memref_squeeze %dma_wait3A_141 : memref<1x128xi32, #tpu.memory_space<vmem>> -> memref<128xi32, #tpu.memory_space<vmem>>
        %dma_wait3A_143 = arith.constant 0 : i32
        %dma_wait3A_144 = arith.constant 0 : i32
        %dma_wait3A_145 = tpu.memref_slice %arg14[%dma_wait3A_143, %dma_wait3A_144] : memref<10240x128xf32, #tpu.memory_space<vmem_shared>> -> memref<10240x128xf32, #tpu.memory_space<vmem_shared>>
        tpu.wait_indirect_dma semaphore(%run_scoped3A_133 : memref<!tpu.dma_semaphore, #tpu.memory_space<semaphore_mem>>) src(%arg9 : memref<128x128xf32, #tpu.memory_space<vmem>>) dst(%dma_wait3A_145 : memref<10240x128xf32, #tpu.memory_space<vmem_shared>>)
        tpu.yield
      }) : () -> ()
      %add3A_126 = arith.constant 2 : i32
      %add3A_127 = arith.addi %add3A_105, %add3A_126 : i32
      %lt3A_128 = arith.constant 80 : i32
      %lt3A_129 = arith.cmpi slt, %add3A_127, %lt3A_128 : i32
      %convert_element_type3A_130 = arith.extui %lt3A_129 : i1 to i32
      %cond3A_131 = arith.constant 0 : i32
      %cond3A_132 = arith.cmpi ne, %convert_element_type3A_130, %cond3A_131 : i32
      scf.if %cond3A_132 {
        %add3A_133 = arith.constant 2 : i32
        %add3A_134 = arith.addi %add3A_105, %add3A_133 : i32
        %dma_start3A_135 = arith.constant 0 : i32
        %dma_start3A_136 = tpu.memref_slice %arg6[%add3A_134, %dma_start3A_135] : memref<80x128xi32, #tpu.memory_space<vmem>> -> memref<1x128xi32, #tpu.memory_space<vmem>>
        %dma_start3A_137 = tpu.memref_squeeze %dma_start3A_136 : memref<1x128xi32, #tpu.memory_space<vmem>> -> memref<128xi32, #tpu.memory_space<vmem>>
        %dma_start3A_138 = arith.constant 0 : i32
        %dma_start3A_139 = arith.constant 0 : i32
        %dma_start3A_140 = tpu.memref_slice %arg2[%dma_start3A_138, %dma_start3A_139] : memref<10240x128xf32, #tpu.memory_space<hbm>> -> memref<10240x128xf32, #tpu.memory_space<hbm>>
        tpu.enqueue_indirect_dma source(%dma_start3A_140 : memref<10240x128xf32, #tpu.memory_space<hbm>>) target(%arg9 : memref<128x128xf32, #tpu.memory_space<vmem>>) offsets(%dma_start3A_137 : memref<128xi32, #tpu.memory_space<vmem>>) semaphore(%arg11 : memref<!tpu.dma_semaphore, #tpu.memory_space<semaphore_mem>>)
        %add3A_141 = arith.constant 2 : i32
        %add3A_142 = arith.addi %add3A_105, %add3A_141 : i32
        %dma_start3A_143 = arith.constant 1 : i32
        %dma_start3A_144 = arith.constant 0 : i32
        %dma_start3A_145 = tpu.memref_slice %arg7[%dma_start3A_143, %dma_start3A_144] : memref<2x128xi32, #tpu.memory_space<vmem>> -> memref<1x128xi32, #tpu.memory_space<vmem>>
        %dma_start3A_146 = tpu.memref_squeeze %dma_start3A_145 : memref<1x128xi32, #tpu.memory_space<vmem>> -> memref<128xi32, #tpu.memory_space<vmem>>
        %dma_start3A_147 = arith.constant 0 : i32
        %dma_start3A_148 = tpu.memref_slice %arg4[%add3A, %add3A_142, %dma_start3A_147] : memref<32x80x128xi32, #tpu.memory_space<hbm>> -> memref<1x1x128xi32, #tpu.memory_space<hbm>>
        %dma_start3A_149 = tpu.memref_squeeze %dma_start3A_148 : memref<1x1x128xi32, #tpu.memory_space<hbm>> -> memref<128xi32, #tpu.memory_space<hbm>>
        %dma_start3A_150 = arith.constant 0 : i32
        %dma_start3A_151 = tpu.memref_slice %arg7[%dma_start3A_143, %dma_start3A_150] : memref<2x128xi32, #tpu.memory_space<vmem>> -> memref<1x128xi32, #tpu.memory_space<vmem>>
        %dma_start3A_152 = tpu.memref_squeeze %dma_start3A_151 : memref<1x128xi32, #tpu.memory_space<vmem>> -> memref<128xi32, #tpu.memory_space<vmem>>
        %dma_start3A_153 = arith.constant 0 : i32
        %dma_start3A_154 = tpu.memref_slice %arg4[%add3A, %add3A_142, %dma_start3A_153] : memref<32x80x128xi32, #tpu.memory_space<hbm>> -> memref<1x1x128xi32, #tpu.memory_space<hbm>>
        %dma_start3A_155 = tpu.memref_squeeze %dma_start3A_154 : memref<1x1x128xi32, #tpu.memory_space<hbm>> -> memref<128xi32, #tpu.memory_space<hbm>>
        tpu.enqueue_dma source(%dma_start3A_155 : memref<128xi32, #tpu.memory_space<hbm>>) target(%dma_start3A_152 : memref<128xi32, #tpu.memory_space<vmem>>) target_semaphore(%arg13 : memref<!tpu.dma_semaphore, #tpu.memory_space<semaphore_mem>>)
      } else {
      }
    }
    %scan3A_73 = arith.constant 40 : i32
    %barrier3A_74 = arith.constant 0 : index
    tpu.barrier barrier_id(%barrier3A_74)
    %mul3A_75 = arith.constant 640 : i32
    %mul3A_76 = arith.muli %arg1, %mul3A_75 : i32
    %mul3A_77 = arith.constant 640 : i32
    %mul3A_78 = arith.muli %arg1, %mul3A_77 : i32
    "tpu.region"() ({
      %run_scoped3A = tpu.sem_alloc : memref<!tpu.dma_semaphore, #tpu.memory_space<semaphore_mem>>
      %dma_start3A_79 = arith.constant 0 : i32
      %dma_start3A_80 = tpu.memref_slice %arg5[%arg0, %mul3A_78, %dma_start3A_79] : memref<2x10240x128xf32, #tpu.memory_space<hbm>> -> memref<1x640x128xf32, #tpu.memory_space<hbm>>
      %dma_start3A_81 = tpu.memref_squeeze %dma_start3A_80 : memref<1x640x128xf32, #tpu.memory_space<hbm>> -> memref<640x128xf32, #tpu.memory_space<hbm>>
      %dma_start3A_82 = arith.constant 0 : i32
      %dma_start3A_83 = tpu.memref_slice %arg14[%mul3A_76, %dma_start3A_82] : memref<10240x128xf32, #tpu.memory_space<vmem_shared>> -> memref<640x128xf32, #tpu.memory_space<vmem_shared>>
      tpu.enqueue_dma source(%dma_start3A_83 : memref<640x128xf32, #tpu.memory_space<vmem_shared>>) target(%dma_start3A_81 : memref<640x128xf32, #tpu.memory_space<hbm>>) target_semaphore(%run_scoped3A : memref<!tpu.dma_semaphore, #tpu.memory_space<semaphore_mem>>)
      %dma_wait3A = arith.constant 0 : i32
      %dma_wait3A_84 = tpu.memref_slice %arg5[%arg0, %mul3A_78, %dma_wait3A] : memref<2x10240x128xf32, #tpu.memory_space<hbm>> -> memref<1x640x128xf32, #tpu.memory_space<hbm>>
      %dma_wait3A_85 = tpu.memref_squeeze %dma_wait3A_84 : memref<1x640x128xf32, #tpu.memory_space<hbm>> -> memref<640x128xf32, #tpu.memory_space<hbm>>
      %dma_wait3A_86 = arith.constant 0 : i32
      %dma_wait3A_87 = tpu.memref_slice %arg14[%mul3A_76, %dma_wait3A_86] : memref<10240x128xf32, #tpu.memory_space<vmem_shared>> -> memref<640x128xf32, #tpu.memory_space<vmem_shared>>
      tpu.wait_dma2 semaphore(%run_scoped3A : memref<!tpu.dma_semaphore, #tpu.memory_space<semaphore_mem>>) src(%dma_wait3A_87 : memref<640x128xf32, #tpu.memory_space<vmem_shared>>) dst(%dma_wait3A_85 : memref<640x128xf32, #tpu.memory_space<hbm>>)
      tpu.yield
    }) : () -> ()
    return
  }
}

#map = affine_map<(d0, d1) -> (0, 0)>
#map1 = affine_map<(d0, d1) -> (0, 0, 0)>
module attributes {stable_mosaic.version = 14 : i64} {
  func.func @agg(%arg0: i32, %arg1: i32, %arg2: memref<10240x128xf32, #tpu.memory_space<hbm>>, %arg3: memref<32x80x128xi32, #tpu.memory_space<hbm>>, %arg4: memref<32x80x128xi32, #tpu.memory_space<hbm>>, %arg5: memref<2x10240x128xf32, #tpu.memory_space<hbm>>, %arg6: memref<80x128xi32, #tpu.memory_space<vmem>>, %arg7: memref<2x128xi32, #tpu.memory_space<vmem>>, %arg8: memref<128x128xf32, #tpu.memory_space<vmem>>, %arg9: memref<128x128xf32, #tpu.memory_space<vmem>>, %arg10: memref<!tpu.dma_semaphore, #tpu.memory_space<semaphore_mem>>, %arg11: memref<!tpu.dma_semaphore, #tpu.memory_space<semaphore_mem>>, %arg12: memref<!tpu.dma_semaphore, #tpu.memory_space<semaphore_mem>>, %arg13: memref<!tpu.dma_semaphore, #tpu.memory_space<semaphore_mem>>, %arg14: memref<10240x128xf32, #tpu.memory_space<vmem_shared>>) attributes {dimension_semantics = [#tpu.dimension_semantics<core_parallel>, #tpu.dimension_semantics<subcore_parallel>], iteration_bounds = array<i64: 2, 16>, scalar_prefetch = 0 : i64, scratch_operands = 9 : i64, tpu.core_type = #tpu.core_type<sc_vector_subcore>, window_params = [{transform_indices = #map}, {transform_indices = #map1}, {transform_indices = #map1}, {transform_indices = #map1}]} {
    %mul3A = arith.constant 2 : i32
    %mul3A_0 = arith.muli %arg1, %mul3A : i32
    %add3A = arith.addi %mul3A_0, %arg0 : i32
    "tpu.region"() ({
      %run_scoped3A = tpu.sem_alloc : memref<!tpu.dma_semaphore, #tpu.memory_space<semaphore_mem>>
      %dma_start3A_79 = arith.constant 0 : i32
      %dma_start3A_80 = arith.constant 0 : i32
      %dma_start3A_81 = tpu.memref_slice %arg3[%add3A, %dma_start3A_79, %dma_start3A_80] : memref<32x80x128xi32, #tpu.memory_space<hbm>> -> memref<1x80x128xi32, #tpu.memory_space<hbm>>
      %dma_start3A_82 = tpu.memref_squeeze %dma_start3A_81 : memref<1x80x128xi32, #tpu.memory_space<hbm>> -> memref<80x128xi32, #tpu.memory_space<hbm>>
      %dma_start3A_83 = arith.constant 0 : i32
      %dma_start3A_84 = arith.constant 0 : i32
      %dma_start3A_85 = tpu.memref_slice %arg3[%add3A, %dma_start3A_83, %dma_start3A_84] : memref<32x80x128xi32, #tpu.memory_space<hbm>> -> memref<1x80x128xi32, #tpu.memory_space<hbm>>
      %dma_start3A_86 = tpu.memref_squeeze %dma_start3A_85 : memref<1x80x128xi32, #tpu.memory_space<hbm>> -> memref<80x128xi32, #tpu.memory_space<hbm>>
      tpu.enqueue_dma source(%dma_start3A_86 : memref<80x128xi32, #tpu.memory_space<hbm>>) target(%arg6 : memref<80x128xi32, #tpu.memory_space<vmem>>) target_semaphore(%run_scoped3A : memref<!tpu.dma_semaphore, #tpu.memory_space<semaphore_mem>>)
      %dma_wait3A = arith.constant 0 : i32
      %dma_wait3A_87 = arith.constant 0 : i32
      %dma_wait3A_88 = tpu.memref_slice %arg3[%add3A, %dma_wait3A, %dma_wait3A_87] : memref<32x80x128xi32, #tpu.memory_space<hbm>> -> memref<1x80x128xi32, #tpu.memory_space<hbm>>
      %dma_wait3A_89 = tpu.memref_squeeze %dma_wait3A_88 : memref<1x80x128xi32, #tpu.memory_space<hbm>> -> memref<80x128xi32, #tpu.memory_space<hbm>>
      %dma_wait3A_90 = arith.constant 0 : i32
      %dma_wait3A_91 = arith.constant 0 : i32
      %dma_wait3A_92 = tpu.memref_slice %arg3[%add3A, %dma_wait3A_90, %dma_wait3A_91] : memref<32x80x128xi32, #tpu.memory_space<hbm>> -> memref<1x80x128xi32, #tpu.memory_space<hbm>>
      %dma_wait3A_93 = tpu.memref_squeeze %dma_wait3A_92 : memref<1x80x128xi32, #tpu.memory_space<hbm>> -> memref<80x128xi32, #tpu.memory_space<hbm>>
      tpu.wait_dma2 semaphore(%run_scoped3A : memref<!tpu.dma_semaphore, #tpu.memory_space<semaphore_mem>>) src(%dma_wait3A_93 : memref<80x128xi32, #tpu.memory_space<hbm>>) dst(%arg6 : memref<80x128xi32, #tpu.memory_space<vmem>>)
      tpu.yield
    }) : () -> ()
    %broadcast_in_dim3A = arith.constant 0.000000e+00 : f32
    %broadcast_in_dim3A_1 = vector.broadcast %broadcast_in_dim3A : f32 to vector<16xf32>
    %scan3A = arith.constant 0 : i32
    %scan3A_2 = arith.constant 0 : i32
    %scan3A_3 = arith.constant 128 : i32
    %scan3A_4 = arith.addi %scan3A_2, %scan3A_3 : i32
    %scan3A_5 = arith.constant 1 : i32
    scf.for %scan3A_79 = %scan3A_2 to %scan3A_4 step %scan3A_5  : i32 {
      %swap3A = arith.index_cast %scan3A_79 : i32 to index
      %swap3A_80 = arith.constant 0 : index
      %swap3A_81 = tpu.vector_load %arg8[%swap3A, %swap3A_80] {strides = array<i32>} : memref<128x128xf32, #tpu.memory_space<vmem>>, vector<1x16xf32>,
      %swap3A_82 = vector.shape_cast %swap3A_81 : vector<1x16xf32> to vector<16xf32>
      %swap3A_83 = vector.shape_cast %broadcast_in_dim3A_1 : vector<16xf32> to vector<1x16xf32>
      tpu.vector_store %arg8[%swap3A, %swap3A_80], %swap3A_83 {strides = array<i32>} : memref<128x128xf32, #tpu.memory_space<vmem>>, vector<1x16xf32>,
      %swap3A_84 = arith.index_cast %scan3A_79 : i32 to index
      %swap3A_85 = arith.constant 16 : index
      %swap3A_86 = tpu.vector_load %arg8[%swap3A_84, %swap3A_85] {strides = array<i32>} : memref<128x128xf32, #tpu.memory_space<vmem>>, vector<1x16xf32>,
      %swap3A_87 = vector.shape_cast %swap3A_86 : vector<1x16xf32> to vector<16xf32>
      %swap3A_88 = vector.shape_cast %broadcast_in_dim3A_1 : vector<16xf32> to vector<1x16xf32>
      tpu.vector_store %arg8[%swap3A_84, %swap3A_85], %swap3A_88 {strides = array<i32>} : memref<128x128xf32, #tpu.memory_space<vmem>>, vector<1x16xf32>,
      %swap3A_89 = arith.index_cast %scan3A_79 : i32 to index
      %swap3A_90 = arith.constant 32 : index
      %swap3A_91 = tpu.vector_load %arg8[%swap3A_89, %swap3A_90] {strides = array<i32>} : memref<128x128xf32, #tpu.memory_space<vmem>>, vector<1x16xf32>,
      %swap3A_92 = vector.shape_cast %swap3A_91 : vector<1x16xf32> to vector<16xf32>
      %swap3A_93 = vector.shape_cast %broadcast_in_dim3A_1 : vector<16xf32> to vector<1x16xf32>
      tpu.vector_store %arg8[%swap3A_89, %swap3A_90], %swap3A_93 {strides = array<i32>} : memref<128x128xf32, #tpu.memory_space<vmem>>, vector<1x16xf32>,
      %swap3A_94 = arith.index_cast %scan3A_79 : i32 to index
      %swap3A_95 = arith.constant 48 : index
      %swap3A_96 = tpu.vector_load %arg8[%swap3A_94, %swap3A_95] {strides = array<i32>} : memref<128x128xf32, #tpu.memory_space<vmem>>, vector<1x16xf32>,
      %swap3A_97 = vector.shape_cast %swap3A_96 : vector<1x16xf32> to vector<16xf32>
      %swap3A_98 = vector.shape_cast %broadcast_in_dim3A_1 : vector<16xf32> to vector<1x16xf32>
      tpu.vector_store %arg8[%swap3A_94, %swap3A_95], %swap3A_98 {strides = array<i32>} : memref<128x128xf32, #tpu.memory_space<vmem>>, vector<1x16xf32>,
      %swap3A_99 = arith.index_cast %scan3A_79 : i32 to index
      %swap3A_100 = arith.constant 64 : index
      %swap3A_101 = tpu.vector_load %arg8[%swap3A_99, %swap3A_100] {strides = array<i32>} : memref<128x128xf32, #tpu.memory_space<vmem>>, vector<1x16xf32>,
      %swap3A_102 = vector.shape_cast %swap3A_101 : vector<1x16xf32> to vector<16xf32>
      %swap3A_103 = vector.shape_cast %broadcast_in_dim3A_1 : vector<16xf32> to vector<1x16xf32>
      tpu.vector_store %arg8[%swap3A_99, %swap3A_100], %swap3A_103 {strides = array<i32>} : memref<128x128xf32, #tpu.memory_space<vmem>>, vector<1x16xf32>,
      %swap3A_104 = arith.index_cast %scan3A_79 : i32 to index
      %swap3A_105 = arith.constant 80 : index
      %swap3A_106 = tpu.vector_load %arg8[%swap3A_104, %swap3A_105] {strides = array<i32>} : memref<128x128xf32, #tpu.memory_space<vmem>>, vector<1x16xf32>,
      %swap3A_107 = vector.shape_cast %swap3A_106 : vector<1x16xf32> to vector<16xf32>
      %swap3A_108 = vector.shape_cast %broadcast_in_dim3A_1 : vector<16xf32> to vector<1x16xf32>
      tpu.vector_store %arg8[%swap3A_104, %swap3A_105], %swap3A_108 {strides = array<i32>} : memref<128x128xf32, #tpu.memory_space<vmem>>, vector<1x16xf32>,
      %swap3A_109 = arith.index_cast %scan3A_79 : i32 to index
      %swap3A_110 = arith.constant 96 : index
      %swap3A_111 = tpu.vector_load %arg8[%swap3A_109, %swap3A_110] {strides = array<i32>} : memref<128x128xf32, #tpu.memory_space<vmem>>, vector<1x16xf32>,
      %swap3A_112 = vector.shape_cast %swap3A_111 : vector<1x16xf32> to vector<16xf32>
      %swap3A_113 = vector.shape_cast %broadcast_in_dim3A_1 : vector<16xf32> to vector<1x16xf32>
      tpu.vector_store %arg8[%swap3A_109, %swap3A_110], %swap3A_113 {strides = array<i32>} : memref<128x128xf32, #tpu.memory_space<vmem>>, vector<1x16xf32>,
      %swap3A_114 = arith.index_cast %scan3A_79 : i32 to index
      %swap3A_115 = arith.constant 112 : index
      %swap3A_116 = tpu.vector_load %arg8[%swap3A_114, %swap3A_115] {strides = array<i32>} : memref<128x128xf32, #tpu.memory_space<vmem>>, vector<1x16xf32>,
      %swap3A_117 = vector.shape_cast %swap3A_116 : vector<1x16xf32> to vector<16xf32>
      %swap3A_118 = vector.shape_cast %broadcast_in_dim3A_1 : vector<16xf32> to vector<1x16xf32>
      tpu.vector_store %arg8[%swap3A_114, %swap3A_115], %swap3A_118 {strides = array<i32>} : memref<128x128xf32, #tpu.memory_space<vmem>>, vector<1x16xf32>,
    }
    %scan3A_6 = arith.constant 128 : i32
    %mul3A_7 = arith.constant 640 : i32
    %mul3A_8 = arith.muli %arg1, %mul3A_7 : i32
    %add3A_9 = arith.constant 0 : i32
    %add3A_10 = arith.addi %mul3A_8, %add3A_9 : i32
    "tpu.region"() ({
      %run_scoped3A = tpu.sem_alloc : memref<!tpu.dma_semaphore, #tpu.memory_space<semaphore_mem>>
      %dma_start3A_79 = arith.constant 0 : i32
      %dma_start3A_80 = tpu.memref_slice %arg14[%add3A_10, %dma_start3A_79] : memref<10240x128xf32, #tpu.memory_space<vmem_shared>> -> memref<128x128xf32, #tpu.memory_space<vmem_shared>>
      %dma_start3A_81 = arith.constant 0 : i32
      %dma_start3A_82 = tpu.memref_slice %arg14[%add3A_10, %dma_start3A_81] : memref<10240x128xf32, #tpu.memory_space<vmem_shared>> -> memref<128x128xf32, #tpu.memory_space<vmem_shared>>
      tpu.enqueue_dma source(%arg8 : memref<128x128xf32, #tpu.memory_space<vmem>>) target(%dma_start3A_82 : memref<128x128xf32, #tpu.memory_space<vmem_shared>>) target_semaphore(%run_scoped3A : memref<!tpu.dma_semaphore, #tpu.memory_space<semaphore_mem>>)
      %dma_wait3A = arith.constant 0 : i32
      %dma_wait3A_83 = tpu.memref_slice %arg14[%add3A_10, %dma_wait3A] : memref<10240x128xf32, #tpu.memory_space<vmem_shared>> -> memref<128x128xf32, #tpu.memory_space<vmem_shared>>
      %dma_wait3A_84 = arith.constant 0 : i32
      %dma_wait3A_85 = tpu.memref_slice %arg14[%add3A_10, %dma_wait3A_84] : memref<10240x128xf32, #tpu.memory_space<vmem_shared>> -> memref<128x128xf32, #tpu.memory_space<vmem_shared>>
      tpu.wait_dma2 semaphore(%run_scoped3A : memref<!tpu.dma_semaphore, #tpu.memory_space<semaphore_mem>>) src(%arg8 : memref<128x128xf32, #tpu.memory_space<vmem>>) dst(%dma_wait3A_85 : memref<128x128xf32, #tpu.memory_space<vmem_shared>>)
      tpu.yield
    }) : () -> ()
    %mul3A_11 = arith.constant 640 : i32
    %mul3A_12 = arith.muli %arg1, %mul3A_11 : i32
    %add3A_13 = arith.constant 128 : i32
    %add3A_14 = arith.addi %mul3A_12, %add3A_13 : i32
    "tpu.region"() ({
      %run_scoped3A = tpu.sem_alloc : memref<!tpu.dma_semaphore, #tpu.memory_space<semaphore_mem>>
      %dma_start3A_79 = arith.constant 0 : i32
      %dma_start3A_80 = tpu.memref_slice %arg14[%add3A_14, %dma_start3A_79] : memref<10240x128xf32, #tpu.memory_space<vmem_shared>> -> memref<128x128xf32, #tpu.memory_space<vmem_shared>>
      %dma_start3A_81 = arith.constant 0 : i32
      %dma_start3A_82 = tpu.memref_slice %arg14[%add3A_14, %dma_start3A_81] : memref<10240x128xf32, #tpu.memory_space<vmem_shared>> -> memref<128x128xf32, #tpu.memory_space<vmem_shared>>
      tpu.enqueue_dma source(%arg8 : memref<128x128xf32, #tpu.memory_space<vmem>>) target(%dma_start3A_82 : memref<128x128xf32, #tpu.memory_space<vmem_shared>>) target_semaphore(%run_scoped3A : memref<!tpu.dma_semaphore, #tpu.memory_space<semaphore_mem>>)
      %dma_wait3A = arith.constant 0 : i32
      %dma_wait3A_83 = tpu.memref_slice %arg14[%add3A_14, %dma_wait3A] : memref<10240x128xf32, #tpu.memory_space<vmem_shared>> -> memref<128x128xf32, #tpu.memory_space<vmem_shared>>
      %dma_wait3A_84 = arith.constant 0 : i32
      %dma_wait3A_85 = tpu.memref_slice %arg14[%add3A_14, %dma_wait3A_84] : memref<10240x128xf32, #tpu.memory_space<vmem_shared>> -> memref<128x128xf32, #tpu.memory_space<vmem_shared>>
      tpu.wait_dma2 semaphore(%run_scoped3A : memref<!tpu.dma_semaphore, #tpu.memory_space<semaphore_mem>>) src(%arg8 : memref<128x128xf32, #tpu.memory_space<vmem>>) dst(%dma_wait3A_85 : memref<128x128xf32, #tpu.memory_space<vmem_shared>>)
      tpu.yield
    }) : () -> ()
    %mul3A_15 = arith.constant 640 : i32
    %mul3A_16 = arith.muli %arg1, %mul3A_15 : i32
    %add3A_17 = arith.constant 256 : i32
    %add3A_18 = arith.addi %mul3A_16, %add3A_17 : i32
    "tpu.region"() ({
      %run_scoped3A = tpu.sem_alloc : memref<!tpu.dma_semaphore, #tpu.memory_space<semaphore_mem>>
      %dma_start3A_79 = arith.constant 0 : i32
      %dma_start3A_80 = tpu.memref_slice %arg14[%add3A_18, %dma_start3A_79] : memref<10240x128xf32, #tpu.memory_space<vmem_shared>> -> memref<128x128xf32, #tpu.memory_space<vmem_shared>>
      %dma_start3A_81 = arith.constant 0 : i32
      %dma_start3A_82 = tpu.memref_slice %arg14[%add3A_18, %dma_start3A_81] : memref<10240x128xf32, #tpu.memory_space<vmem_shared>> -> memref<128x128xf32, #tpu.memory_space<vmem_shared>>
      tpu.enqueue_dma source(%arg8 : memref<128x128xf32, #tpu.memory_space<vmem>>) target(%dma_start3A_82 : memref<128x128xf32, #tpu.memory_space<vmem_shared>>) target_semaphore(%run_scoped3A : memref<!tpu.dma_semaphore, #tpu.memory_space<semaphore_mem>>)
      %dma_wait3A = arith.constant 0 : i32
      %dma_wait3A_83 = tpu.memref_slice %arg14[%add3A_18, %dma_wait3A] : memref<10240x128xf32, #tpu.memory_space<vmem_shared>> -> memref<128x128xf32, #tpu.memory_space<vmem_shared>>
      %dma_wait3A_84 = arith.constant 0 : i32
      %dma_wait3A_85 = tpu.memref_slice %arg14[%add3A_18, %dma_wait3A_84] : memref<10240x128xf32, #tpu.memory_space<vmem_shared>> -> memref<128x128xf32, #tpu.memory_space<vmem_shared>>
      tpu.wait_dma2 semaphore(%run_scoped3A : memref<!tpu.dma_semaphore, #tpu.memory_space<semaphore_mem>>) src(%arg8 : memref<128x128xf32, #tpu.memory_space<vmem>>) dst(%dma_wait3A_85 : memref<128x128xf32, #tpu.memory_space<vmem_shared>>)
      tpu.yield
    }) : () -> ()
    %mul3A_19 = arith.constant 640 : i32
    %mul3A_20 = arith.muli %arg1, %mul3A_19 : i32
    %add3A_21 = arith.constant 384 : i32
    %add3A_22 = arith.addi %mul3A_20, %add3A_21 : i32
    "tpu.region"() ({
      %run_scoped3A = tpu.sem_alloc : memref<!tpu.dma_semaphore, #tpu.memory_space<semaphore_mem>>
      %dma_start3A_79 = arith.constant 0 : i32
      %dma_start3A_80 = tpu.memref_slice %arg14[%add3A_22, %dma_start3A_79] : memref<10240x128xf32, #tpu.memory_space<vmem_shared>> -> memref<128x128xf32, #tpu.memory_space<vmem_shared>>
      %dma_start3A_81 = arith.constant 0 : i32
      %dma_start3A_82 = tpu.memref_slice %arg14[%add3A_22, %dma_start3A_81] : memref<10240x128xf32, #tpu.memory_space<vmem_shared>> -> memref<128x128xf32, #tpu.memory_space<vmem_shared>>
      tpu.enqueue_dma source(%arg8 : memref<128x128xf32, #tpu.memory_space<vmem>>) target(%dma_start3A_82 : memref<128x128xf32, #tpu.memory_space<vmem_shared>>) target_semaphore(%run_scoped3A : memref<!tpu.dma_semaphore, #tpu.memory_space<semaphore_mem>>)
      %dma_wait3A = arith.constant 0 : i32
      %dma_wait3A_83 = tpu.memref_slice %arg14[%add3A_22, %dma_wait3A] : memref<10240x128xf32, #tpu.memory_space<vmem_shared>> -> memref<128x128xf32, #tpu.memory_space<vmem_shared>>
      %dma_wait3A_84 = arith.constant 0 : i32
      %dma_wait3A_85 = tpu.memref_slice %arg14[%add3A_22, %dma_wait3A_84] : memref<10240x128xf32, #tpu.memory_space<vmem_shared>> -> memref<128x128xf32, #tpu.memory_space<vmem_shared>>
      tpu.wait_dma2 semaphore(%run_scoped3A : memref<!tpu.dma_semaphore, #tpu.memory_space<semaphore_mem>>) src(%arg8 : memref<128x128xf32, #tpu.memory_space<vmem>>) dst(%dma_wait3A_85 : memref<128x128xf32, #tpu.memory_space<vmem_shared>>)
      tpu.yield
    }) : () -> ()
    %mul3A_23 = arith.constant 640 : i32
    %mul3A_24 = arith.muli %arg1, %mul3A_23 : i32
    %add3A_25 = arith.constant 512 : i32
    %add3A_26 = arith.addi %mul3A_24, %add3A_25 : i32
    "tpu.region"() ({
      %run_scoped3A = tpu.sem_alloc : memref<!tpu.dma_semaphore, #tpu.memory_space<semaphore_mem>>
      %dma_start3A_79 = arith.constant 0 : i32
      %dma_start3A_80 = tpu.memref_slice %arg14[%add3A_26, %dma_start3A_79] : memref<10240x128xf32, #tpu.memory_space<vmem_shared>> -> memref<128x128xf32, #tpu.memory_space<vmem_shared>>
      %dma_start3A_81 = arith.constant 0 : i32
      %dma_start3A_82 = tpu.memref_slice %arg14[%add3A_26, %dma_start3A_81] : memref<10240x128xf32, #tpu.memory_space<vmem_shared>> -> memref<128x128xf32, #tpu.memory_space<vmem_shared>>
      tpu.enqueue_dma source(%arg8 : memref<128x128xf32, #tpu.memory_space<vmem>>) target(%dma_start3A_82 : memref<128x128xf32, #tpu.memory_space<vmem_shared>>) target_semaphore(%run_scoped3A : memref<!tpu.dma_semaphore, #tpu.memory_space<semaphore_mem>>)
      %dma_wait3A = arith.constant 0 : i32
      %dma_wait3A_83 = tpu.memref_slice %arg14[%add3A_26, %dma_wait3A] : memref<10240x128xf32, #tpu.memory_space<vmem_shared>> -> memref<128x128xf32, #tpu.memory_space<vmem_shared>>
      %dma_wait3A_84 = arith.constant 0 : i32
      %dma_wait3A_85 = tpu.memref_slice %arg14[%add3A_26, %dma_wait3A_84] : memref<10240x128xf32, #tpu.memory_space<vmem_shared>> -> memref<128x128xf32, #tpu.memory_space<vmem_shared>>
      tpu.wait_dma2 semaphore(%run_scoped3A : memref<!tpu.dma_semaphore, #tpu.memory_space<semaphore_mem>>) src(%arg8 : memref<128x128xf32, #tpu.memory_space<vmem>>) dst(%dma_wait3A_85 : memref<128x128xf32, #tpu.memory_space<vmem_shared>>)
      tpu.yield
    }) : () -> ()
    %barrier3A = arith.constant 0 : index
    tpu.barrier barrier_id(%barrier3A)
    %dma_start3A = arith.constant 0 : i32
    %dma_start3A_27 = arith.constant 0 : i32
    %dma_start3A_28 = tpu.memref_slice %arg6[%dma_start3A, %dma_start3A_27] : memref<80x128xi32, #tpu.memory_space<vmem>> -> memref<1x128xi32, #tpu.memory_space<vmem>>
    %dma_start3A_29 = tpu.memref_squeeze %dma_start3A_28 : memref<1x128xi32, #tpu.memory_space<vmem>> -> memref<128xi32, #tpu.memory_space<vmem>>
    %dma_start3A_30 = arith.constant 0 : i32
    %dma_start3A_31 = arith.constant 0 : i32
    %dma_start3A_32 = tpu.memref_slice %arg2[%dma_start3A_30, %dma_start3A_31] : memref<10240x128xf32, #tpu.memory_space<hbm>> -> memref<10240x128xf32, #tpu.memory_space<hbm>>
    tpu.enqueue_indirect_dma source(%dma_start3A_32 : memref<10240x128xf32, #tpu.memory_space<hbm>>) target(%arg8 : memref<128x128xf32, #tpu.memory_space<vmem>>) offsets(%dma_start3A_29 : memref<128xi32, #tpu.memory_space<vmem>>) semaphore(%arg10 : memref<!tpu.dma_semaphore, #tpu.memory_space<semaphore_mem>>)
    %dma_start3A_33 = arith.constant 1 : i32
    %dma_start3A_34 = arith.constant 0 : i32
    %dma_start3A_35 = tpu.memref_slice %arg6[%dma_start3A_33, %dma_start3A_34] : memref<80x128xi32, #tpu.memory_space<vmem>> -> memref<1x128xi32, #tpu.memory_space<vmem>>
    %dma_start3A_36 = tpu.memref_squeeze %dma_start3A_35 : memref<1x128xi32, #tpu.memory_space<vmem>> -> memref<128xi32, #tpu.memory_space<vmem>>
    %dma_start3A_37 = arith.constant 0 : i32
    %dma_start3A_38 = arith.constant 0 : i32
    %dma_start3A_39 = tpu.memref_slice %arg2[%dma_start3A_37, %dma_start3A_38] : memref<10240x128xf32, #tpu.memory_space<hbm>> -> memref<10240x128xf32, #tpu.memory_space<hbm>>
    tpu.enqueue_indirect_dma source(%dma_start3A_39 : memref<10240x128xf32, #tpu.memory_space<hbm>>) target(%arg9 : memref<128x128xf32, #tpu.memory_space<vmem>>) offsets(%dma_start3A_36 : memref<128xi32, #tpu.memory_space<vmem>>) semaphore(%arg11 : memref<!tpu.dma_semaphore, #tpu.memory_space<semaphore_mem>>)
    %dma_start3A_40 = arith.constant 0 : i32
    %dma_start3A_41 = arith.constant 0 : i32
    %dma_start3A_42 = arith.constant 0 : i32
    %dma_start3A_43 = tpu.memref_slice %arg7[%dma_start3A_41, %dma_start3A_42] : memref<2x128xi32, #tpu.memory_space<vmem>> -> memref<1x128xi32, #tpu.memory_space<vmem>>
    %dma_start3A_44 = tpu.memref_squeeze %dma_start3A_43 : memref<1x128xi32, #tpu.memory_space<vmem>> -> memref<128xi32, #tpu.memory_space<vmem>>
    %dma_start3A_45 = arith.constant 0 : i32
    %dma_start3A_46 = tpu.memref_slice %arg4[%add3A, %dma_start3A_40, %dma_start3A_45] : memref<32x80x128xi32, #tpu.memory_space<hbm>> -> memref<1x1x128xi32, #tpu.memory_space<hbm>>
    %dma_start3A_47 = tpu.memref_squeeze %dma_start3A_46 : memref<1x1x128xi32, #tpu.memory_space<hbm>> -> memref<128xi32, #tpu.memory_space<hbm>>
    %dma_start3A_48 = arith.constant 0 : i32
    %dma_start3A_49 = tpu.memref_slice %arg7[%dma_start3A_41, %dma_start3A_48] : memref<2x128xi32, #tpu.memory_space<vmem>> -> memref<1x128xi32, #tpu.memory_space<vmem>>
    %dma_start3A_50 = tpu.memref_squeeze %dma_start3A_49 : memref<1x128xi32, #tpu.memory_space<vmem>> -> memref<128xi32, #tpu.memory_space<vmem>>
    %dma_start3A_51 = arith.constant 0 : i32
    %dma_start3A_52 = tpu.memref_slice %arg4[%add3A, %dma_start3A_40, %dma_start3A_51] : memref<32x80x128xi32, #tpu.memory_space<hbm>> -> memref<1x1x128xi32, #tpu.memory_space<hbm>>
    %dma_start3A_53 = tpu.memref_squeeze %dma_start3A_52 : memref<1x1x128xi32, #tpu.memory_space<hbm>> -> memref<128xi32, #tpu.memory_space<hbm>>
    tpu.enqueue_dma source(%dma_start3A_53 : memref<128xi32, #tpu.memory_space<hbm>>) target(%dma_start3A_50 : memref<128xi32, #tpu.memory_space<vmem>>) target_semaphore(%arg12 : memref<!tpu.dma_semaphore, #tpu.memory_space<semaphore_mem>>)
    %dma_start3A_54 = arith.constant 1 : i32
    %dma_start3A_55 = arith.constant 1 : i32
    %dma_start3A_56 = arith.constant 0 : i32
    %dma_start3A_57 = tpu.memref_slice %arg7[%dma_start3A_55, %dma_start3A_56] : memref<2x128xi32, #tpu.memory_space<vmem>> -> memref<1x128xi32, #tpu.memory_space<vmem>>
    %dma_start3A_58 = tpu.memref_squeeze %dma_start3A_57 : memref<1x128xi32, #tpu.memory_space<vmem>> -> memref<128xi32, #tpu.memory_space<vmem>>
    %dma_start3A_59 = arith.constant 0 : i32
    %dma_start3A_60 = tpu.memref_slice %arg4[%add3A, %dma_start3A_54, %dma_start3A_59] : memref<32x80x128xi32, #tpu.memory_space<hbm>> -> memref<1x1x128xi32, #tpu.memory_space<hbm>>
    %dma_start3A_61 = tpu.memref_squeeze %dma_start3A_60 : memref<1x1x128xi32, #tpu.memory_space<hbm>> -> memref<128xi32, #tpu.memory_space<hbm>>
    %dma_start3A_62 = arith.constant 0 : i32
    %dma_start3A_63 = tpu.memref_slice %arg7[%dma_start3A_55, %dma_start3A_62] : memref<2x128xi32, #tpu.memory_space<vmem>> -> memref<1x128xi32, #tpu.memory_space<vmem>>
    %dma_start3A_64 = tpu.memref_squeeze %dma_start3A_63 : memref<1x128xi32, #tpu.memory_space<vmem>> -> memref<128xi32, #tpu.memory_space<vmem>>
    %dma_start3A_65 = arith.constant 0 : i32
    %dma_start3A_66 = tpu.memref_slice %arg4[%add3A, %dma_start3A_54, %dma_start3A_65] : memref<32x80x128xi32, #tpu.memory_space<hbm>> -> memref<1x1x128xi32, #tpu.memory_space<hbm>>
    %dma_start3A_67 = tpu.memref_squeeze %dma_start3A_66 : memref<1x1x128xi32, #tpu.memory_space<hbm>> -> memref<128xi32, #tpu.memory_space<hbm>>
    tpu.enqueue_dma source(%dma_start3A_67 : memref<128xi32, #tpu.memory_space<hbm>>) target(%dma_start3A_64 : memref<128xi32, #tpu.memory_space<vmem>>) target_semaphore(%arg13 : memref<!tpu.dma_semaphore, #tpu.memory_space<semaphore_mem>>)
    %scan3A_68 = arith.constant 0 : i32
    %scan3A_69 = arith.constant 0 : i32
    %scan3A_70 = arith.constant 40 : i32
    %scan3A_71 = arith.addi %scan3A_69, %scan3A_70 : i32
    %scan3A_72 = arith.constant 1 : i32
    scf.for %scan3A_79 = %scan3A_69 to %scan3A_71 step %scan3A_72  : i32 {
      %mul3A_80 = arith.constant 2 : i32
      %mul3A_81 = arith.muli %scan3A_79, %mul3A_80 : i32
      %dma_wait3A = arith.constant 0 : i32
      %dma_wait3A_82 = tpu.memref_slice %arg6[%mul3A_81, %dma_wait3A] : memref<80x128xi32, #tpu.memory_space<vmem>> -> memref<1x128xi32, #tpu.memory_space<vmem>>
      %dma_wait3A_83 = tpu.memref_squeeze %dma_wait3A_82 : memref<1x128xi32, #tpu.memory_space<vmem>> -> memref<128xi32, #tpu.memory_space<vmem>>
      %dma_wait3A_84 = arith.constant 0 : i32
      %dma_wait3A_85 = arith.constant 0 : i32
      %dma_wait3A_86 = tpu.memref_slice %arg2[%dma_wait3A_84, %dma_wait3A_85] : memref<10240x128xf32, #tpu.memory_space<hbm>> -> memref<10240x128xf32, #tpu.memory_space<hbm>>
      tpu.wait_indirect_dma semaphore(%arg10 : memref<!tpu.dma_semaphore, #tpu.memory_space<semaphore_mem>>) src(%dma_wait3A_86 : memref<10240x128xf32, #tpu.memory_space<hbm>>) dst(%arg8 : memref<128x128xf32, #tpu.memory_space<vmem>>)
      %dma_wait3A_87 = arith.constant 0 : i32
      %dma_wait3A_88 = arith.constant 0 : i32
      %dma_wait3A_89 = tpu.memref_slice %arg7[%dma_wait3A_87, %dma_wait3A_88] : memref<2x128xi32, #tpu.memory_space<vmem>> -> memref<1x128xi32, #tpu.memory_space<vmem>>
      %dma_wait3A_90 = tpu.memref_squeeze %dma_wait3A_89 : memref<1x128xi32, #tpu.memory_space<vmem>> -> memref<128xi32, #tpu.memory_space<vmem>>
      %dma_wait3A_91 = arith.constant 0 : i32
      %dma_wait3A_92 = tpu.memref_slice %arg4[%add3A, %mul3A_81, %dma_wait3A_91] : memref<32x80x128xi32, #tpu.memory_space<hbm>> -> memref<1x1x128xi32, #tpu.memory_space<hbm>>
      %dma_wait3A_93 = tpu.memref_squeeze %dma_wait3A_92 : memref<1x1x128xi32, #tpu.memory_space<hbm>> -> memref<128xi32, #tpu.memory_space<hbm>>
      %dma_wait3A_94 = arith.constant 0 : i32
      %dma_wait3A_95 = tpu.memref_slice %arg7[%dma_wait3A_87, %dma_wait3A_94] : memref<2x128xi32, #tpu.memory_space<vmem>> -> memref<1x128xi32, #tpu.memory_space<vmem>>
      %dma_wait3A_96 = tpu.memref_squeeze %dma_wait3A_95 : memref<1x128xi32, #tpu.memory_space<vmem>> -> memref<128xi32, #tpu.memory_space<vmem>>
      %dma_wait3A_97 = arith.constant 0 : i32
      %dma_wait3A_98 = tpu.memref_slice %arg4[%add3A, %mul3A_81, %dma_wait3A_97] : memref<32x80x128xi32, #tpu.memory_space<hbm>> -> memref<1x1x128xi32, #tpu.memory_space<hbm>>
      %dma_wait3A_99 = tpu.memref_squeeze %dma_wait3A_98 : memref<1x1x128xi32, #tpu.memory_space<hbm>> -> memref<128xi32, #tpu.memory_space<hbm>>
      tpu.wait_dma2 semaphore(%arg12 : memref<!tpu.dma_semaphore, #tpu.memory_space<semaphore_mem>>) src(%dma_wait3A_99 : memref<128xi32, #tpu.memory_space<hbm>>) dst(%dma_wait3A_96 : memref<128xi32, #tpu.memory_space<vmem>>)
      %run_scoped3A = arith.constant 0 : i32
      "tpu.region"() ({
        %run_scoped3A_133 = tpu.sem_alloc : memref<!tpu.dma_semaphore, #tpu.memory_space<semaphore_mem>>
        %dma_start3A_134 = arith.constant 0 : i32
        %dma_start3A_135 = tpu.memref_slice %arg7[%run_scoped3A, %dma_start3A_134] : memref<2x128xi32, #tpu.memory_space<vmem>> -> memref<1x128xi32, #tpu.memory_space<vmem>>
        %dma_start3A_136 = tpu.memref_squeeze %dma_start3A_135 : memref<1x128xi32, #tpu.memory_space<vmem>> -> memref<128xi32, #tpu.memory_space<vmem>>
        %dma_start3A_137 = arith.constant 0 : i32
        %dma_start3A_138 = arith.constant 0 : i32
        %dma_start3A_139 = tpu.memref_slice %arg14[%dma_start3A_137, %dma_start3A_138] : memref<10240x128xf32, #tpu.memory_space<vmem_shared>> -> memref<10240x128xf32, #tpu.memory_space<vmem_shared>>
        tpu.enqueue_indirect_dma source(%arg8 : memref<128x128xf32, #tpu.memory_space<vmem>>) target(%dma_start3A_139 : memref<10240x128xf32, #tpu.memory_space<vmem_shared>>) offsets(%dma_start3A_136 : memref<128xi32, #tpu.memory_space<vmem>>) semaphore(%run_scoped3A_133 : memref<!tpu.dma_semaphore, #tpu.memory_space<semaphore_mem>>) {add = true}
        %dma_wait3A_140 = arith.constant 0 : i32
        %dma_wait3A_141 = tpu.memref_slice %arg7[%run_scoped3A, %dma_wait3A_140] : memref<2x128xi32, #tpu.memory_space<vmem>> -> memref<1x128xi32, #tpu.memory_space<vmem>>
        %dma_wait3A_142 = tpu.memref_squeeze %dma_wait3A_141 : memref<1x128xi32, #tpu.memory_space<vmem>> -> memref<128xi32, #tpu.memory_space<vmem>>
        %dma_wait3A_143 = arith.constant 0 : i32
        %dma_wait3A_144 = arith.constant 0 : i32
        %dma_wait3A_145 = tpu.memref_slice %arg14[%dma_wait3A_143, %dma_wait3A_144] : memref<10240x128xf32, #tpu.memory_space<vmem_shared>> -> memref<10240x128xf32, #tpu.memory_space<vmem_shared>>
        tpu.wait_indirect_dma semaphore(%run_scoped3A_133 : memref<!tpu.dma_semaphore, #tpu.memory_space<semaphore_mem>>) src(%arg8 : memref<128x128xf32, #tpu.memory_space<vmem>>) dst(%dma_wait3A_145 : memref<10240x128xf32, #tpu.memory_space<vmem_shared>>)
        tpu.yield
      }) : () -> ()
      %add3A_100 = arith.constant 2 : i32
      %add3A_101 = arith.addi %mul3A_81, %add3A_100 : i32
      %lt3A = arith.constant 80 : i32
      %lt3A_102 = arith.cmpi slt, %add3A_101, %lt3A : i32
      %convert_element_type3A = arith.extui %lt3A_102 : i1 to i32
      %cond3A = arith.constant 0 : i32
      %cond3A_103 = arith.cmpi ne, %convert_element_type3A, %cond3A : i32
      scf.if %cond3A_103 {
        %add3A_133 = arith.constant 2 : i32
        %add3A_134 = arith.addi %mul3A_81, %add3A_133 : i32
        %dma_start3A_135 = arith.constant 0 : i32
        %dma_start3A_136 = tpu.memref_slice %arg6[%add3A_134, %dma_start3A_135] : memref<80x128xi32, #tpu.memory_space<vmem>> -> memref<1x128xi32, #tpu.memory_space<vmem>>
        %dma_start3A_137 = tpu.memref_squeeze %dma_start3A_136 : memref<1x128xi32, #tpu.memory_space<vmem>> -> memref<128xi32, #tpu.memory_space<vmem>>
        %dma_start3A_138 = arith.constant 0 : i32
        %dma_start3A_139 = arith.constant 0 : i32
        %dma_start3A_140 = tpu.memref_slice %arg2[%dma_start3A_138, %dma_start3A_139] : memref<10240x128xf32, #tpu.memory_space<hbm>> -> memref<10240x128xf32, #tpu.memory_space<hbm>>
        tpu.enqueue_indirect_dma source(%dma_start3A_140 : memref<10240x128xf32, #tpu.memory_space<hbm>>) target(%arg8 : memref<128x128xf32, #tpu.memory_space<vmem>>) offsets(%dma_start3A_137 : memref<128xi32, #tpu.memory_space<vmem>>) semaphore(%arg10 : memref<!tpu.dma_semaphore, #tpu.memory_space<semaphore_mem>>)
        %add3A_141 = arith.constant 2 : i32
        %add3A_142 = arith.addi %mul3A_81, %add3A_141 : i32
        %dma_start3A_143 = arith.constant 0 : i32
        %dma_start3A_144 = arith.constant 0 : i32
        %dma_start3A_145 = tpu.memref_slice %arg7[%dma_start3A_143, %dma_start3A_144] : memref<2x128xi32, #tpu.memory_space<vmem>> -> memref<1x128xi32, #tpu.memory_space<vmem>>
        %dma_start3A_146 = tpu.memref_squeeze %dma_start3A_145 : memref<1x128xi32, #tpu.memory_space<vmem>> -> memref<128xi32, #tpu.memory_space<vmem>>
        %dma_start3A_147 = arith.constant 0 : i32
        %dma_start3A_148 = tpu.memref_slice %arg4[%add3A, %add3A_142, %dma_start3A_147] : memref<32x80x128xi32, #tpu.memory_space<hbm>> -> memref<1x1x128xi32, #tpu.memory_space<hbm>>
        %dma_start3A_149 = tpu.memref_squeeze %dma_start3A_148 : memref<1x1x128xi32, #tpu.memory_space<hbm>> -> memref<128xi32, #tpu.memory_space<hbm>>
        %dma_start3A_150 = arith.constant 0 : i32
        %dma_start3A_151 = tpu.memref_slice %arg7[%dma_start3A_143, %dma_start3A_150] : memref<2x128xi32, #tpu.memory_space<vmem>> -> memref<1x128xi32, #tpu.memory_space<vmem>>
        %dma_start3A_152 = tpu.memref_squeeze %dma_start3A_151 : memref<1x128xi32, #tpu.memory_space<vmem>> -> memref<128xi32, #tpu.memory_space<vmem>>
        %dma_start3A_153 = arith.constant 0 : i32
        %dma_start3A_154 = tpu.memref_slice %arg4[%add3A, %add3A_142, %dma_start3A_153] : memref<32x80x128xi32, #tpu.memory_space<hbm>> -> memref<1x1x128xi32, #tpu.memory_space<hbm>>
        %dma_start3A_155 = tpu.memref_squeeze %dma_start3A_154 : memref<1x1x128xi32, #tpu.memory_space<hbm>> -> memref<128xi32, #tpu.memory_space<hbm>>
        tpu.enqueue_dma source(%dma_start3A_155 : memref<128xi32, #tpu.memory_space<hbm>>) target(%dma_start3A_152 : memref<128xi32, #tpu.memory_space<vmem>>) target_semaphore(%arg12 : memref<!tpu.dma_semaphore, #tpu.memory_space<semaphore_mem>>)
      } else {
      }
      %add3A_104 = arith.constant 1 : i32
      %add3A_105 = arith.addi %mul3A_81, %add3A_104 : i32
      %dma_wait3A_106 = arith.constant 0 : i32
      %dma_wait3A_107 = tpu.memref_slice %arg6[%add3A_105, %dma_wait3A_106] : memref<80x128xi32, #tpu.memory_space<vmem>> -> memref<1x128xi32, #tpu.memory_space<vmem>>
      %dma_wait3A_108 = tpu.memref_squeeze %dma_wait3A_107 : memref<1x128xi32, #tpu.memory_space<vmem>> -> memref<128xi32, #tpu.memory_space<vmem>>
      %dma_wait3A_109 = arith.constant 0 : i32
      %dma_wait3A_110 = arith.constant 0 : i32
      %dma_wait3A_111 = tpu.memref_slice %arg2[%dma_wait3A_109, %dma_wait3A_110] : memref<10240x128xf32, #tpu.memory_space<hbm>> -> memref<10240x128xf32, #tpu.memory_space<hbm>>
      tpu.wait_indirect_dma semaphore(%arg11 : memref<!tpu.dma_semaphore, #tpu.memory_space<semaphore_mem>>) src(%dma_wait3A_111 : memref<10240x128xf32, #tpu.memory_space<hbm>>) dst(%arg9 : memref<128x128xf32, #tpu.memory_space<vmem>>)
      %dma_wait3A_112 = arith.constant 1 : i32
      %dma_wait3A_113 = arith.constant 0 : i32
      %dma_wait3A_114 = tpu.memref_slice %arg7[%dma_wait3A_112, %dma_wait3A_113] : memref<2x128xi32, #tpu.memory_space<vmem>> -> memref<1x128xi32, #tpu.memory_space<vmem>>
      %dma_wait3A_115 = tpu.memref_squeeze %dma_wait3A_114 : memref<1x128xi32, #tpu.memory_space<vmem>> -> memref<128xi32, #tpu.memory_space<vmem>>
      %dma_wait3A_116 = arith.constant 0 : i32
      %dma_wait3A_117 = tpu.memref_slice %arg4[%add3A, %add3A_105, %dma_wait3A_116] : memref<32x80x128xi32, #tpu.memory_space<hbm>> -> memref<1x1x128xi32, #tpu.memory_space<hbm>>
      %dma_wait3A_118 = tpu.memref_squeeze %dma_wait3A_117 : memref<1x1x128xi32, #tpu.memory_space<hbm>> -> memref<128xi32, #tpu.memory_space<hbm>>
      %dma_wait3A_119 = arith.constant 0 : i32
      %dma_wait3A_120 = tpu.memref_slice %arg7[%dma_wait3A_112, %dma_wait3A_119] : memref<2x128xi32, #tpu.memory_space<vmem>> -> memref<1x128xi32, #tpu.memory_space<vmem>>
      %dma_wait3A_121 = tpu.memref_squeeze %dma_wait3A_120 : memref<1x128xi32, #tpu.memory_space<vmem>> -> memref<128xi32, #tpu.memory_space<vmem>>
      %dma_wait3A_122 = arith.constant 0 : i32
      %dma_wait3A_123 = tpu.memref_slice %arg4[%add3A, %add3A_105, %dma_wait3A_122] : memref<32x80x128xi32, #tpu.memory_space<hbm>> -> memref<1x1x128xi32, #tpu.memory_space<hbm>>
      %dma_wait3A_124 = tpu.memref_squeeze %dma_wait3A_123 : memref<1x1x128xi32, #tpu.memory_space<hbm>> -> memref<128xi32, #tpu.memory_space<hbm>>
      tpu.wait_dma2 semaphore(%arg13 : memref<!tpu.dma_semaphore, #tpu.memory_space<semaphore_mem>>) src(%dma_wait3A_124 : memref<128xi32, #tpu.memory_space<hbm>>) dst(%dma_wait3A_121 : memref<128xi32, #tpu.memory_space<vmem>>)
      %run_scoped3A_125 = arith.constant 1 : i32
      "tpu.region"() ({
        %run_scoped3A_133 = tpu.sem_alloc : memref<!tpu.dma_semaphore, #tpu.memory_space<semaphore_mem>>
        %dma_start3A_134 = arith.constant 0 : i32
        %dma_start3A_135 = tpu.memref_slice %arg7[%run_scoped3A_125, %dma_start3A_134] : memref<2x128xi32, #tpu.memory_space<vmem>> -> memref<1x128xi32, #tpu.memory_space<vmem>>
        %dma_start3A_136 = tpu.memref_squeeze %dma_start3A_135 : memref<1x128xi32, #tpu.memory_space<vmem>> -> memref<128xi32, #tpu.memory_space<vmem>>
        %dma_start3A_137 = arith.constant 0 : i32
        %dma_start3A_138 = arith.constant 0 : i32
        %dma_start3A_139 = tpu.memref_slice %arg14[%dma_start3A_137, %dma_start3A_138] : memref<10240x128xf32, #tpu.memory_space<vmem_shared>> -> memref<10240x128xf32, #tpu.memory_space<vmem_shared>>
        tpu.enqueue_indirect_dma source(%arg9 : memref<128x128xf32, #tpu.memory_space<vmem>>) target(%dma_start3A_139 : memref<10240x128xf32, #tpu.memory_space<vmem_shared>>) offsets(%dma_start3A_136 : memref<128xi32, #tpu.memory_space<vmem>>) semaphore(%run_scoped3A_133 : memref<!tpu.dma_semaphore, #tpu.memory_space<semaphore_mem>>) {add = true}
        %dma_wait3A_140 = arith.constant 0 : i32
        %dma_wait3A_141 = tpu.memref_slice %arg7[%run_scoped3A_125, %dma_wait3A_140] : memref<2x128xi32, #tpu.memory_space<vmem>> -> memref<1x128xi32, #tpu.memory_space<vmem>>
        %dma_wait3A_142 = tpu.memref_squeeze %dma_wait3A_141 : memref<1x128xi32, #tpu.memory_space<vmem>> -> memref<128xi32, #tpu.memory_space<vmem>>
        %dma_wait3A_143 = arith.constant 0 : i32
        %dma_wait3A_144 = arith.constant 0 : i32
        %dma_wait3A_145 = tpu.memref_slice %arg14[%dma_wait3A_143, %dma_wait3A_144] : memref<10240x128xf32, #tpu.memory_space<vmem_shared>> -> memref<10240x128xf32, #tpu.memory_space<vmem_shared>>
        tpu.wait_indirect_dma semaphore(%run_scoped3A_133 : memref<!tpu.dma_semaphore, #tpu.memory_space<semaphore_mem>>) src(%arg9 : memref<128x128xf32, #tpu.memory_space<vmem>>) dst(%dma_wait3A_145 : memref<10240x128xf32, #tpu.memory_space<vmem_shared>>)
        tpu.yield
      }) : () -> ()
      %add3A_126 = arith.constant 2 : i32
      %add3A_127 = arith.addi %add3A_105, %add3A_126 : i32
      %lt3A_128 = arith.constant 80 : i32
      %lt3A_129 = arith.cmpi slt, %add3A_127, %lt3A_128 : i32
      %convert_element_type3A_130 = arith.extui %lt3A_129 : i1 to i32
      %cond3A_131 = arith.constant 0 : i32
      %cond3A_132 = arith.cmpi ne, %convert_element_type3A_130, %cond3A_131 : i32
      scf.if %cond3A_132 {
        %add3A_133 = arith.constant 2 : i32
        %add3A_134 = arith.addi %add3A_105, %add3A_133 : i32
        %dma_start3A_135 = arith.constant 0 : i32
        %dma_start3A_136 = tpu.memref_slice %arg6[%add3A_134, %dma_start3A_135] : memref<80x128xi32, #tpu.memory_space<vmem>> -> memref<1x128xi32, #tpu.memory_space<vmem>>
        %dma_start3A_137 = tpu.memref_squeeze %dma_start3A_136 : memref<1x128xi32, #tpu.memory_space<vmem>> -> memref<128xi32, #tpu.memory_space<vmem>>
        %dma_start3A_138 = arith.constant 0 : i32
        %dma_start3A_139 = arith.constant 0 : i32
        %dma_start3A_140 = tpu.memref_slice %arg2[%dma_start3A_138, %dma_start3A_139] : memref<10240x128xf32, #tpu.memory_space<hbm>> -> memref<10240x128xf32, #tpu.memory_space<hbm>>
        tpu.enqueue_indirect_dma source(%dma_start3A_140 : memref<10240x128xf32, #tpu.memory_space<hbm>>) target(%arg9 : memref<128x128xf32, #tpu.memory_space<vmem>>) offsets(%dma_start3A_137 : memref<128xi32, #tpu.memory_space<vmem>>) semaphore(%arg11 : memref<!tpu.dma_semaphore, #tpu.memory_space<semaphore_mem>>)
        %add3A_141 = arith.constant 2 : i32
        %add3A_142 = arith.addi %add3A_105, %add3A_141 : i32
        %dma_start3A_143 = arith.constant 1 : i32
        %dma_start3A_144 = arith.constant 0 : i32
        %dma_start3A_145 = tpu.memref_slice %arg7[%dma_start3A_143, %dma_start3A_144] : memref<2x128xi32, #tpu.memory_space<vmem>> -> memref<1x128xi32, #tpu.memory_space<vmem>>
        %dma_start3A_146 = tpu.memref_squeeze %dma_start3A_145 : memref<1x128xi32, #tpu.memory_space<vmem>> -> memref<128xi32, #tpu.memory_space<vmem>>
        %dma_start3A_147 = arith.constant 0 : i32
        %dma_start3A_148 = tpu.memref_slice %arg4[%add3A, %add3A_142, %dma_start3A_147] : memref<32x80x128xi32, #tpu.memory_space<hbm>> -> memref<1x1x128xi32, #tpu.memory_space<hbm>>
        %dma_start3A_149 = tpu.memref_squeeze %dma_start3A_148 : memref<1x1x128xi32, #tpu.memory_space<hbm>> -> memref<128xi32, #tpu.memory_space<hbm>>
        %dma_start3A_150 = arith.constant 0 : i32
        %dma_start3A_151 = tpu.memref_slice %arg7[%dma_start3A_143, %dma_start3A_150] : memref<2x128xi32, #tpu.memory_space<vmem>> -> memref<1x128xi32, #tpu.memory_space<vmem>>
        %dma_start3A_152 = tpu.memref_squeeze %dma_start3A_151 : memref<1x128xi32, #tpu.memory_space<vmem>> -> memref<128xi32, #tpu.memory_space<vmem>>
        %dma_start3A_153 = arith.constant 0 : i32
        %dma_start3A_154 = tpu.memref_slice %arg4[%add3A, %add3A_142, %dma_start3A_153] : memref<32x80x128xi32, #tpu.memory_space<hbm>> -> memref<1x1x128xi32, #tpu.memory_space<hbm>>
        %dma_start3A_155 = tpu.memref_squeeze %dma_start3A_154 : memref<1x1x128xi32, #tpu.memory_space<hbm>> -> memref<128xi32, #tpu.memory_space<hbm>>
        tpu.enqueue_dma source(%dma_start3A_155 : memref<128xi32, #tpu.memory_space<hbm>>) target(%dma_start3A_152 : memref<128xi32, #tpu.memory_space<vmem>>) target_semaphore(%arg13 : memref<!tpu.dma_semaphore, #tpu.memory_space<semaphore_mem>>)
      } else {
      }
    }
    %scan3A_73 = arith.constant 40 : i32
    %barrier3A_74 = arith.constant 0 : index
    tpu.barrier barrier_id(%barrier3A_74)
    %mul3A_75 = arith.constant 640 : i32
    %mul3A_76 = arith.muli %arg1, %mul3A_75 : i32
    %mul3A_77 = arith.constant 640 : i32
    %mul3A_78 = arith.muli %arg1, %mul3A_77 : i32
    "tpu.region"() ({
      %run_scoped3A = tpu.sem_alloc : memref<!tpu.dma_semaphore, #tpu.memory_space<semaphore_mem>>
      %dma_start3A_79 = arith.constant 0 : i32
      %dma_start3A_80 = tpu.memref_slice %arg5[%arg0, %mul3A_78, %dma_start3A_79] : memref<2x10240x128xf32, #tpu.memory_space<hbm>> -> memref<1x640x128xf32, #tpu.memory_space<hbm>>
      %dma_start3A_81 = tpu.memref_squeeze %dma_start3A_80 : memref<1x640x128xf32, #tpu.memory_space<hbm>> -> memref<640x128xf32, #tpu.memory_space<hbm>>
      %dma_start3A_82 = arith.constant 0 : i32
      %dma_start3A_83 = tpu.memref_slice %arg14[%mul3A_76, %dma_start3A_82] : memref<10240x128xf32, #tpu.memory_space<vmem_shared>> -> memref<640x128xf32, #tpu.memory_space<vmem_shared>>
      tpu.enqueue_dma source(%dma_start3A_83 : memref<640x128xf32, #tpu.memory_space<vmem_shared>>) target(%dma_start3A_81 : memref<640x128xf32, #tpu.memory_space<hbm>>) target_semaphore(%run_scoped3A : memref<!tpu.dma_semaphore, #tpu.memory_space<semaphore_mem>>)
      %dma_wait3A = arith.constant 0 : i32
      %dma_wait3A_84 = tpu.memref_slice %arg5[%arg0, %mul3A_78, %dma_wait3A] : memref<2x10240x128xf32, #tpu.memory_space<hbm>> -> memref<1x640x128xf32, #tpu.memory_space<hbm>>
      %dma_wait3A_85 = tpu.memref_squeeze %dma_wait3A_84 : memref<1x640x128xf32, #tpu.memory_space<hbm>> -> memref<640x128xf32, #tpu.memory_space<hbm>>
      %dma_wait3A_86 = arith.constant 0 : i32
      %dma_wait3A_87 = tpu.memref_slice %arg14[%mul3A_76, %dma_wait3A_86] : memref<10240x128xf32, #tpu.memory_space<vmem_shared>> -> memref<640x128xf32, #tpu.memory_space<vmem_shared>>
      tpu.wait_dma2 semaphore(%run_scoped3A : memref<!tpu.dma_semaphore, #tpu.memory_space<semaphore_mem>>) src(%dma_wait3A_87 : memref<640x128xf32, #tpu.memory_space<vmem_shared>>) dst(%dma_wait3A_85 : memref<640x128xf32, #tpu.memory_space<hbm>>)
      tpu.yield
    }) : () -> ()
    return
  }
}

module attributes {stable_mosaic.version = 14 : i64} {
  func.func @_tc_first_body(%arg0: i32, %arg1: memref<512x128xf32, #tpu.memory_space<vmem>>, %arg2: memref<512x1xf32, #tpu.memory_space<vmem>>, %arg3: memref<128x128xf32, #tpu.memory_space<vmem>>, %arg4: memref<512x128xf32, #tpu.memory_space<vmem>>) attributes {dimension_semantics = [#tpu.dimension_semantics<arbitrary>], iteration_bounds = array<i64: 20>, scalar_prefetch = 0 : i64, scratch_operands = 0 : i64, tpu.core_type = #tpu.core_type<tc>, window_params = [{transform_indices = @transform_0, window_bounds = array<i64: 512, 128>}, {transform_indices = @transform_1, window_bounds = array<i64: 512, 1>}, {pipeline_mode = #tpu.pipeline_mode<synchronous>, transform_indices = @transform_2, window_bounds = array<i64: 128, 128>}, {transform_indices = @transform_3, window_bounds = array<i64: 512, 128>}]} {
    %get3A = arith.constant 0 : index
    %get3A_0 = arith.constant 0 : index
    %get3A_1 = vector.load %arg2[%get3A, %get3A_0] : memref<512x1xf32, #tpu.memory_space<vmem>>, vector<512x1xf32>
    %max3A = arith.constant 1.000000e+00 : f32
    %max3A_2 = vector.broadcast %max3A : f32 to vector<512x1xf32>
    %max3A_3 = arith.maximumf %get3A_1, %max3A_2 : vector<512x1xf32>
    %rsqrt3A = math.rsqrt %max3A_3 : vector<512x1xf32>
    %get3A_4 = arith.constant 0 : index
    %get3A_5 = arith.constant 0 : index
    %get3A_6 = vector.load %arg1[%get3A_4, %get3A_5] : memref<512x128xf32, #tpu.memory_space<vmem>>, vector<512x128xf32>
    %mul3A = vector.broadcast %rsqrt3A : vector<512x1xf32> to vector<512x128xf32>
    %mul3A_7 = arith.mulf %get3A_6, %mul3A : vector<512x128xf32>
    %get3A_8 = arith.constant 0 : index
    %get3A_9 = arith.constant 0 : index
    %get3A_10 = vector.load %arg3[%get3A_8, %get3A_9] : memref<128x128xf32, #tpu.memory_space<vmem>>, vector<128x128xf32>
    %dot_general3A = arith.constant dense<0.000000e+00> : vector<512x128xf32>
    %dot_general3A_11 = tpu.matmul %mul3A_7, %get3A_10, %dot_general3A {dimension_numbers = #tpu.dot_dimension_numbers<[1], [0], [0], [1], [0, 0, 1, 1], [], []>, transpose_lhs_hint = false} : vector<512x128xf32>, vector<128x128xf32>, vector<512x128xf32> -> vector<512x128xf32>
    %swap3A = arith.constant 0 : index
    %swap3A_12 = arith.constant 0 : index
    %swap3A_13 = vector.load %arg4[%swap3A, %swap3A_12] : memref<512x128xf32, #tpu.memory_space<vmem>>, vector<512x128xf32>
    tpu.vector_store %arg4[%swap3A, %swap3A_12], %dot_general3A_11 {strides = array<i32>} : memref<512x128xf32, #tpu.memory_space<vmem>>, vector<512x128xf32>,
    return
  }
  func.func @transform_0(%arg0: i32) -> (i32, i32) {
    %c0_i32 = arith.constant 0 : i32
    %c0_i32_0 = arith.constant 0 : i32
    return %arg0, %c0_i32 : i32, i32
  }
  func.func @transform_1(%arg0: i32) -> (i32, i32) {
    %c0_i32 = arith.constant 0 : i32
    %c0_i32_0 = arith.constant 0 : i32
    return %arg0, %c0_i32 : i32, i32
  }
  func.func @transform_2(%arg0: i32) -> (i32, i32) {
    %c0_i32 = arith.constant 0 : i32
    %c0_i32_0 = arith.constant 0 : i32
    %c0_i32_1 = arith.constant 0 : i32
    return %c0_i32, %c0_i32_0 : i32, i32
  }
  func.func @transform_3(%arg0: i32) -> (i32, i32) {
    %c0_i32 = arith.constant 0 : i32
    %c0_i32_0 = arith.constant 0 : i32
    return %arg0, %c0_i32 : i32, i32
  }
}

module attributes {stable_mosaic.version = 14 : i64} {
  func.func @_tc_mid_body(%arg0: i32, %arg1: memref<2x512x128xf32, #tpu.memory_space<vmem>>, %arg2: memref<512x1xf32, #tpu.memory_space<vmem>>, %arg3: memref<512x1xf32, #tpu.memory_space<vmem>>, %arg4: memref<128x128xf32, #tpu.memory_space<vmem>>, %arg5: memref<512x128xf32, #tpu.memory_space<vmem>>) attributes {dimension_semantics = [#tpu.dimension_semantics<arbitrary>], iteration_bounds = array<i64: 20>, scalar_prefetch = 0 : i64, scratch_operands = 0 : i64, tpu.core_type = #tpu.core_type<tc>, window_params = [{transform_indices = @transform_0, window_bounds = array<i64: 2, 512, 128>}, {transform_indices = @transform_1, window_bounds = array<i64: 512, 1>}, {transform_indices = @transform_2, window_bounds = array<i64: 512, 1>}, {pipeline_mode = #tpu.pipeline_mode<synchronous>, transform_indices = @transform_3, window_bounds = array<i64: 128, 128>}, {transform_indices = @transform_4, window_bounds = array<i64: 512, 128>}]} {
    %get3A = arith.constant 0 : index
    %get3A_0 = arith.constant 0 : index
    %get3A_1 = vector.load %arg2[%get3A, %get3A_0] : memref<512x1xf32, #tpu.memory_space<vmem>>, vector<512x1xf32>
    %max3A = arith.constant 1.000000e+00 : f32
    %max3A_2 = vector.broadcast %max3A : f32 to vector<512x1xf32>
    %max3A_3 = arith.maximumf %get3A_1, %max3A_2 : vector<512x1xf32>
    %rsqrt3A = math.rsqrt %max3A_3 : vector<512x1xf32>
    %get3A_4 = arith.constant 0 : index
    %get3A_5 = arith.constant 0 : index
    %get3A_6 = vector.load %arg3[%get3A_4, %get3A_5] : memref<512x1xf32, #tpu.memory_space<vmem>>, vector<512x1xf32>
    %max3A_7 = arith.constant 1.000000e+00 : f32
    %max3A_8 = vector.broadcast %max3A_7 : f32 to vector<512x1xf32>
    %max3A_9 = arith.maximumf %get3A_6, %max3A_8 : vector<512x1xf32>
    %rsqrt3A_10 = math.rsqrt %max3A_9 : vector<512x1xf32>
    %get3A_11 = arith.constant 0 : index
    %get3A_12 = arith.constant 0 : index
    %get3A_13 = arith.constant 0 : index
    %get3A_14 = vector.load %arg1[%get3A_11, %get3A_12, %get3A_13] : memref<2x512x128xf32, #tpu.memory_space<vmem>>, vector<1x512x128xf32>
    %get3A_15 = vector.shape_cast %get3A_14 : vector<1x512x128xf32> to vector<512x128xf32>
    %get3A_16 = arith.constant 1 : index
    %get3A_17 = arith.constant 0 : index
    %get3A_18 = arith.constant 0 : index
    %get3A_19 = vector.load %arg1[%get3A_16, %get3A_17, %get3A_18] : memref<2x512x128xf32, #tpu.memory_space<vmem>>, vector<1x512x128xf32>
    %get3A_20 = vector.shape_cast %get3A_19 : vector<1x512x128xf32> to vector<512x128xf32>
    %add3A = arith.addf %get3A_15, %get3A_20 : vector<512x128xf32>
    %mul3A = vector.broadcast %rsqrt3A_10 : vector<512x1xf32> to vector<512x128xf32>
    %mul3A_21 = arith.mulf %add3A, %mul3A : vector<512x128xf32>
    %max3A_22 = arith.constant 0.000000e+00 : f32
    %max3A_23 = vector.broadcast %max3A_22 : f32 to vector<512x128xf32>
    %max3A_24 = arith.maximumf %mul3A_21, %max3A_23 : vector<512x128xf32>
    %mul3A_25 = vector.broadcast %rsqrt3A : vector<512x1xf32> to vector<512x128xf32>
    %mul3A_26 = arith.mulf %max3A_24, %mul3A_25 : vector<512x128xf32>
    %get3A_27 = arith.constant 0 : index
    %get3A_28 = arith.constant 0 : index
    %get3A_29 = vector.load %arg4[%get3A_27, %get3A_28] : memref<128x128xf32, #tpu.memory_space<vmem>>, vector<128x128xf32>
    %dot_general3A = arith.constant dense<0.000000e+00> : vector<512x128xf32>
    %dot_general3A_30 = tpu.matmul %mul3A_26, %get3A_29, %dot_general3A {dimension_numbers = #tpu.dot_dimension_numbers<[1], [0], [0], [1], [0, 0, 1, 1], [], []>, transpose_lhs_hint = false} : vector<512x128xf32>, vector<128x128xf32>, vector<512x128xf32> -> vector<512x128xf32>
    %swap3A = arith.constant 0 : index
    %swap3A_31 = arith.constant 0 : index
    %swap3A_32 = vector.load %arg5[%swap3A, %swap3A_31] : memref<512x128xf32, #tpu.memory_space<vmem>>, vector<512x128xf32>
    tpu.vector_store %arg5[%swap3A, %swap3A_31], %dot_general3A_30 {strides = array<i32>} : memref<512x128xf32, #tpu.memory_space<vmem>>, vector<512x128xf32>,
    return
  }
  func.func @transform_0(%arg0: i32) -> (i32, i32, i32) {
    %c0_i32 = arith.constant 0 : i32
    %c0_i32_0 = arith.constant 0 : i32
    %c0_i32_1 = arith.constant 0 : i32
    return %c0_i32, %arg0, %c0_i32_0 : i32, i32, i32
  }
  func.func @transform_1(%arg0: i32) -> (i32, i32) {
    %c0_i32 = arith.constant 0 : i32
    %c0_i32_0 = arith.constant 0 : i32
    return %arg0, %c0_i32 : i32, i32
  }
  func.func @transform_2(%arg0: i32) -> (i32, i32) {
    %c0_i32 = arith.constant 0 : i32
    %c0_i32_0 = arith.constant 0 : i32
    return %arg0, %c0_i32 : i32, i32
  }
  func.func @transform_3(%arg0: i32) -> (i32, i32) {
    %c0_i32 = arith.constant 0 : i32
    %c0_i32_0 = arith.constant 0 : i32
    %c0_i32_1 = arith.constant 0 : i32
    return %c0_i32, %c0_i32_0 : i32, i32
  }
  func.func @transform_4(%arg0: i32) -> (i32, i32) {
    %c0_i32 = arith.constant 0 : i32
    %c0_i32_0 = arith.constant 0 : i32
    return %arg0, %c0_i32 : i32, i32
  }
}

module attributes {stable_mosaic.version = 14 : i64} {
  func.func @_tc_last_body(%arg0: i32, %arg1: memref<2x512x128xf32, #tpu.memory_space<vmem>>, %arg2: memref<512x1xf32, #tpu.memory_space<vmem>>, %arg3: memref<512x64xf32, #tpu.memory_space<vmem>>) attributes {dimension_semantics = [#tpu.dimension_semantics<arbitrary>], iteration_bounds = array<i64: 20>, scalar_prefetch = 0 : i64, scratch_operands = 0 : i64, tpu.core_type = #tpu.core_type<tc>, window_params = [{transform_indices = @transform_0, window_bounds = array<i64: 2, 512, 128>}, {transform_indices = @transform_1, window_bounds = array<i64: 512, 1>}, {transform_indices = @transform_2, window_bounds = array<i64: 512, 64>}]} {
    %get3A = arith.constant 0 : index
    %get3A_0 = arith.constant 0 : index
    %get3A_1 = vector.load %arg2[%get3A, %get3A_0] : memref<512x1xf32, #tpu.memory_space<vmem>>, vector<512x1xf32>
    %max3A = arith.constant 1.000000e+00 : f32
    %max3A_2 = vector.broadcast %max3A : f32 to vector<512x1xf32>
    %max3A_3 = arith.maximumf %get3A_1, %max3A_2 : vector<512x1xf32>
    %rsqrt3A = math.rsqrt %max3A_3 : vector<512x1xf32>
    %get3A_4 = arith.constant 0 : index
    %get3A_5 = arith.constant 0 : index
    %get3A_6 = arith.constant 0 : index
    %get3A_7 = vector.load %arg1[%get3A_4, %get3A_5, %get3A_6] : memref<2x512x128xf32, #tpu.memory_space<vmem>>, vector<1x512x128xf32>
    %get3A_8 = vector.shape_cast %get3A_7 : vector<1x512x128xf32> to vector<512x128xf32>
    %slice3A = vector.extract_strided_slice %get3A_8 {offsets = [0, 0], sizes = [512, 64], strides = [1, 1]} : vector<512x128xf32> to vector<512x64xf32>
    %get3A_9 = arith.constant 1 : index
    %get3A_10 = arith.constant 0 : index
    %get3A_11 = arith.constant 0 : index
    %get3A_12 = vector.load %arg1[%get3A_9, %get3A_10, %get3A_11] : memref<2x512x128xf32, #tpu.memory_space<vmem>>, vector<1x512x128xf32>
    %get3A_13 = vector.shape_cast %get3A_12 : vector<1x512x128xf32> to vector<512x128xf32>
    %slice3A_14 = vector.extract_strided_slice %get3A_13 {offsets = [0, 0], sizes = [512, 64], strides = [1, 1]} : vector<512x128xf32> to vector<512x64xf32>
    %add3A = arith.addf %slice3A, %slice3A_14 : vector<512x64xf32>
    %mul3A = vector.broadcast %rsqrt3A : vector<512x1xf32> to vector<512x64xf32>
    %mul3A_15 = arith.mulf %add3A, %mul3A : vector<512x64xf32>
    %swap3A = arith.constant 0 : index
    %swap3A_16 = arith.constant 0 : index
    %swap3A_17 = vector.load %arg3[%swap3A, %swap3A_16] : memref<512x64xf32, #tpu.memory_space<vmem>>, vector<512x64xf32>
    tpu.vector_store %arg3[%swap3A, %swap3A_16], %mul3A_15 {strides = array<i32>} : memref<512x64xf32, #tpu.memory_space<vmem>>, vector<512x64xf32>,
    return
  }
  func.func @transform_0(%arg0: i32) -> (i32, i32, i32) {
    %c0_i32 = arith.constant 0 : i32
    %c0_i32_0 = arith.constant 0 : i32
    %c0_i32_1 = arith.constant 0 : i32
    return %c0_i32, %arg0, %c0_i32_0 : i32, i32, i32
  }
  func.func @transform_1(%arg0: i32) -> (i32, i32) {
    %c0_i32 = arith.constant 0 : i32
    %c0_i32_0 = arith.constant 0 : i32
    return %arg0, %c0_i32 : i32, i32
  }
  func.func @transform_2(%arg0: i32) -> (i32, i32) {
    %c0_i32 = arith.constant 0 : i32
    %c0_i32_0 = arith.constant 0 : i32
    return %arg0, %c0_i32 : i32, i32
  }
}

</mosaic_0001>

<sc_bundles>
// kernel: kernel.10.cloned.1.call-start
scs
__scs_entry_jumppad:
0x0: {  	(pc) =	sbr.rel $0x88, $3  }
0x1: {  	(tag) =	ssettag $0x0;
	lr =	simm.s32 $0x1  }
0x2: {  	[smem:$0x3F9C] =	sst lr;
	_ =	strace $0xD0000000  }
0x3: {  	_ = 	snop  }
0x4: {  	_ = 	snop  }
0x5: {  	_ = 	snop  }
0x6: {  	_ = 	snop  }
0x7: {  	_ = 	snop  }
__scs_overlays_trampoline_lowered:
0x8: {  	[smem:$0x3FAB] =	sst s0  }
0x9: {  	[smem:$0x3FAC] =	sst s1  }
0xa: {  	[smem:$0x3FAD] =	sst s2  }
0xb: {  	[smem:$0x3FAE] =	sst s3  }
0xc: {  	[smem:$0x3FAF] =	sst s4  }
0xd: {  	[smem:$0x3FB0] =	sst s5  }
0xe: {  	[smem:$0x3FB1] =	sst s6  }
0xf: {  	[smem:$0x3FB2] =	sst s7  }
0x10: {  	[smem:$0x3FB3] =	sst s8  }
0x11: {  	[smem:$0x3FB4] =	sst s9;
	s0 =	simm.s32 @!p0 $0x0  }
0x12: {  	s1 =	sld [smem:$0x3F9A];
	s0 =	simm.s32 @p0 $0x1  }
0x13: {  	[smem:$0x3FB5] =	sst s0;
	s0 =	simm.s32 @!p1 $0x0  }
0x14: {  	s2 =	sld [smem:$0x3F99];
	s0 =	simm.s32 @p1 $0x1  }
0x15: {  	[smem:$0x3FB6] =	sst s0;
	s0 =	simm.s32 @!p2 $0x0  }
0x16: {  	s3 =	sld [smem:$0x3FDB];
	s0 =	simm.s32 @p2 $0x1  }
0x17: {  	s4 =	simm.s32 $0x1BF5;
	[smem:$0x3FB8] =	sst s0  }
0x18: {  	s0 =	sld [smem:$0x3F9B];
	_ =	swait.ge [sflag:s4], $0x0  }
0x19: {  	s7 =	sld [smem:$0x3F9C]  }
0x1a: {  	s8 =	sadd.s32 $0xFFFFE003, lr  }
0x1b: {  	s9 =	sadd.s32 $0xFFFFFEF7, lr;
	s5 =	simm.s32 $0xFFFFFFFF;
	p2 =	slt.u32 s8, $0xFFFFF086  }
0x1c: {  	p1 =	slt.u32 s9, $0xF7A;
	s5 =	simm.s32 @!p2 $0x0  }
0x1d: {  	s5 =	simm.s32 @p1 $0x1;
	p0 =	seq.s32 s7, s2  }
0x1e: {  	s7 =	smul.u32 @!p0 $0xF7A, s2;
	p2 =	seq.s32 @!p0 s5, $0x0  }
0x1f: {  	s9 =	smul.u32 $0xF7A, s1;
	s8 =	simm.s32 @!p0 $0x1BF5;
	p2 =	por !p2, p0  }
0x20: {  	[sflag:s8] =	ssyncset.s32 @!p0 $0xFFFFF086;
	s6 =	sadd.s32 @!p0 s3, s7;
	s7 =	simm.s32 @!p0 $0x108  }
0x21: {  	s3 =	sadd.s32 s3, s9;
	s6 =	sadd.s32 @!p0 $0x88, s6;
	s7 =	simm.s32 @p2 $0x1082  }
0x22: {  	[simem:s7], [sflag:s8] =	dma.local @!p0 [hbm:s6], $0xF7A  }
0x23: {  	s9 =	sor.u32 $0xD0000000, s2;
	s6 =	simm.s32 $0x108;
	_ =	swait.ge @!p0 [sflag:s8], $0x0  }
0x24: {  	s3 =	sadd.s32 $0x88, s3;
	s6 =	simm.s32 @!p1 $0x1082;
	[sflag:s4] =	ssyncset.s32 $0xFFFFF086  }
0x25: {  	[simem:s6], [sflag:s4] =	dma.local [hbm:s3], $0xF7A  }
0x26: {  	[smem:$0x3F9C] =	sst s1;
	(tag) =	ssettag s2;
	_ =	strace s9  }
0x27: {  	s1 =	sld [smem:$0x3FAC]  }
0x28: {  	s2 =	sld [smem:$0x3FAD]  }
0x29: {  	s4 =	sld [smem:$0x3FAF]  }
0x2a: {  	p0 =	seq.s32 s5, $0x0;
	s5 =	sld [smem:$0x3FB0]  }
0x2b: {  	s6 =	sld [smem:$0x3FB1]  }
0x2c: {  	s7 =	sld [smem:$0x3FB2]  }
0x2d: {  	s3 =	simm.s32 $0x108;
	s8 =	sld [smem:$0x3FB3]  }
0x2e: {  	s3 =	simm.s32 @!p0 $0x1082;
	s9 =	sld [smem:$0x3FB4]  }
0x2f: {  	lr =	sadd.s32 s0, s3;
	s0 =	sld [smem:$0x3FAB]  }
0x30: {  	s3 =	sld [smem:$0x3FAE]  }
0x31: {  	[smem:$0x3FB7] =	sst s10  }
0x32: {  	s10 =	sld [smem:$0x3FB5];
	_ =	sdelay $0x3  }
0x33: {  	p0 =	seq.s32 s10, $0x1;
	s10 =	sld [smem:$0x3FB7];
	_ =	sdelay $0x3  }
0x34: {  	[smem:$0x3FB7] =	sst s10  }
0x35: {  	s10 =	sld [smem:$0x3FB6];
	_ =	sdelay $0x3  }
0x36: {  	p1 =	seq.s32 s10, $0x1;
	s10 =	sld [smem:$0x3FB7];
	_ =	sdelay $0x3  }
0x37: {  	[smem:$0x3FB7] =	sst s10  }
0x38: {  	s10 =	sld [smem:$0x3FB8]  }
0x39: {  	_ = 	snop;
	(pc) =	sbr.ind lr, $3  }
0x3a: {  	_ = 	snop  }
0x3b: {  	_ = 	snop  }
0x3c: {  	p2 =	seq.s32 s10, $0x1;
	s10 =	sld [smem:$0x3FB7]  }
0x3d: {  	_ =	shalt  }
0x3e: {  	_ =	shalt  }
0x3f: {  	_ =	shalt  }
0x40: {  	_ =	shalt  }
0x41: {  	_ =	shalt  }
0x42: {  	_ =	shalt  }
0x43: {  	_ =	shalt  }
0x44: {  	_ =	shalt  }
0x45: {  	_ =	shalt  }
0x46: {  	_ =	shalt  }
0x47: {  	_ =	shalt  }
0x48: {  	_ =	shalt  }
0x49: {  	_ =	shalt  }
0x4a: {  	_ =	shalt  }
0x4b: {  	_ =	shalt  }
0x4c: {  	_ =	shalt  }
0x4d: {  	_ =	shalt  }
0x4e: {  	_ =	shalt  }
0x4f: {  	_ =	shalt  }
0x50: {  	_ =	shalt  }
0x51: {  	_ =	shalt  }
0x52: {  	_ =	shalt  }
0x53: {  	_ =	shalt  }
0x54: {  	_ =	shalt  }
0x55: {  	_ =	shalt  }
0x56: {  	_ =	shalt  }
0x57: {  	_ =	shalt  }
0x58: {  	_ =	shalt  }
0x59: {  	_ =	shalt  }
0x5a: {  	_ =	shalt  }
0x5b: {  	_ =	shalt  }
0x5c: {  	_ =	shalt  }
0x5d: {  	_ =	shalt  }
0x5e: {  	_ =	shalt  }
0x5f: {  	_ =	shalt  }
0x60: {  	_ =	shalt  }
0x61: {  	_ =	shalt  }
0x62: {  	_ =	shalt  }
0x63: {  	_ =	shalt  }
0x64: {  	_ =	shalt  }
0x65: {  	_ =	shalt  }
0x66: {  	_ =	shalt  }
0x67: {  	_ =	shalt  }
0x68: {  	_ =	shalt  }
0x69: {  	_ =	shalt  }
0x6a: {  	_ =	shalt  }
0x6b: {  	_ =	shalt  }
0x6c: {  	_ =	shalt  }
0x6d: {  	_ =	shalt  }
0x6e: {  	_ =	shalt  }
0x6f: {  	_ =	shalt  }
0x70: {  	_ =	shalt  }
0x71: {  	_ =	shalt  }
0x72: {  	_ =	shalt  }
0x73: {  	_ =	shalt  }
0x74: {  	_ =	shalt  }
0x75: {  	_ =	shalt  }
0x76: {  	_ =	shalt  }
0x77: {  	_ =	shalt  }
0x78: {  	_ =	shalt  }
0x79: {  	_ =	shalt  }
0x7a: {  	_ =	shalt  }
0x7b: {  	_ =	shalt  }
0x7c: {  	_ =	shalt  }
0x7d: {  	_ =	shalt  }
0x7e: {  	_ =	shalt  }
0x7f: {  	_ =	shalt  }
0x80: {  	_ =	shalt  }
0x81: {  	_ =	shalt  }
0x82: {  	_ =	shalt  }
0x83: {  	_ =	shalt  }
0x84: {  	_ =	shalt  }
0x85: {  	_ =	shalt  }
0x86: {  	_ =	shalt  }
0x87: {  	_ =	shalt  }
.Lfunc_end0:
.L_simem_size_0:
called_computation_lowered:
.L_overlay_start_0:
0x88: {  	s2 =	sld [smem:$0x3FD9]  }
0x89: {  	s3 =	sld [smem:$0x3FFE];
	_ =	sdelay $0x1  }
0x8a: {  	s1 =	srdreg.scid  }
0x8b: {  	s0 =	sand.u32 $0x1, s1  }
0x8c: {  	s17 =	sshll.u32 s0, $0xA;
	s2 =	sadd.s32 s3, s2  }
0x8d: {  	s2 =	sadd.s32 s2, s17  }
0x8e: {  	[smem:$0x3FC3] =	sst s2  }
0x8f: {  	_ = 	snop  }
0x90: {  	s2 =	sld [smem:$0x3FD0];
	(tm) =	ssettm $0x1  }
0x91: {  	s18 =	sld [smem:$0x3FFB];
	_ =	sdelay $0x3  }
0x92: {  	_ =	strace s18  }
0x93: {  	s3 =	sld [smem:$0x3FFC];
	_ =	sdelay $0x3  }
0x94: {  	_ =	strace s3  }
0x95: {  	s3 =	sld [smem:$0x3FFD];
	_ =	sdelay $0x3  }
0x96: {  	_ =	strace s3  }
0x97: {  	_ =	strace $0x8FFFFFFF  }
0x98: {  	s19 =	sld [smem:$0x3FDB];
	_ =	sdelay $0x1  }
0x99: {  	s4 =	simm.s32 $_scs_section_size  }
0x9a: {  	s5 =	simm.s32 $_size__tile_overlayer_lowered;
	s6 =	simm.s32 $_tile_overlayer_lowered  }
0x9b: {  	s22 =	simm.s32 $0x1BFF;
	s21 =	sshll.u32 s6, $0x1;
	s3 =	sadd.s32 s4, s19  }
0x9c: {  	s7 =	simm.s32 $0x0;
	s20 =	sshll.u32 s5, $0x1;
	s5 =	sadd.s32 s21, s3  }
0x9d: {  	[timem:s7], [sflag:s22] =	dma.local [hbm:s5], s20  }
0x9e: {  	_ =	swait.ge [sflag:s22], s20  }
0x9f: {  	s4 =	ssub.s32 $0x0, s20;
	[sflag:s22] =	ssyncset.done $0x0  }
0xa0: {  	[sflag:s22] =	ssyncadd.s32 s4;
	_ =	sdelay $0x1  }
0xa1: {  	s23 =	simm.s32 $0x1B8B  }
0xa2: {  	_ =	swait.ge [sflag:s23], $0x1  }
0xa3: {  	[sflag:s23] =	ssyncset.done $0x0  }
0xa4: {  	s25 =	simm.s32 $0x1B8E;
	s24 =	sld [smem:$0x3FFE];
	[sflag:s23] =	ssyncadd.s32 $0xFFFFFFFF  }
0xa5: {  	s26 =	simm.s32 $execute0_lowered;
	[smem:$0x3FD2] =	sst s25  }
0xa6: {  	s5 =	sshll.u32 s26, $0x1;
	_ =	strace $0x80000046;
	[dreg:$0x1] =	wrdreg $0xFFFFFFFF  }
0xa7: {  	s28 =	simm.s32 $_size_execute0_lowered;
	s3 =	sadd.s32 s3, s5;
	[dreg:$0x0] =	wrdreg $0x0  }
0xa8: {  	s5 =	sshll.u32 s28, $0x1;
	[dreg:$0x2] =	wrdreg s3  }
0xa9: {  	[dreg:$0x3] =	wrdreg s5  }
0xaa: {  	[dreg:$0x4] =	wrdreg $0xC0  }
0xab: {  	_ =	task [dreg:s7], $0x5FFFF  }
0xac: {  	[dreg:$0x1] =	wrdreg $0xFFFFFFFF  }
0xad: {  	[dreg:$0x0] =	wrdreg $0x60  }
0xae: {  	[dreg:$0x2] =	wrdreg s2  }
0xaf: {  	[dreg:$0x3] =	wrdreg s24  }
0xb0: {  	[dreg:$0x4] =	wrdreg $0x90000  }
0xb1: {  	[dreg:$0x5] =	wrdreg $0x9  }
0xb2: {  	_ =	task.clear_ibuf [dreg:s7], $0x6FFFF;
	_ =	strace $0x90000046  }
0xb3: {  	s29 =	simm.s32 $0x9;
	_ =	strace $0x80000048  }
0xb4: {  	_ =	swait.ge [sflag:s29], $0x1  }
0xb5: {  	[sflag:s29] =	ssyncadd.s32 $0xFFFFFFFF  }
0xb6: {  	_ =	strace $0x90000048  }
0xb7: {  	_ =	sfence  }
0xb8: {  	s30 =	sld [smem:$0x0];
	_ =	sdelay $0x2  }
0xb9: {  	s31 =	sshll.u32 s1, $0xD;
	s1 =	sshrl.u32 s1, $0x2  }
0xba: {  	s3 =	sand.u32 $0x4000, s31;
	s1 =	sadd.s32 s1, s30  }
0xbb: {  	s0 =	sor.u32 s3, s0;
	s1 =	sshll.u32 s1, $0x11  }
0xbc: {  	s0 =	sor.u32 s1, s0  }
0xbd: {  	s0 =	sadd.s32 $0x8F2B, s0  }
0xbe: {  	[sflag:s0] =	ssyncadd.remote.s32 $0x1  }
0xbf: {  	_ =	sfence.sel $0xFFFF  }
0xc0: {  	[dreg:$0x0] =	wrdreg $0xFFFFFFFF;
	(pc) =	sbr.abs _section_cstart, $3  }
0xc1: {  	[dreg:$0x1] =	wrdreg $0xFFFFFFFF  }
0xc2: {  	_ =	task.clear_ibuf [dreg:s7], $0x2FFFF;
	_ =	strace $0x9FFFFFFF  }
0xc3: {  	(tm) =	ssettm $0x7FFFFFFF  }
tec
execute0_lowered:
.L_overlay_start_1:
0x0: {  	(tag) =	ssettag $0x1  }
0x1: {  	s4 =	rddreg [dreg:$0x0]  }
0x2: {  	s5 =	rddreg [dreg:$0x1]  }
0x3: {  	s2 =	rddreg [dreg:$0x2];
	s3 =	srdreg.scid  }
0x4: {  	s0 =	rddreg [dreg:$0x3];
	s1 =	stileid.u32  }
0x5: {  	s14 =	simm.s32 $0x1;
	s15 =	simm.s32 $0x2800;
	s16 =	simm.s32 $0x5000  }
0x6: {  	s17 =	simm.s32 $0x80;
	s18 =	simm.s32 $0x0;
	s9 =	smul.u32 $0x14000, s1  }
0x7: {  	s6 =	sand.u32 $0x1, s3;
	s3 =	simm.s32 $0x0;
	s30 =	smul.u32 $0x50000, s1  }
0x8: {  	s7 =	sshll.u32 s1, $0x1;
	s8 =	smul.u32 $0x140000, s6;
	[smem:$0x7FF] =	sst s3  }
0x9: {  	s7 =	sor.u32 s6, s7;
	s6 =	ssub.s32 $0x2, s6;
	_ =	strace $0x80000047  }
0xa: {  	s7 =	smul.u32 $0x500, s7;
	s11 =	sshrl.u32 s6, $0x1;
	s31 =	sshrl.u32 s30, $0x2  }
0xb: {  	s8 =	sadd.s32 s9, s8;
	s13 =	ssub.s32 s6, s11;
	s6 =	sadd.s32 s31, s2  }
0xc: {  	s10 =	sadd.s32 s7, s5;
	s8 =	sshrl.u32 s8, $0x3;
	s4 =	sadd.s32 s4, s7  }
0xd: {  	s7 =	sadd.s32 $0x4000, s6;
	s9 =	sadd.s32 $0xC000, s6;
	s13 =	smax.u32 s13, $0x1  }
0xe: {  	s12 =	sadd.s32 s8, s5;
	s5 =	sadd.s32 $0x2400, s10;
	s8 =	sadd.s32 $0x8000, s6  }
0xf: {  	v0 =	vimm.f32 $0.0e+00;
	v1 =	vimm.f32 $1.000000000e+00;
	s10 =	sadd.s32 $0x10000, s6;
	s11 =	sadd.s32 $0xC400, s12;
	s12 =	sadd.s32 $0x5C400, s12  }
.LBB2_1:
0x10: {  	[tilespmem:s3], [sflag:$0x1] =	stream.linear.gather [hbm4b:s4+s3], $0x2800, $0x38;
	[tilespmem:$0x1D000] =	vst v63  }
0x11: {  	_ =	swait.ge [sflag:s14], $0x2800  }
0x12: {  	[sflag:s14] =	ssyncset.done $0x0  }
0x13: {  	[sflag:s14] =	ssyncadd.s32 $0xFFFFD800  }
0x14: {  	[tilespmem:s15], [sflag:$0x1] =	stream.linear.gather [hbm4b:s5+s3], $0x2800, $0x38;
	[tilespmem:$0x1D000] =	vst v63  }
0x15: {  	_ =	swait.ge [sflag:s14], $0x2800  }
0x16: {  	[sflag:s14] =	ssyncset.done $0x0  }
0x17: {  	s19 =	simm.s32 $0x0;
	s20 =	simm.s32 $0x200;
	[sflag:s14] =	ssyncadd.s32 $0xFFFFD800  }
.LBB2_2:
0x18: {  	p0 =	sne.s32 s20, $0xFE00;
	[tilespmem:s19+$0x5070] =	vst v0  }
0x19: {  	[tilespmem:s19+$0x5000] =	vst v0  }
0x1a: {  	[tilespmem:s19+$0x5010] =	vst v0  }
.Ltmp0:
0x1b: {  	[tilespmem:s19+$0x5020] =	vst v0;
	(pc) =	sbr.rel @p0 .LBB2_2-.Ltmp0, $4  }
0x1c: {  	[tilespmem:s19+$0x5030] =	vst v0  }
0x1d: {  	[tilespmem:s19+$0x5040] =	vst v0  }
0x1e: {  	[tilespmem:s19+$0x5050] =	vst v0  }
0x1f: {  	[tilespmem:s19+$0x5060] =	vst v0;
	s19 =	sshra.s32 s20, $0x2;
	s20 =	sadd.s32 $0x200, s20  }
0x20: {  	[tilespmem:s19+$0x5070] =	vst v0  }
0x21: {  	[tilespmem:s19+$0x5000] =	vst v0  }
0x22: {  	[tilespmem:s19+$0x5010] =	vst v0  }
0x23: {  	[tilespmem:s19+$0x5020] =	vst v0  }
0x24: {  	[tilespmem:s19+$0x5030] =	vst v0  }
0x25: {  	[tilespmem:s19+$0x5040] =	vst v0  }
0x26: {  	[tilespmem:s19+$0x5050] =	vst v0  }
0x27: {  	[tilespmem:s19+$0x5060] =	vst v0  }
0x28: {  	[spmem:s6] =	stream.linear.scatter [tilespmem:s16], [sflag:$0x1], $0x4000, $0x38;
	[tilespmem:$0x1D000] =	vst v63  }
0x29: {  	_ =	swait.ge [sflag:s14], $0x4000  }
0x2a: {  	[sflag:s14] =	ssyncset.done $0x0  }
0x2b: {  	[sflag:s14] =	ssyncadd.s32 $0xFFFFC000  }
0x2c: {  	[spmem:s7] =	stream.linear.scatter [tilespmem:s16], [sflag:$0x1], $0x4000, $0x38;
	[tilespmem:$0x1D000] =	vst v63  }
0x2d: {  	_ =	swait.ge [sflag:s14], $0x4000  }
0x2e: {  	[sflag:s14] =	ssyncset.done $0x0  }
0x2f: {  	[sflag:s14] =	ssyncadd.s32 $0xFFFFC000  }
0x30: {  	[spmem:s8] =	stream.linear.scatter [tilespmem:s16], [sflag:$0x1], $0x4000, $0x38;
	[tilespmem:$0x1D000] =	vst v63  }
0x31: {  	_ =	swait.ge [sflag:s14], $0x4000  }
0x32: {  	[sflag:s14] =	ssyncset.done $0x0  }
0x33: {  	[sflag:s14] =	ssyncadd.s32 $0xFFFFC000  }
0x34: {  	[spmem:s9] =	stream.linear.scatter [tilespmem:s16], [sflag:$0x1], $0x4000, $0x38;
	[tilespmem:$0x1D000] =	vst v63  }
0x35: {  	_ =	swait.ge [sflag:s14], $0x4000  }
0x36: {  	[sflag:s14] =	ssyncset.done $0x0  }
0x37: {  	[sflag:s14] =	ssyncadd.s32 $0xFFFFC000  }
0x38: {  	[spmem:s10] =	stream.linear.scatter [tilespmem:s16], [sflag:$0x1], $0x4000, $0x38;
	[tilespmem:$0x1D000] =	vst v63  }
0x39: {  	_ =	swait.ge [sflag:s14], $0x4000  }
0x3a: {  	[sflag:s14] =	ssyncset.done $0x0  }
0x3b: {  	s19 =	simm.s32 $0x0;
	s20 =	simm.s32 $0x200;
	[sflag:s14] =	ssyncadd.s32 $0xFFFFC000  }
.LBB2_4:
0x3c: {  	p0 =	sne.s32 s20, $0xFE00;
	[tilespmem:s19+$0x5070] =	vst v1  }
0x3d: {  	[tilespmem:s19+$0x5000] =	vst v1  }
0x3e: {  	[tilespmem:s19+$0x5010] =	vst v1  }
.Ltmp1:
0x3f: {  	[tilespmem:s19+$0x5020] =	vst v1;
	(pc) =	sbr.rel @p0 .LBB2_4-.Ltmp1, $4  }
0x40: {  	[tilespmem:s19+$0x5030] =	vst v1  }
0x41: {  	[tilespmem:s19+$0x5040] =	vst v1  }
0x42: {  	[tilespmem:s19+$0x5050] =	vst v1  }
0x43: {  	[tilespmem:s19+$0x5060] =	vst v1;
	s19 =	sshra.s32 s20, $0x2;
	s20 =	sadd.s32 $0x200, s20  }
0x44: {  	[tilespmem:s19+$0x5070] =	vst v1  }
0x45: {  	[tilespmem:s19+$0x5000] =	vst v1  }
0x46: {  	[tilespmem:s19+$0x5010] =	vst v1  }
0x47: {  	[tilespmem:s19+$0x5020] =	vst v1  }
0x48: {  	[tilespmem:s19+$0x5030] =	vst v1  }
0x49: {  	[tilespmem:s19+$0x5040] =	vst v1  }
0x4a: {  	[tilespmem:s19+$0x5050] =	vst v1  }
0x4b: {  	[tilespmem:s19+$0x5060] =	vst v1  }
0x4c: {  	s31 =	simm.s32 $0x0;
	[bflag:$0x0] =	sbarrier.arrive $0xFFFF  }
0x4d: {  	[spmem:s2] =	stream.indirect.scatter.add.f32 [tilespmem:s16], [sflag:$0x1], $0x80, s31, s17, $0xb8;
	[tilespmem:$0x1D000] =	vst v63  }
0x4e: {  	_ =	swait.ge [sflag:s14], $0x4000  }
0x4f: {  	s19 =	simm.s32 $0x200;
	[sflag:s14] =	ssyncset.done $0x0  }
.LBB2_6:
0x50: {  	s20 =	sshra.s32 s19, $0x2;
	[sflag:s14] =	ssyncadd.s32 $0xFFFFC000;
	p0 =	sne.s32 s19, $0x9E00  }
0x51: {  	[spmem:s2] =	stream.indirect.scatter.add.f32 [tilespmem:s16], [sflag:$0x1], $0x80, s20, s17, $0xb8;
	[tilespmem:$0x1D000] =	vst v63  }
.Ltmp2:
0x52: {  	_ = 	snop;
	(pc) =	sbr.rel @p0 .LBB2_6-.Ltmp2, $4  }
0x53: {  	_ = 	snop  }
0x54: {  	s19 =	sadd.s32 $0x200, s19  }
0x55: {  	_ =	swait.ge [sflag:s14], $0x4000  }
0x56: {  	[sflag:s14] =	ssyncset.done $0x0  }
0x57: {  	[sflag:s14] =	ssyncadd.s32 $0xFFFFC000;
	s19 =	sshll.u32 s1, $0x6  }
0x58: {  	s20 =	sshrl.u32 s6, $0x3;
	[bflag:$0x0] =	sbarrier.arrive $0xFFFF;
	s19 =	sor.u32 $0x1C01, s19  }
0x59: {  	[hbm:s11], [sflag:s19] =	dma.local [spmem:s20], $0x2800  }
0x5a: {  	_ =	swait.ge [sflag:s14], $0x2800  }
0x5b: {  	[sflag:s14] =	ssyncset.done $0x0  }
0x5c: {  	[sflag:s14] =	ssyncadd.s32 $0xFFFFD800  }
0x5d: {  	s21 =	simm.s32 $0x0;
	s22 =	simm.s32 $0x200;
	[bflag:$0x0] =	sbarrier.arrive $0xFFFF  }
.LBB2_8:
0x5e: {  	p0 =	sne.s32 s22, $0xFE00;
	[tilespmem:s21+$0x5070] =	vst v0  }
0x5f: {  	[tilespmem:s21+$0x5000] =	vst v0  }
0x60: {  	[tilespmem:s21+$0x5010] =	vst v0  }
.Ltmp3:
0x61: {  	[tilespmem:s21+$0x5020] =	vst v0;
	(pc) =	sbr.rel @p0 .LBB2_8-.Ltmp3, $4  }
0x62: {  	[tilespmem:s21+$0x5030] =	vst v0  }
0x63: {  	[tilespmem:s21+$0x5040] =	vst v0  }
0x64: {  	[tilespmem:s21+$0x5050] =	vst v0  }
0x65: {  	[tilespmem:s21+$0x5060] =	vst v0;
	s21 =	sshra.s32 s22, $0x2;
	s22 =	sadd.s32 $0x200, s22  }
0x66: {  	[tilespmem:s21+$0x5070] =	vst v0  }
0x67: {  	[tilespmem:s21+$0x5000] =	vst v0  }
0x68: {  	[tilespmem:s21+$0x5010] =	vst v0  }
0x69: {  	[tilespmem:s21+$0x5020] =	vst v0  }
0x6a: {  	[tilespmem:s21+$0x5030] =	vst v0  }
0x6b: {  	[tilespmem:s21+$0x5040] =	vst v0  }
0x6c: {  	[tilespmem:s21+$0x5050] =	vst v0  }
0x6d: {  	[tilespmem:s21+$0x5060] =	vst v0  }
0x6e: {  	[spmem:s6] =	stream.linear.scatter [tilespmem:s16], [sflag:$0x1], $0x4000, $0x38;
	[tilespmem:$0x1D000] =	vst v63  }
0x6f: {  	_ =	swait.ge [sflag:s14], $0x4000  }
0x70: {  	[sflag:s14] =	ssyncset.done $0x0  }
0x71: {  	[sflag:s14] =	ssyncadd.s32 $0xFFFFC000  }
0x72: {  	[spmem:s7] =	stream.linear.scatter [tilespmem:s16], [sflag:$0x1], $0x4000, $0x38;
	[tilespmem:$0x1D000] =	vst v63  }
0x73: {  	_ =	swait.ge [sflag:s14], $0x4000  }
0x74: {  	[sflag:s14] =	ssyncset.done $0x0  }
0x75: {  	[sflag:s14] =	ssyncadd.s32 $0xFFFFC000  }
0x76: {  	[spmem:s8] =	stream.linear.scatter [tilespmem:s16], [sflag:$0x1], $0x4000, $0x38;
	[tilespmem:$0x1D000] =	vst v63  }
0x77: {  	_ =	swait.ge [sflag:s14], $0x4000  }
0x78: {  	[sflag:s14] =	ssyncset.done $0x0  }
0x79: {  	[sflag:s14] =	ssyncadd.s32 $0xFFFFC000  }
0x7a: {  	[spmem:s9] =	stream.linear.scatter [tilespmem:s16], [sflag:$0x1], $0x4000, $0x38;
	[tilespmem:$0x1D000] =	vst v63  }
0x7b: {  	_ =	swait.ge [sflag:s14], $0x4000  }
0x7c: {  	[sflag:s14] =	ssyncset.done $0x0  }
0x7d: {  	[sflag:s14] =	ssyncadd.s32 $0xFFFFC000  }
0x7e: {  	[spmem:s10] =	stream.linear.scatter [tilespmem:s16], [sflag:$0x1], $0x4000, $0x38;
	[tilespmem:$0x1D000] =	vst v63  }
0x7f: {  	_ =	swait.ge [sflag:s14], $0x4000  }
0x80: {  	[sflag:s14] =	ssyncset.done $0x0  }
0x81: {  	s21 =	simm.s32 $0x0;
	s22 =	simm.s32 $0x200;
	[sflag:s14] =	ssyncadd.s32 $0xFFFFC000  }
.LBB2_10:
0x82: {  	p0 =	sne.s32 s22, $0xFE00;
	[tilespmem:s21+$0x5070] =	vst v1  }
0x83: {  	[tilespmem:s21+$0x5000] =	vst v1  }
0x84: {  	[tilespmem:s21+$0x5010] =	vst v1  }
.Ltmp4:
0x85: {  	[tilespmem:s21+$0x5020] =	vst v1;
	(pc) =	sbr.rel @p0 .LBB2_10-.Ltmp4, $4  }
0x86: {  	[tilespmem:s21+$0x5030] =	vst v1  }
0x87: {  	[tilespmem:s21+$0x5040] =	vst v1  }
0x88: {  	[tilespmem:s21+$0x5050] =	vst v1  }
0x89: {  	[tilespmem:s21+$0x5060] =	vst v1;
	s21 =	sshra.s32 s22, $0x2;
	s22 =	sadd.s32 $0x200, s22  }
0x8a: {  	[tilespmem:s21+$0x5070] =	vst v1  }
0x8b: {  	[tilespmem:s21+$0x5000] =	vst v1  }
0x8c: {  	[tilespmem:s21+$0x5010] =	vst v1  }
0x8d: {  	[tilespmem:s21+$0x5020] =	vst v1  }
0x8e: {  	[tilespmem:s21+$0x5030] =	vst v1  }
0x8f: {  	[tilespmem:s21+$0x5040] =	vst v1  }
0x90: {  	[tilespmem:s21+$0x5050] =	vst v1  }
0x91: {  	[tilespmem:s21+$0x5060] =	vst v1  }
0x92: {  	s31 =	simm.s32 $0x2800;
	[bflag:$0x0] =	sbarrier.arrive $0xFFFF  }
0x93: {  	[spmem:s2] =	stream.indirect.scatter.add.f32 [tilespmem:s16], [sflag:$0x1], $0x80, s31, s17, $0xb8;
	[tilespmem:$0x1D000] =	vst v63  }
0x94: {  	s21 =	simm.s32 $0x200;
	_ =	swait.ge [sflag:s14], $0x4000  }
.LBB2_12:
0x95: {  	s22 =	sshra.s32 s21, $0x2;
	[sflag:s14] =	ssyncset.done $0x0;
	p0 =	sne.s32 s21, $0x9E00  }
.Ltmp5:
0x96: {  	s22 =	sadd.s32 $0x2800, s22;
	[sflag:s14] =	ssyncadd.s32 $0xFFFFC000;
	(pc) =	sbr.rel @p0 .LBB2_12-.Ltmp5, $3  }
0x97: {  	[spmem:s2] =	stream.indirect.scatter.add.f32 [tilespmem:s16], [sflag:$0x1], $0x80, s22, s17, $0xb8;
	[tilespmem:$0x1D000] =	vst v63  }
0x98: {  	s21 =	sadd.s32 $0x200, s21;
	_ =	sdelay $0x1  }
0x99: {  	_ =	swait.ge [sflag:s14], $0x4000  }
0x9a: {  	[sflag:s14] =	ssyncset.done $0x0  }
0x9b: {  	s18 =	sadd.s32 $0x1, s18;
	[sflag:s14] =	ssyncadd.s32 $0xFFFFC000  }
0x9c: {  	p0 =	sne.s32 s18, s13;
	[bflag:$0x0] =	sbarrier.arrive $0xFFFF  }
0x9d: {  	[hbm:s12], [sflag:s19] =	dma.local [spmem:s20], $0x2800  }
.Ltmp6:
0x9e: {  	_ =	swait.ge [sflag:s14], $0x2800;
	(pc) =	sbr.rel @p0 .LBB2_1-.Ltmp6, $3  }
0x9f: {  	[sflag:s14] =	ssyncset.done $0x0  }
0xa0: {  	[sflag:s14] =	ssyncadd.s32 $0xFFFFD800  }
0xa1: {  	[bflag:$0x0] =	sbarrier.arrive $0xFFFF;
	_ =	sdelay $0x1  }
0xa2: {  	_ =	sfence.sel $0x180000  }
0xa3: {  	[bflag:$0x0] =	sbarrier.arrive $0xFFFF  }
0xa4: {  	p0 =	sne.s32 s1, $0x0;
	_ =	strace $0x90000047  }
0xa5: {  	s0 =	sadd.s32 @!p0 $0x100000, s0;
	[bflag:$0x2] =	sbarrier.arrive $0xFFFF  }
0xa6: {  	[sflag:s0] =	ssyncadd.tile.s32 @!p0 $0x1;
	_ =	shalt  }
.Lfunc_end2:
_tile_overlayer_lowered:
.L_overlay_start_2:
0xa7: {  	(tag) =	ssettag $0x2  }
0xa8: {  	s0 =	rddreg [dreg:$0x0];
	s2 =	stileid.u32  }
0xa9: {  	s1 =	rddreg [dreg:$0x1];
	p0 =	sne.s32 s2, $0x0  }
0xaa: {  	s3 =	rddreg [dreg:$0x2];
	[bflag:$0x3] =	sbarrier.arrive $0xFFFF;
	s2 =	simm.s32 @!p0 $0x1C01  }
0xab: {  	[timem:s3], [sflag:s2] =	dma.local @!p0 [hbm:s0], s1  }
0xac: {  	s0 =	simm.s32 @!p0 $0x1  }
0xad: {  	_ =	swait.ge @!p0 [sflag:s0], s1  }
0xae: {  	s1 =	ssub.s32 @!p0 $0x0, s1;
	[sflag:s0] =	ssyncset.done @!p0 $0x0  }
0xaf: {  	[sflag:s0] =	ssyncadd.s32 @!p0 s1  }
0xb0: {  	[bflag:$0x3] =	sbarrier.arrive $0xFFFF  }
0xb1: {  	_ =	shalt  }

// kernel: kernel.13.cloned.1.call-start
scs
__scs_entry_jumppad:
0x0: {  	(pc) =	sbr.rel $0x88, $3  }
0x1: {  	(tag) =	ssettag $0x0;
	lr =	simm.s32 $0x1  }
0x2: {  	[smem:$0x3F9C] =	sst lr;
	_ =	strace $0xD0000000  }
0x3: {  	_ = 	snop  }
0x4: {  	_ = 	snop  }
0x5: {  	_ = 	snop  }
0x6: {  	_ = 	snop  }
0x7: {  	_ = 	snop  }
__scs_overlays_trampoline_lowered:
0x8: {  	[smem:$0x3FAB] =	sst s0  }
0x9: {  	[smem:$0x3FAC] =	sst s1  }
0xa: {  	[smem:$0x3FAD] =	sst s2  }
0xb: {  	[smem:$0x3FAE] =	sst s3  }
0xc: {  	[smem:$0x3FAF] =	sst s4  }
0xd: {  	[smem:$0x3FB0] =	sst s5  }
0xe: {  	[smem:$0x3FB1] =	sst s6  }
0xf: {  	[smem:$0x3FB2] =	sst s7  }
0x10: {  	[smem:$0x3FB3] =	sst s8  }
0x11: {  	[smem:$0x3FB4] =	sst s9;
	s0 =	simm.s32 @!p0 $0x0  }
0x12: {  	s1 =	sld [smem:$0x3F9A];
	s0 =	simm.s32 @p0 $0x1  }
0x13: {  	[smem:$0x3FB5] =	sst s0;
	s0 =	simm.s32 @!p1 $0x0  }
0x14: {  	s2 =	sld [smem:$0x3F99];
	s0 =	simm.s32 @p1 $0x1  }
0x15: {  	[smem:$0x3FB6] =	sst s0;
	s0 =	simm.s32 @!p2 $0x0  }
0x16: {  	s3 =	sld [smem:$0x3FDB];
	s0 =	simm.s32 @p2 $0x1  }
0x17: {  	s4 =	simm.s32 $0x1BF5;
	[smem:$0x3FB8] =	sst s0  }
0x18: {  	s0 =	sld [smem:$0x3F9B];
	_ =	swait.ge [sflag:s4], $0x0  }
0x19: {  	s7 =	sld [smem:$0x3F9C]  }
0x1a: {  	s8 =	sadd.s32 $0xFFFFE003, lr  }
0x1b: {  	s9 =	sadd.s32 $0xFFFFFEF7, lr;
	s5 =	simm.s32 $0xFFFFFFFF;
	p2 =	slt.u32 s8, $0xFFFFF086  }
0x1c: {  	p1 =	slt.u32 s9, $0xF7A;
	s5 =	simm.s32 @!p2 $0x0  }
0x1d: {  	s5 =	simm.s32 @p1 $0x1;
	p0 =	seq.s32 s7, s2  }
0x1e: {  	s7 =	smul.u32 @!p0 $0xF7A, s2;
	p2 =	seq.s32 @!p0 s5, $0x0  }
0x1f: {  	s9 =	smul.u32 $0xF7A, s1;
	s8 =	simm.s32 @!p0 $0x1BF5;
	p2 =	por !p2, p0  }
0x20: {  	[sflag:s8] =	ssyncset.s32 @!p0 $0xFFFFF086;
	s6 =	sadd.s32 @!p0 s3, s7;
	s7 =	simm.s32 @!p0 $0x108  }
0x21: {  	s3 =	sadd.s32 s3, s9;
	s6 =	sadd.s32 @!p0 $0x88, s6;
	s7 =	simm.s32 @p2 $0x1082  }
0x22: {  	[simem:s7], [sflag:s8] =	dma.local @!p0 [hbm:s6], $0xF7A  }
0x23: {  	s9 =	sor.u32 $0xD0000000, s2;
	s6 =	simm.s32 $0x108;
	_ =	swait.ge @!p0 [sflag:s8], $0x0  }
0x24: {  	s3 =	sadd.s32 $0x88, s3;
	s6 =	simm.s32 @!p1 $0x1082;
	[sflag:s4] =	ssyncset.s32 $0xFFFFF086  }
0x25: {  	[simem:s6], [sflag:s4] =	dma.local [hbm:s3], $0xF7A  }
0x26: {  	[smem:$0x3F9C] =	sst s1;
	(tag) =	ssettag s2;
	_ =	strace s9  }
0x27: {  	s1 =	sld [smem:$0x3FAC]  }
0x28: {  	s2 =	sld [smem:$0x3FAD]  }
0x29: {  	s4 =	sld [smem:$0x3FAF]  }
0x2a: {  	p0 =	seq.s32 s5, $0x0;
	s5 =	sld [smem:$0x3FB0]  }
0x2b: {  	s6 =	sld [smem:$0x3FB1]  }
0x2c: {  	s7 =	sld [smem:$0x3FB2]  }
0x2d: {  	s3 =	simm.s32 $0x108;
	s8 =	sld [smem:$0x3FB3]  }
0x2e: {  	s3 =	simm.s32 @!p0 $0x1082;
	s9 =	sld [smem:$0x3FB4]  }
0x2f: {  	lr =	sadd.s32 s0, s3;
	s0 =	sld [smem:$0x3FAB]  }
0x30: {  	s3 =	sld [smem:$0x3FAE]  }
0x31: {  	[smem:$0x3FB7] =	sst s10  }
0x32: {  	s10 =	sld [smem:$0x3FB5];
	_ =	sdelay $0x3  }
0x33: {  	p0 =	seq.s32 s10, $0x1;
	s10 =	sld [smem:$0x3FB7];
	_ =	sdelay $0x3  }
0x34: {  	[smem:$0x3FB7] =	sst s10  }
0x35: {  	s10 =	sld [smem:$0x3FB6];
	_ =	sdelay $0x3  }
0x36: {  	p1 =	seq.s32 s10, $0x1;
	s10 =	sld [smem:$0x3FB7];
	_ =	sdelay $0x3  }
0x37: {  	[smem:$0x3FB7] =	sst s10  }
0x38: {  	s10 =	sld [smem:$0x3FB8]  }
0x39: {  	_ = 	snop;
	(pc) =	sbr.ind lr, $3  }
0x3a: {  	_ = 	snop  }
0x3b: {  	_ = 	snop  }
0x3c: {  	p2 =	seq.s32 s10, $0x1;
	s10 =	sld [smem:$0x3FB7]  }
0x3d: {  	_ =	shalt  }
0x3e: {  	_ =	shalt  }
0x3f: {  	_ =	shalt  }
0x40: {  	_ =	shalt  }
0x41: {  	_ =	shalt  }
0x42: {  	_ =	shalt  }
0x43: {  	_ =	shalt  }
0x44: {  	_ =	shalt  }
0x45: {  	_ =	shalt  }
0x46: {  	_ =	shalt  }
0x47: {  	_ =	shalt  }
0x48: {  	_ =	shalt  }
0x49: {  	_ =	shalt  }
0x4a: {  	_ =	shalt  }
0x4b: {  	_ =	shalt  }
0x4c: {  	_ =	shalt  }
0x4d: {  	_ =	shalt  }
0x4e: {  	_ =	shalt  }
0x4f: {  	_ =	shalt  }
0x50: {  	_ =	shalt  }
0x51: {  	_ =	shalt  }
0x52: {  	_ =	shalt  }
0x53: {  	_ =	shalt  }
0x54: {  	_ =	shalt  }
0x55: {  	_ =	shalt  }
0x56: {  	_ =	shalt  }
0x57: {  	_ =	shalt  }
0x58: {  	_ =	shalt  }
0x59: {  	_ =	shalt  }
0x5a: {  	_ =	shalt  }
0x5b: {  	_ =	shalt  }
0x5c: {  	_ =	shalt  }
0x5d: {  	_ =	shalt  }
0x5e: {  	_ =	shalt  }
0x5f: {  	_ =	shalt  }
0x60: {  	_ =	shalt  }
0x61: {  	_ =	shalt  }
0x62: {  	_ =	shalt  }
0x63: {  	_ =	shalt  }
0x64: {  	_ =	shalt  }
0x65: {  	_ =	shalt  }
0x66: {  	_ =	shalt  }
0x67: {  	_ =	shalt  }
0x68: {  	_ =	shalt  }
0x69: {  	_ =	shalt  }
0x6a: {  	_ =	shalt  }
0x6b: {  	_ =	shalt  }
0x6c: {  	_ =	shalt  }
0x6d: {  	_ =	shalt  }
0x6e: {  	_ =	shalt  }
0x6f: {  	_ =	shalt  }
0x70: {  	_ =	shalt  }
0x71: {  	_ =	shalt  }
0x72: {  	_ =	shalt  }
0x73: {  	_ =	shalt  }
0x74: {  	_ =	shalt  }
0x75: {  	_ =	shalt  }
0x76: {  	_ =	shalt  }
0x77: {  	_ =	shalt  }
0x78: {  	_ =	shalt  }
0x79: {  	_ =	shalt  }
0x7a: {  	_ =	shalt  }
0x7b: {  	_ =	shalt  }
0x7c: {  	_ =	shalt  }
0x7d: {  	_ =	shalt  }
0x7e: {  	_ =	shalt  }
0x7f: {  	_ =	shalt  }
0x80: {  	_ =	shalt  }
0x81: {  	_ =	shalt  }
0x82: {  	_ =	shalt  }
0x83: {  	_ =	shalt  }
0x84: {  	_ =	shalt  }
0x85: {  	_ =	shalt  }
0x86: {  	_ =	shalt  }
0x87: {  	_ =	shalt  }
.Lfunc_end0:
.L_simem_size_0:
called_computation.1_lowered:
.L_overlay_start_0:
0x88: {  	s2 =	sld [smem:$0x3FD9]  }
0x89: {  	s3 =	sld [smem:$0x3FFE];
	_ =	sdelay $0x1  }
0x8a: {  	s1 =	srdreg.scid  }
0x8b: {  	s0 =	sand.u32 $0x1, s1  }
0x8c: {  	s17 =	sshll.u32 s0, $0xA;
	s2 =	sadd.s32 s3, s2  }
0x8d: {  	s2 =	sadd.s32 s2, s17  }
0x8e: {  	[smem:$0x3FC3] =	sst s2  }
0x8f: {  	_ = 	snop  }
0x90: {  	s2 =	sld [smem:$0x3FD0];
	(tm) =	ssettm $0x1  }
0x91: {  	s18 =	sld [smem:$0x3FFB];
	_ =	sdelay $0x3  }
0x92: {  	_ =	strace s18  }
0x93: {  	s3 =	sld [smem:$0x3FFC];
	_ =	sdelay $0x3  }
0x94: {  	_ =	strace s3  }
0x95: {  	s3 =	sld [smem:$0x3FFD];
	_ =	sdelay $0x3  }
0x96: {  	_ =	strace s3  }
0x97: {  	_ =	strace $0x8FFFFFFF  }
0x98: {  	s19 =	sld [smem:$0x3FDB];
	_ =	sdelay $0x1  }
0x99: {  	s4 =	simm.s32 $_scs_section_size  }
0x9a: {  	s5 =	simm.s32 $_size__tile_overlayer_lowered;
	s6 =	simm.s32 $_tile_overlayer_lowered  }
0x9b: {  	s22 =	simm.s32 $0x1BFF;
	s21 =	sshll.u32 s6, $0x1;
	s3 =	sadd.s32 s4, s19  }
0x9c: {  	s7 =	simm.s32 $0x0;
	s20 =	sshll.u32 s5, $0x1;
	s5 =	sadd.s32 s21, s3  }
0x9d: {  	[timem:s7], [sflag:s22] =	dma.local [hbm:s5], s20  }
0x9e: {  	_ =	swait.ge [sflag:s22], s20  }
0x9f: {  	s4 =	ssub.s32 $0x0, s20;
	[sflag:s22] =	ssyncset.done $0x0  }
0xa0: {  	[sflag:s22] =	ssyncadd.s32 s4;
	_ =	sdelay $0x1  }
0xa1: {  	s23 =	simm.s32 $0x1B8B  }
0xa2: {  	_ =	swait.ge [sflag:s23], $0x1  }
0xa3: {  	[sflag:s23] =	ssyncset.done $0x0  }
0xa4: {  	s25 =	simm.s32 $0x1B8E;
	s24 =	sld [smem:$0x3FFE];
	[sflag:s23] =	ssyncadd.s32 $0xFFFFFFFF  }
0xa5: {  	s26 =	simm.s32 $execute0_lowered;
	[smem:$0x3FD2] =	sst s25  }
0xa6: {  	s5 =	sshll.u32 s26, $0x1;
	_ =	strace $0x80000049;
	[dreg:$0x1] =	wrdreg $0xFFFFFFFF  }
0xa7: {  	s28 =	simm.s32 $_size_execute0_lowered;
	s3 =	sadd.s32 s3, s5;
	[dreg:$0x0] =	wrdreg $0x0  }
0xa8: {  	s5 =	sshll.u32 s28, $0x1;
	[dreg:$0x2] =	wrdreg s3  }
0xa9: {  	[dreg:$0x3] =	wrdreg s5  }
0xaa: {  	[dreg:$0x4] =	wrdreg $0xC0  }
0xab: {  	_ =	task [dreg:s7], $0x5FFFF  }
0xac: {  	[dreg:$0x1] =	wrdreg $0xFFFFFFFF  }
0xad: {  	[dreg:$0x0] =	wrdreg $0x60  }
0xae: {  	[dreg:$0x2] =	wrdreg s24  }
0xaf: {  	[dreg:$0x3] =	wrdreg s2  }
0xb0: {  	[dreg:$0x4] =	wrdreg $0xA9000  }
0xb1: {  	[dreg:$0x5] =	wrdreg $0x9  }
0xb2: {  	_ =	task.clear_ibuf [dreg:s7], $0x6FFFF;
	_ =	strace $0x90000049  }
0xb3: {  	s29 =	simm.s32 $0x9;
	_ =	strace $0x8000004B  }
0xb4: {  	_ =	swait.ge [sflag:s29], $0x1  }
0xb5: {  	[sflag:s29] =	ssyncadd.s32 $0xFFFFFFFF  }
0xb6: {  	_ =	strace $0x9000004B  }
0xb7: {  	_ =	sfence  }
0xb8: {  	s30 =	sld [smem:$0x0];
	_ =	sdelay $0x2  }
0xb9: {  	s31 =	sshll.u32 s1, $0xD;
	s1 =	sshrl.u32 s1, $0x2  }
0xba: {  	s3 =	sand.u32 $0x4000, s31;
	s1 =	sadd.s32 s1, s30  }
0xbb: {  	s0 =	sor.u32 s3, s0;
	s1 =	sshll.u32 s1, $0x11  }
0xbc: {  	s0 =	sor.u32 s1, s0  }
0xbd: {  	s0 =	sadd.s32 $0x8F2B, s0  }
0xbe: {  	[sflag:s0] =	ssyncadd.remote.s32 $0x1  }
0xbf: {  	_ =	sfence.sel $0xFFFF  }
0xc0: {  	[dreg:$0x0] =	wrdreg $0xFFFFFFFF;
	(pc) =	sbr.abs _section_cstart, $3  }
0xc1: {  	[dreg:$0x1] =	wrdreg $0xFFFFFFFF  }
0xc2: {  	_ =	task.clear_ibuf [dreg:s7], $0x2FFFF;
	_ =	strace $0x9FFFFFFF  }
0xc3: {  	(tm) =	ssettm $0x7FFFFFFF  }
tec
execute0_lowered:
.L_overlay_start_1:
0x0: {  	(tag) =	ssettag $0x1  }
0x1: {  	s7 =	rddreg [dreg:$0x0]  }
0x2: {  	s8 =	rddreg [dreg:$0x1]  }
0x3: {  	s1 =	rddreg [dreg:$0x2];
	s2 =	srdreg.scid  }
0x4: {  	s3 =	simm.s32 $0x0;
	s0 =	stileid.u32;
	s17 =	simm.s32 $0x5  }
0x5: {  	s18 =	simm.s32 $0x2900;
	s19 =	simm.s32 $0x80;
	s20 =	simm.s32 $0x6900  }
0x6: {  	s21 =	simm.s32 $0x2800;
	s22 =	simm.s32 $0x2880;
	s23 =	simm.s32 $0x1  }
0x7: {  	s24 =	simm.s32 $0x3;
	s25 =	simm.s32 $0x2;
	s26 =	simm.s32 $0x4  }
0x8: {  	s28 =	simm.s32 $0x0;
	s9 =	sand.u32 $0x1, s2;
	s6 =	smul.u32 $0x14000, s0  }
0x9: {  	[smem:$0x7FF] =	sst s3;
	s4 =	sadd.s32 $0xC400, s7;
	s11 =	smul.u32 $0x50000, s0  }
0xa: {  	s10 =	sshll.u32 s0, $0x1;
	s5 =	smul.u32 $0x140000, s9;
	_ =	strace $0x8000004A  }
0xb: {  	s10 =	sor.u32 s9, s10;
	s9 =	ssub.s32 $0x2, s9;
	s29 =	sshrl.u32 s11, $0x2  }
0xc: {  	s30 =	sshrl.u32 s9, $0x1;
	s6 =	sadd.s32 s6, s5;
	s5 =	sadd.s32 $0x2400, s7  }
0xd: {  	s16 =	ssub.s32 s9, s30;
	s12 =	sshrl.u32 s6, $0x3;
	s6 =	smul.u32 $0x2800, s10  }
0xe: {  	s16 =	smax.u32 s16, $0x1;
	s15 =	sadd.s32 s12, s7;
	s7 =	sadd.s32 s29, s1  }
0xf: {  	s31 =	sshrl.u32 s6, $0x3;
	s9 =	sadd.s32 $0x4000, s7;
	s10 =	sadd.s32 $0x8000, s7  }
0x10: {  	s11 =	sadd.s32 $0xC000, s7;
	s13 =	sadd.s32 $0x10000, s7;
	s12 =	sadd.s32 s5, s31  }
0x11: {  	v0 =	vimm.f32 $0.0e+00;
	s15 =	sadd.s32 $0x34400, s15;
	s8 =	sadd.s32 s8, s31;
	s14 =	sadd.s32 $0x10, s12  }
.LBB2_1:
0x12: {  	[tilespmem:s3], [sflag:$0x5] =	stream.linear.gather [hbm4b:s8+s3], $0x2800, $0x38;
	[tilespmem:$0x1E900] =	vst v63  }
0x13: {  	_ =	swait.ge [sflag:s17], $0x2800  }
0x14: {  	[sflag:s17] =	ssyncset.done $0x0  }
0x15: {  	s29 =	simm.s32 $0x0;
	s30 =	simm.s32 $0x200;
	[sflag:s17] =	ssyncadd.s32 $0xFFFFD800  }
.LBB2_2:
0x16: {  	p0 =	sne.s32 s30, $0xFE00;
	[tilespmem:s29+$0x2970] =	vst v0  }
0x17: {  	[tilespmem:s29+$0x2900] =	vst v0  }
0x18: {  	[tilespmem:s29+$0x2910] =	vst v0  }
.Ltmp0:
0x19: {  	[tilespmem:s29+$0x2920] =	vst v0;
	(pc) =	sbr.rel @p0 .LBB2_2-.Ltmp0, $4  }
0x1a: {  	[tilespmem:s29+$0x2930] =	vst v0  }
0x1b: {  	[tilespmem:s29+$0x2940] =	vst v0  }
0x1c: {  	[tilespmem:s29+$0x2950] =	vst v0  }
0x1d: {  	[tilespmem:s29+$0x2960] =	vst v0;
	s29 =	sshra.s32 s30, $0x2;
	s30 =	sadd.s32 $0x200, s30  }
0x1e: {  	[tilespmem:s29+$0x2970] =	vst v0  }
0x1f: {  	[tilespmem:s29+$0x2900] =	vst v0  }
0x20: {  	[tilespmem:s29+$0x2910] =	vst v0  }
0x21: {  	[tilespmem:s29+$0x2920] =	vst v0  }
0x22: {  	[tilespmem:s29+$0x2930] =	vst v0  }
0x23: {  	[tilespmem:s29+$0x2940] =	vst v0  }
0x24: {  	[tilespmem:s29+$0x2950] =	vst v0  }
0x25: {  	[tilespmem:s29+$0x2960] =	vst v0  }
0x26: {  	[spmem:s7] =	stream.linear.scatter [tilespmem:s18], [sflag:$0x5], $0x4000, $0x38;
	[tilespmem:$0x1E900] =	vst v63  }
0x27: {  	_ =	swait.ge [sflag:s17], $0x4000  }
0x28: {  	[sflag:s17] =	ssyncset.done $0x0  }
0x29: {  	[sflag:s17] =	ssyncadd.s32 $0xFFFFC000  }
0x2a: {  	[spmem:s9] =	stream.linear.scatter [tilespmem:s18], [sflag:$0x5], $0x4000, $0x38;
	[tilespmem:$0x1E900] =	vst v63  }
0x2b: {  	_ =	swait.ge [sflag:s17], $0x4000  }
0x2c: {  	[sflag:s17] =	ssyncset.done $0x0  }
0x2d: {  	[sflag:s17] =	ssyncadd.s32 $0xFFFFC000  }
0x2e: {  	[spmem:s10] =	stream.linear.scatter [tilespmem:s18], [sflag:$0x5], $0x4000, $0x38;
	[tilespmem:$0x1E900] =	vst v63  }
0x2f: {  	_ =	swait.ge [sflag:s17], $0x4000  }
0x30: {  	[sflag:s17] =	ssyncset.done $0x0  }
0x31: {  	[sflag:s17] =	ssyncadd.s32 $0xFFFFC000  }
0x32: {  	[spmem:s11] =	stream.linear.scatter [tilespmem:s18], [sflag:$0x5], $0x4000, $0x38;
	[tilespmem:$0x1E900] =	vst v63  }
0x33: {  	_ =	swait.ge [sflag:s17], $0x4000  }
0x34: {  	[sflag:s17] =	ssyncset.done $0x0  }
0x35: {  	[sflag:s17] =	ssyncadd.s32 $0xFFFFC000  }
0x36: {  	[spmem:s13] =	stream.linear.scatter [tilespmem:s18], [sflag:$0x5], $0x4000, $0x38;
	[tilespmem:$0x1E900] =	vst v63  }
0x37: {  	_ =	swait.ge [sflag:s17], $0x4000  }
0x38: {  	[sflag:s17] =	ssyncset.done $0x0  }
0x39: {  	[sflag:s17] =	ssyncadd.s32 $0xFFFFC000  }
0x3a: {  	[bflag:$0x0] =	sbarrier.arrive $0xFFFF  }
0x3b: {  	[tilespmem:s18], [sflag:$0x1] =	stream.indirect.gather [hbm4b:s4+s19], $0x80, s3, s19, $0xb8;
	[tilespmem:$0x1E900] =	vst v63  }
0x3c: {  	_ = 	snop  }
0x3d: {  	[tilespmem:s20], [sflag:$0x2] =	stream.indirect.gather [hbm4b:s4+s19], $0x80, s19, s19, $0xb8;
	[tilespmem:$0x1E900] =	vst v63  }
0x3e: {  	_ = 	snop  }
0x3f: {  	[tilespmem:s21], [sflag:$0x3] =	stream.linear.gather [hbm4b:s12+s3], $0x80, $0x38;
	[tilespmem:$0x1E900] =	vst v63  }
0x40: {  	_ = 	snop  }
0x41: {  	[tilespmem:s22], [sflag:$0x4] =	stream.linear.gather [hbm4b:s14+s3], $0x80, $0x38;
	[tilespmem:$0x1E900] =	vst v63  }
0x42: {  	_ =	swait.ge [sflag:s23], $0x4000  }
0x43: {  	[sflag:s23] =	ssyncset.done $0x0  }
0x44: {  	[sflag:s23] =	ssyncadd.s32 $0xFFFFC000  }
0x45: {  	_ =	swait.ge [sflag:s24], $0x80  }
0x46: {  	s29 =	simm.s32 $0x100;
	[sflag:s24] =	ssyncset.done $0x0  }
0x47: {  	s30 =	sand.u32 $0x7C00, s29;
	[sflag:s24] =	ssyncadd.s32 $0xFFFFFF80  }
0x48: {  	[spmem:s1] =	stream.indirect.scatter.add.f32 [tilespmem:s18], [sflag:$0x5], $0x80, s21, s19, $0xb8;
	[tilespmem:$0x1E900] =	vst v63  }
0x49: {  	s31 =	sand.u32 $0x300, s29;
	s30 =	sadd.s32 s6, s30;
	_ =	swait.ge [sflag:s17], $0x4000  }
0x4a: {  	s30 =	sor.u32 s31, s30;
	[sflag:s17] =	ssyncset.done $0x0  }
0x4b: {  	s29 =	simm.s32 $0x100;
	s30 =	sshrl.u32 s30, $0x3;
	[sflag:s17] =	ssyncadd.s32 $0xFFFFC000  }
0x4c: {  	[tilespmem:s18], [sflag:$0x1] =	stream.indirect.gather [hbm4b:s4+s19], $0x80, s29, s19, $0xb8;
	[tilespmem:$0x1E900] =	vst v63  }
0x4d: {  	s30 =	sadd.s32 s5, s30  }
0x4e: {  	[tilespmem:s21], [sflag:$0x3] =	stream.linear.gather [hbm4b:s30+s3], $0x80, $0x38;
	[tilespmem:$0x1E900] =	vst v63  }
0x4f: {  	_ =	swait.ge [sflag:s25], $0x4000  }
0x50: {  	[sflag:s25] =	ssyncset.done $0x0  }
0x51: {  	[sflag:s25] =	ssyncadd.s32 $0xFFFFC000  }
0x52: {  	_ =	swait.ge [sflag:s26], $0x80  }
0x53: {  	[sflag:s26] =	ssyncset.done $0x0  }
0x54: {  	[sflag:s26] =	ssyncadd.s32 $0xFFFFFF80  }
0x55: {  	[spmem:s1] =	stream.indirect.scatter.add.f32 [tilespmem:s20], [sflag:$0x5], $0x80, s22, s19, $0xb8;
	[tilespmem:$0x1E900] =	vst v63  }
0x56: {  	_ =	swait.ge [sflag:s17], $0x4000  }
0x57: {  	[sflag:s17] =	ssyncset.done $0x0  }
0x58: {  	s31 =	simm.s32 $0x180;
	s30 =	simm.s32 $0x180;
	[sflag:s17] =	ssyncadd.s32 $0xFFFFC000  }
0x59: {  	[tilespmem:s20], [sflag:$0x2] =	stream.indirect.gather [hbm4b:s4+s19], $0x80, s31, s19, $0xb8;
	[tilespmem:$0x1E900] =	vst v63  }
0x5a: {  	s31 =	sand.u32 $0x7C00, s30  }
0x5b: {  	s30 =	sand.u32 $0x380, s30;
	s31 =	sadd.s32 s6, s31  }
0x5c: {  	s31 =	sor.u32 s30, s31  }
0x5d: {  	s30 =	simm.s32 $0x280;
	s31 =	sshrl.u32 s31, $0x3  }
.LBB2_4:
0x5e: {  	p0 =	sne.s32 s30, $0x2780;
	s31 =	sadd.s32 s5, s31;
	s29 =	sadd.s32 $0x100, s29  }
0x5f: {  	[tilespmem:s22], [sflag:$0x4] =	stream.linear.gather [hbm4b:s31+s3], $0x80, $0x38;
	[tilespmem:$0x1E900] =	vst v63  }
0x60: {  	s31 =	smov.u32 s30;
	s30 =	sadd.s32 $0x100, s30;
	_ =	swait.ge [sflag:s23], $0x4000  }
0x61: {  	[sflag:s23] =	ssyncset.done $0x0  }
0x62: {  	[sflag:s23] =	ssyncadd.s32 $0xFFFFC000  }
0x63: {  	_ =	swait.ge [sflag:s24], $0x80  }
0x64: {  	[sflag:s24] =	ssyncset.done $0x0  }
0x65: {  	s0 =	sadd.s32 $0xFFFFFF80, s31;
	[sflag:s24] =	ssyncadd.s32 $0xFFFFFF80  }
0x66: {  	[spmem:s1] =	stream.indirect.scatter.add.f32 [tilespmem:s18], [sflag:$0x5], $0x80, s21, s19, $0xb8;
	[tilespmem:$0x1E900] =	vst v63  }
0x67: {  	s2 =	sand.u32 $0x7C00, s0;
	_ =	swait.ge [sflag:s17], $0x4000  }
0x68: {  	s0 =	sand.u32 $0x300, s0;
	s2 =	sadd.s32 s6, s2;
	[sflag:s17] =	ssyncset.done $0x0  }
0x69: {  	s0 =	sor.u32 s0, s2;
	[sflag:s17] =	ssyncadd.s32 $0xFFFFC000  }
0x6a: {  	[tilespmem:s18], [sflag:$0x1] =	stream.indirect.gather [hbm4b:s4+s19], $0x80, s29, s19, $0xb8;
	[tilespmem:$0x1E900] =	vst v63  }
0x6b: {  	s0 =	sshrl.u32 s0, $0x3  }
0x6c: {  	s0 =	sadd.s32 s5, s0  }
0x6d: {  	[tilespmem:s21], [sflag:$0x3] =	stream.linear.gather [hbm4b:s0+s3], $0x80, $0x38;
	[tilespmem:$0x1E900] =	vst v63  }
0x6e: {  	_ =	swait.ge [sflag:s25], $0x4000  }
0x6f: {  	[sflag:s25] =	ssyncset.done $0x0  }
0x70: {  	[sflag:s25] =	ssyncadd.s32 $0xFFFFC000  }
0x71: {  	_ =	swait.ge [sflag:s26], $0x80  }
0x72: {  	[sflag:s26] =	ssyncset.done $0x0  }
0x73: {  	s0 =	sand.u32 $0x7C00, s31;
	[sflag:s26] =	ssyncadd.s32 $0xFFFFFF80  }
0x74: {  	[spmem:s1] =	stream.indirect.scatter.add.f32 [tilespmem:s20], [sflag:$0x5], $0x80, s22, s19, $0xb8;
	[tilespmem:$0x1E900] =	vst v63  }
.Ltmp1:
0x75: {  	_ = 	snop;
	(pc) =	sbr.rel @p0 .LBB2_4-.Ltmp1, $4  }
0x76: {  	s2 =	sand.u32 $0x380, s31;
	s0 =	sadd.s32 s6, s0;
	_ =	swait.ge [sflag:s17], $0x4000  }
0x77: {  	s0 =	sor.u32 s2, s0;
	[sflag:s17] =	ssyncset.done $0x0  }
0x78: {  	s2 =	sadd.s32 $0x80, s29;
	s31 =	sshrl.u32 s0, $0x3;
	[sflag:s17] =	ssyncadd.s32 $0xFFFFC000  }
0x79: {  	[tilespmem:s20], [sflag:$0x2] =	stream.indirect.gather [hbm4b:s4+s19], $0x80, s2, s19, $0xb8;
	[tilespmem:$0x1E900] =	vst v63  }
0x7a: {  	s0 =	sadd.s32 s5, s31  }
0x7b: {  	[tilespmem:s22], [sflag:$0x4] =	stream.linear.gather [hbm4b:s0+s3], $0x80, $0x38;
	[tilespmem:$0x1E900] =	vst v63  }
0x7c: {  	_ =	swait.ge [sflag:s23], $0x4000  }
0x7d: {  	[sflag:s23] =	ssyncset.done $0x0  }
0x7e: {  	[sflag:s23] =	ssyncadd.s32 $0xFFFFC000  }
0x7f: {  	_ =	swait.ge [sflag:s24], $0x80  }
0x80: {  	[sflag:s24] =	ssyncset.done $0x0  }
0x81: {  	[sflag:s24] =	ssyncadd.s32 $0xFFFFFF80  }
0x82: {  	[spmem:s1] =	stream.indirect.scatter.add.f32 [tilespmem:s18], [sflag:$0x5], $0x80, s21, s19, $0xb8;
	[tilespmem:$0x1E900] =	vst v63  }
0x83: {  	_ =	swait.ge [sflag:s17], $0x4000  }
0x84: {  	[sflag:s17] =	ssyncset.done $0x0  }
0x85: {  	[sflag:s17] =	ssyncadd.s32 $0xFFFFC000  }
0x86: {  	_ =	swait.ge [sflag:s25], $0x4000  }
0x87: {  	[sflag:s25] =	ssyncset.done $0x0  }
0x88: {  	[sflag:s25] =	ssyncadd.s32 $0xFFFFC000  }
0x89: {  	_ =	swait.ge [sflag:s26], $0x80  }
0x8a: {  	[sflag:s26] =	ssyncset.done $0x0  }
0x8b: {  	[sflag:s26] =	ssyncadd.s32 $0xFFFFFF80  }
0x8c: {  	[spmem:s1] =	stream.indirect.scatter.add.f32 [tilespmem:s20], [sflag:$0x5], $0x80, s22, s19, $0xb8;
	[tilespmem:$0x1E900] =	vst v63  }
0x8d: {  	s31 =	stileid.u32;
	_ =	swait.ge [sflag:s17], $0x4000  }
0x8e: {  	s2 =	sshrl.u32 s7, $0x3;
	s28 =	sadd.s32 $0x1, s28;
	[sflag:s17] =	ssyncset.done $0x0  }
0x8f: {  	s0 =	sshll.u32 s31, $0x6;
	p0 =	sne.s32 s28, s16;
	[sflag:s17] =	ssyncadd.s32 $0xFFFFC000  }
.Ltmp2:
0x90: {  	s0 =	sor.u32 $0x1C05, s0;
	[bflag:$0x0] =	sbarrier.arrive $0xFFFF;
	(pc) =	sbr.rel @p0 .LBB2_1-.Ltmp2, $4  }
0x91: {  	[hbm:s15], [sflag:s0] =	dma.local [spmem:s2], $0x2800  }
0x92: {  	_ =	swait.ge [sflag:s17], $0x2800  }
0x93: {  	[sflag:s17] =	ssyncset.done $0x0  }
0x94: {  	[sflag:s17] =	ssyncadd.s32 $0xFFFFD800  }
0x95: {  	_ =	sfence.sel $0x180000  }
0x96: {  	[bflag:$0x0] =	sbarrier.arrive $0xFFFF  }
0x97: {  	_ =	strace $0x9000004A  }
0x98: {  	s0 =	stileid.u32;
	[bflag:$0x2] =	sbarrier.arrive $0xFFFF  }
0x99: {  	p0 =	sne.s32 s0, $0x0;
	s0 =	rddreg [dreg:$0x3]  }
0x9a: {  	s0 =	sadd.s32 @!p0 $0x100000, s0  }
0x9b: {  	[sflag:s0] =	ssyncadd.tile.s32 @!p0 $0x1;
	_ =	shalt  }
.Lfunc_end2:
_tile_overlayer_lowered:
.L_overlay_start_2:
0x9c: {  	(tag) =	ssettag $0x2  }
0x9d: {  	s0 =	rddreg [dreg:$0x0];
	s2 =	stileid.u32  }
0x9e: {  	s1 =	rddreg [dreg:$0x1];
	p0 =	sne.s32 s2, $0x0  }
0x9f: {  	s3 =	rddreg [dreg:$0x2];
	[bflag:$0x3] =	sbarrier.arrive $0xFFFF;
	s2 =	simm.s32 @!p0 $0x1C05  }
0xa0: {  	[timem:s3], [sflag:s2] =	dma.local @!p0 [hbm:s0], s1  }
0xa1: {  	s0 =	simm.s32 @!p0 $0x5  }
0xa2: {  	_ =	swait.ge @!p0 [sflag:s0], s1  }
0xa3: {  	s1 =	ssub.s32 @!p0 $0x0, s1;
	[sflag:s0] =	ssyncset.done @!p0 $0x0  }
0xa4: {  	[sflag:s0] =	ssyncadd.s32 @!p0 s1  }
0xa5: {  	[bflag:$0x3] =	sbarrier.arrive $0xFFFF  }
0xa6: {  	_ =	shalt  }

// kernel: kernel.16.cloned.1.call-start
scs
__scs_entry_jumppad:
0x0: {  	(pc) =	sbr.rel $0x88, $3  }
0x1: {  	(tag) =	ssettag $0x0;
	lr =	simm.s32 $0x1  }
0x2: {  	[smem:$0x3F9C] =	sst lr;
	_ =	strace $0xD0000000  }
0x3: {  	_ = 	snop  }
0x4: {  	_ = 	snop  }
0x5: {  	_ = 	snop  }
0x6: {  	_ = 	snop  }
0x7: {  	_ = 	snop  }
__scs_overlays_trampoline_lowered:
0x8: {  	[smem:$0x3FAB] =	sst s0  }
0x9: {  	[smem:$0x3FAC] =	sst s1  }
0xa: {  	[smem:$0x3FAD] =	sst s2  }
0xb: {  	[smem:$0x3FAE] =	sst s3  }
0xc: {  	[smem:$0x3FAF] =	sst s4  }
0xd: {  	[smem:$0x3FB0] =	sst s5  }
0xe: {  	[smem:$0x3FB1] =	sst s6  }
0xf: {  	[smem:$0x3FB2] =	sst s7  }
0x10: {  	[smem:$0x3FB3] =	sst s8  }
0x11: {  	[smem:$0x3FB4] =	sst s9;
	s0 =	simm.s32 @!p0 $0x0  }
0x12: {  	s1 =	sld [smem:$0x3F9A];
	s0 =	simm.s32 @p0 $0x1  }
0x13: {  	[smem:$0x3FB5] =	sst s0;
	s0 =	simm.s32 @!p1 $0x0  }
0x14: {  	s2 =	sld [smem:$0x3F99];
	s0 =	simm.s32 @p1 $0x1  }
0x15: {  	[smem:$0x3FB6] =	sst s0;
	s0 =	simm.s32 @!p2 $0x0  }
0x16: {  	s3 =	sld [smem:$0x3FDB];
	s0 =	simm.s32 @p2 $0x1  }
0x17: {  	s4 =	simm.s32 $0x1BF5;
	[smem:$0x3FB8] =	sst s0  }
0x18: {  	s0 =	sld [smem:$0x3F9B];
	_ =	swait.ge [sflag:s4], $0x0  }
0x19: {  	s7 =	sld [smem:$0x3F9C]  }
0x1a: {  	s8 =	sadd.s32 $0xFFFFE003, lr  }
0x1b: {  	s9 =	sadd.s32 $0xFFFFFEF7, lr;
	s5 =	simm.s32 $0xFFFFFFFF;
	p2 =	slt.u32 s8, $0xFFFFF086  }
0x1c: {  	p1 =	slt.u32 s9, $0xF7A;
	s5 =	simm.s32 @!p2 $0x0  }
0x1d: {  	s5 =	simm.s32 @p1 $0x1;
	p0 =	seq.s32 s7, s2  }
0x1e: {  	s7 =	smul.u32 @!p0 $0xF7A, s2;
	p2 =	seq.s32 @!p0 s5, $0x0  }
0x1f: {  	s9 =	smul.u32 $0xF7A, s1;
	s8 =	simm.s32 @!p0 $0x1BF5;
	p2 =	por !p2, p0  }
0x20: {  	[sflag:s8] =	ssyncset.s32 @!p0 $0xFFFFF086;
	s6 =	sadd.s32 @!p0 s3, s7;
	s7 =	simm.s32 @!p0 $0x108  }
0x21: {  	s3 =	sadd.s32 s3, s9;
	s6 =	sadd.s32 @!p0 $0x88, s6;
	s7 =	simm.s32 @p2 $0x1082  }
0x22: {  	[simem:s7], [sflag:s8] =	dma.local @!p0 [hbm:s6], $0xF7A  }
0x23: {  	s9 =	sor.u32 $0xD0000000, s2;
	s6 =	simm.s32 $0x108;
	_ =	swait.ge @!p0 [sflag:s8], $0x0  }
0x24: {  	s3 =	sadd.s32 $0x88, s3;
	s6 =	simm.s32 @!p1 $0x1082;
	[sflag:s4] =	ssyncset.s32 $0xFFFFF086  }
0x25: {  	[simem:s6], [sflag:s4] =	dma.local [hbm:s3], $0xF7A  }
0x26: {  	[smem:$0x3F9C] =	sst s1;
	(tag) =	ssettag s2;
	_ =	strace s9  }
0x27: {  	s1 =	sld [smem:$0x3FAC]  }
0x28: {  	s2 =	sld [smem:$0x3FAD]  }
0x29: {  	s4 =	sld [smem:$0x3FAF]  }
0x2a: {  	p0 =	seq.s32 s5, $0x0;
	s5 =	sld [smem:$0x3FB0]  }
0x2b: {  	s6 =	sld [smem:$0x3FB1]  }
0x2c: {  	s7 =	sld [smem:$0x3FB2]  }
0x2d: {  	s3 =	simm.s32 $0x108;
	s8 =	sld [smem:$0x3FB3]  }
0x2e: {  	s3 =	simm.s32 @!p0 $0x1082;
	s9 =	sld [smem:$0x3FB4]  }
0x2f: {  	lr =	sadd.s32 s0, s3;
	s0 =	sld [smem:$0x3FAB]  }
0x30: {  	s3 =	sld [smem:$0x3FAE]  }
0x31: {  	[smem:$0x3FB7] =	sst s10  }
0x32: {  	s10 =	sld [smem:$0x3FB5];
	_ =	sdelay $0x3  }
0x33: {  	p0 =	seq.s32 s10, $0x1;
	s10 =	sld [smem:$0x3FB7];
	_ =	sdelay $0x3  }
0x34: {  	[smem:$0x3FB7] =	sst s10  }
0x35: {  	s10 =	sld [smem:$0x3FB6];
	_ =	sdelay $0x3  }
0x36: {  	p1 =	seq.s32 s10, $0x1;
	s10 =	sld [smem:$0x3FB7];
	_ =	sdelay $0x3  }
0x37: {  	[smem:$0x3FB7] =	sst s10  }
0x38: {  	s10 =	sld [smem:$0x3FB8]  }
0x39: {  	_ = 	snop;
	(pc) =	sbr.ind lr, $3  }
0x3a: {  	_ = 	snop  }
0x3b: {  	_ = 	snop  }
0x3c: {  	p2 =	seq.s32 s10, $0x1;
	s10 =	sld [smem:$0x3FB7]  }
0x3d: {  	_ =	shalt  }
0x3e: {  	_ =	shalt  }
0x3f: {  	_ =	shalt  }
0x40: {  	_ =	shalt  }
0x41: {  	_ =	shalt  }
0x42: {  	_ =	shalt  }
0x43: {  	_ =	shalt  }
0x44: {  	_ =	shalt  }
0x45: {  	_ =	shalt  }
0x46: {  	_ =	shalt  }
0x47: {  	_ =	shalt  }
0x48: {  	_ =	shalt  }
0x49: {  	_ =	shalt  }
0x4a: {  	_ =	shalt  }
0x4b: {  	_ =	shalt  }
0x4c: {  	_ =	shalt  }
0x4d: {  	_ =	shalt  }
0x4e: {  	_ =	shalt  }
0x4f: {  	_ =	shalt  }
0x50: {  	_ =	shalt  }
0x51: {  	_ =	shalt  }
0x52: {  	_ =	shalt  }
0x53: {  	_ =	shalt  }
0x54: {  	_ =	shalt  }
0x55: {  	_ =	shalt  }
0x56: {  	_ =	shalt  }
0x57: {  	_ =	shalt  }
0x58: {  	_ =	shalt  }
0x59: {  	_ =	shalt  }
0x5a: {  	_ =	shalt  }
0x5b: {  	_ =	shalt  }
0x5c: {  	_ =	shalt  }
0x5d: {  	_ =	shalt  }
0x5e: {  	_ =	shalt  }
0x5f: {  	_ =	shalt  }
0x60: {  	_ =	shalt  }
0x61: {  	_ =	shalt  }
0x62: {  	_ =	shalt  }
0x63: {  	_ =	shalt  }
0x64: {  	_ =	shalt  }
0x65: {  	_ =	shalt  }
0x66: {  	_ =	shalt  }
0x67: {  	_ =	shalt  }
0x68: {  	_ =	shalt  }
0x69: {  	_ =	shalt  }
0x6a: {  	_ =	shalt  }
0x6b: {  	_ =	shalt  }
0x6c: {  	_ =	shalt  }
0x6d: {  	_ =	shalt  }
0x6e: {  	_ =	shalt  }
0x6f: {  	_ =	shalt  }
0x70: {  	_ =	shalt  }
0x71: {  	_ =	shalt  }
0x72: {  	_ =	shalt  }
0x73: {  	_ =	shalt  }
0x74: {  	_ =	shalt  }
0x75: {  	_ =	shalt  }
0x76: {  	_ =	shalt  }
0x77: {  	_ =	shalt  }
0x78: {  	_ =	shalt  }
0x79: {  	_ =	shalt  }
0x7a: {  	_ =	shalt  }
0x7b: {  	_ =	shalt  }
0x7c: {  	_ =	shalt  }
0x7d: {  	_ =	shalt  }
0x7e: {  	_ =	shalt  }
0x7f: {  	_ =	shalt  }
0x80: {  	_ =	shalt  }
0x81: {  	_ =	shalt  }
0x82: {  	_ =	shalt  }
0x83: {  	_ =	shalt  }
0x84: {  	_ =	shalt  }
0x85: {  	_ =	shalt  }
0x86: {  	_ =	shalt  }
0x87: {  	_ =	shalt  }
.Lfunc_end0:
.L_simem_size_0:
called_computation.2_lowered:
.L_overlay_start_0:
0x88: {  	s2 =	sld [smem:$0x3FD9]  }
0x89: {  	s3 =	sld [smem:$0x3FFE];
	_ =	sdelay $0x1  }
0x8a: {  	s1 =	srdreg.scid  }
0x8b: {  	s0 =	sand.u32 $0x1, s1  }
0x8c: {  	s17 =	sshll.u32 s0, $0xA;
	s2 =	sadd.s32 s3, s2  }
0x8d: {  	s2 =	sadd.s32 s2, s17  }
0x8e: {  	[smem:$0x3FC3] =	sst s2  }
0x8f: {  	_ = 	snop  }
0x90: {  	s2 =	sld [smem:$0x3FD0];
	(tm) =	ssettm $0x1  }
0x91: {  	s18 =	sld [smem:$0x3FFB];
	_ =	sdelay $0x3  }
0x92: {  	_ =	strace s18  }
0x93: {  	s3 =	sld [smem:$0x3FFC];
	_ =	sdelay $0x3  }
0x94: {  	_ =	strace s3  }
0x95: {  	s3 =	sld [smem:$0x3FFD];
	_ =	sdelay $0x3  }
0x96: {  	_ =	strace s3  }
0x97: {  	_ =	strace $0x8FFFFFFF  }
0x98: {  	s19 =	sld [smem:$0x3FDB];
	_ =	sdelay $0x1  }
0x99: {  	s4 =	simm.s32 $_scs_section_size  }
0x9a: {  	s5 =	simm.s32 $_size__tile_overlayer_lowered;
	s6 =	simm.s32 $_tile_overlayer_lowered  }
0x9b: {  	s22 =	simm.s32 $0x1BFF;
	s21 =	sshll.u32 s6, $0x1;
	s3 =	sadd.s32 s4, s19  }
0x9c: {  	s7 =	simm.s32 $0x0;
	s20 =	sshll.u32 s5, $0x1;
	s5 =	sadd.s32 s21, s3  }
0x9d: {  	[timem:s7], [sflag:s22] =	dma.local [hbm:s5], s20  }
0x9e: {  	_ =	swait.ge [sflag:s22], s20  }
0x9f: {  	s4 =	ssub.s32 $0x0, s20;
	[sflag:s22] =	ssyncset.done $0x0  }
0xa0: {  	[sflag:s22] =	ssyncadd.s32 s4;
	_ =	sdelay $0x1  }
0xa1: {  	s23 =	simm.s32 $0x1B8B  }
0xa2: {  	_ =	swait.ge [sflag:s23], $0x1  }
0xa3: {  	[sflag:s23] =	ssyncset.done $0x0  }
0xa4: {  	s25 =	simm.s32 $0x1B8E;
	s24 =	sld [smem:$0x3FFE];
	[sflag:s23] =	ssyncadd.s32 $0xFFFFFFFF  }
0xa5: {  	s26 =	simm.s32 $execute0_lowered;
	[smem:$0x3FD2] =	sst s25  }
0xa6: {  	s5 =	sshll.u32 s26, $0x1;
	_ =	strace $0x8000004C;
	[dreg:$0x1] =	wrdreg $0xFFFFFFFF  }
0xa7: {  	s28 =	simm.s32 $_size_execute0_lowered;
	s3 =	sadd.s32 s3, s5;
	[dreg:$0x0] =	wrdreg $0x0  }
0xa8: {  	s5 =	sshll.u32 s28, $0x1;
	[dreg:$0x2] =	wrdreg s3  }
0xa9: {  	[dreg:$0x3] =	wrdreg s5  }
0xaa: {  	[dreg:$0x4] =	wrdreg $0xC0  }
0xab: {  	_ =	task [dreg:s7], $0x5FFFF  }
0xac: {  	[dreg:$0x1] =	wrdreg $0xFFFFFFFF  }
0xad: {  	[dreg:$0x0] =	wrdreg $0x60  }
0xae: {  	[dreg:$0x2] =	wrdreg s24  }
0xaf: {  	[dreg:$0x3] =	wrdreg s2  }
0xb0: {  	[dreg:$0x4] =	wrdreg $0xA9000  }
0xb1: {  	[dreg:$0x5] =	wrdreg $0x9  }
0xb2: {  	_ =	task.clear_ibuf [dreg:s7], $0x6FFFF;
	_ =	strace $0x9000004C  }
0xb3: {  	s29 =	simm.s32 $0x9;
	_ =	strace $0x8000004E  }
0xb4: {  	_ =	swait.ge [sflag:s29], $0x1  }
0xb5: {  	[sflag:s29] =	ssyncadd.s32 $0xFFFFFFFF  }
0xb6: {  	_ =	strace $0x9000004E  }
0xb7: {  	_ =	sfence  }
0xb8: {  	s30 =	sld [smem:$0x0];
	_ =	sdelay $0x2  }
0xb9: {  	s31 =	sshll.u32 s1, $0xD;
	s1 =	sshrl.u32 s1, $0x2  }
0xba: {  	s3 =	sand.u32 $0x4000, s31;
	s1 =	sadd.s32 s1, s30  }
0xbb: {  	s0 =	sor.u32 s3, s0;
	s1 =	sshll.u32 s1, $0x11  }
0xbc: {  	s0 =	sor.u32 s1, s0  }
0xbd: {  	s0 =	sadd.s32 $0x8F2B, s0  }
0xbe: {  	[sflag:s0] =	ssyncadd.remote.s32 $0x1  }
0xbf: {  	_ =	sfence.sel $0xFFFF  }
0xc0: {  	[dreg:$0x0] =	wrdreg $0xFFFFFFFF;
	(pc) =	sbr.abs _section_cstart, $3  }
0xc1: {  	[dreg:$0x1] =	wrdreg $0xFFFFFFFF  }
0xc2: {  	_ =	task.clear_ibuf [dreg:s7], $0x2FFFF;
	_ =	strace $0x9FFFFFFF  }
0xc3: {  	(tm) =	ssettm $0x7FFFFFFF  }
tec
execute0_lowered:
.L_overlay_start_1:
0x0: {  	(tag) =	ssettag $0x1  }
0x1: {  	s7 =	rddreg [dreg:$0x0]  }
0x2: {  	s8 =	rddreg [dreg:$0x1]  }
0x3: {  	s1 =	rddreg [dreg:$0x2];
	s2 =	srdreg.scid  }
0x4: {  	s3 =	simm.s32 $0x0;
	s0 =	stileid.u32;
	s17 =	simm.s32 $0x5  }
0x5: {  	s18 =	simm.s32 $0x2900;
	s19 =	simm.s32 $0x80;
	s20 =	simm.s32 $0x6900  }
0x6: {  	s21 =	simm.s32 $0x2800;
	s22 =	simm.s32 $0x2880;
	s23 =	simm.s32 $0x1  }
0x7: {  	s24 =	simm.s32 $0x3;
	s25 =	simm.s32 $0x2;
	s26 =	simm.s32 $0x4  }
0x8: {  	s28 =	simm.s32 $0x0;
	s9 =	sand.u32 $0x1, s2;
	s6 =	smul.u32 $0x14000, s0  }
0x9: {  	[smem:$0x7FF] =	sst s3;
	s4 =	sadd.s32 $0xC400, s7;
	s11 =	smul.u32 $0x50000, s0  }
0xa: {  	s10 =	sshll.u32 s0, $0x1;
	s5 =	smul.u32 $0x140000, s9;
	_ =	strace $0x8000004D  }
0xb: {  	s10 =	sor.u32 s9, s10;
	s9 =	ssub.s32 $0x2, s9;
	s29 =	sshrl.u32 s11, $0x2  }
0xc: {  	s30 =	sshrl.u32 s9, $0x1;
	s6 =	sadd.s32 s6, s5;
	s5 =	sadd.s32 $0x2400, s7  }
0xd: {  	s16 =	ssub.s32 s9, s30;
	s12 =	sshrl.u32 s6, $0x3;
	s6 =	smul.u32 $0x2800, s10  }
0xe: {  	s16 =	smax.u32 s16, $0x1;
	s15 =	sadd.s32 s12, s7;
	s7 =	sadd.s32 s29, s1  }
0xf: {  	s31 =	sshrl.u32 s6, $0x3;
	s9 =	sadd.s32 $0x4000, s7;
	s10 =	sadd.s32 $0x8000, s7  }
0x10: {  	s11 =	sadd.s32 $0xC000, s7;
	s13 =	sadd.s32 $0x10000, s7;
	s12 =	sadd.s32 s5, s31  }
0x11: {  	v0 =	vimm.f32 $0.0e+00;
	s15 =	sadd.s32 $0x34400, s15;
	s8 =	sadd.s32 s8, s31;
	s14 =	sadd.s32 $0x10, s12  }
.LBB2_1:
0x12: {  	[tilespmem:s3], [sflag:$0x5] =	stream.linear.gather [hbm4b:s8+s3], $0x2800, $0x38;
	[tilespmem:$0x1E900] =	vst v63  }
0x13: {  	_ =	swait.ge [sflag:s17], $0x2800  }
0x14: {  	[sflag:s17] =	ssyncset.done $0x0  }
0x15: {  	s29 =	simm.s32 $0x0;
	s30 =	simm.s32 $0x200;
	[sflag:s17] =	ssyncadd.s32 $0xFFFFD800  }
.LBB2_2:
0x16: {  	p0 =	sne.s32 s30, $0xFE00;
	[tilespmem:s29+$0x2970] =	vst v0  }
0x17: {  	[tilespmem:s29+$0x2900] =	vst v0  }
0x18: {  	[tilespmem:s29+$0x2910] =	vst v0  }
.Ltmp0:
0x19: {  	[tilespmem:s29+$0x2920] =	vst v0;
	(pc) =	sbr.rel @p0 .LBB2_2-.Ltmp0, $4  }
0x1a: {  	[tilespmem:s29+$0x2930] =	vst v0  }
0x1b: {  	[tilespmem:s29+$0x2940] =	vst v0  }
0x1c: {  	[tilespmem:s29+$0x2950] =	vst v0  }
0x1d: {  	[tilespmem:s29+$0x2960] =	vst v0;
	s29 =	sshra.s32 s30, $0x2;
	s30 =	sadd.s32 $0x200, s30  }
0x1e: {  	[tilespmem:s29+$0x2970] =	vst v0  }
0x1f: {  	[tilespmem:s29+$0x2900] =	vst v0  }
0x20: {  	[tilespmem:s29+$0x2910] =	vst v0  }
0x21: {  	[tilespmem:s29+$0x2920] =	vst v0  }
0x22: {  	[tilespmem:s29+$0x2930] =	vst v0  }
0x23: {  	[tilespmem:s29+$0x2940] =	vst v0  }
0x24: {  	[tilespmem:s29+$0x2950] =	vst v0  }
0x25: {  	[tilespmem:s29+$0x2960] =	vst v0  }
0x26: {  	[spmem:s7] =	stream.linear.scatter [tilespmem:s18], [sflag:$0x5], $0x4000, $0x38;
	[tilespmem:$0x1E900] =	vst v63  }
0x27: {  	_ =	swait.ge [sflag:s17], $0x4000  }
0x28: {  	[sflag:s17] =	ssyncset.done $0x0  }
0x29: {  	[sflag:s17] =	ssyncadd.s32 $0xFFFFC000  }
0x2a: {  	[spmem:s9] =	stream.linear.scatter [tilespmem:s18], [sflag:$0x5], $0x4000, $0x38;
	[tilespmem:$0x1E900] =	vst v63  }
0x2b: {  	_ =	swait.ge [sflag:s17], $0x4000  }
0x2c: {  	[sflag:s17] =	ssyncset.done $0x0  }
0x2d: {  	[sflag:s17] =	ssyncadd.s32 $0xFFFFC000  }
0x2e: {  	[spmem:s10] =	stream.linear.scatter [tilespmem:s18], [sflag:$0x5], $0x4000, $0x38;
	[tilespmem:$0x1E900] =	vst v63  }
0x2f: {  	_ =	swait.ge [sflag:s17], $0x4000  }
0x30: {  	[sflag:s17] =	ssyncset.done $0x0  }
0x31: {  	[sflag:s17] =	ssyncadd.s32 $0xFFFFC000  }
0x32: {  	[spmem:s11] =	stream.linear.scatter [tilespmem:s18], [sflag:$0x5], $0x4000, $0x38;
	[tilespmem:$0x1E900] =	vst v63  }
0x33: {  	_ =	swait.ge [sflag:s17], $0x4000  }
0x34: {  	[sflag:s17] =	ssyncset.done $0x0  }
0x35: {  	[sflag:s17] =	ssyncadd.s32 $0xFFFFC000  }
0x36: {  	[spmem:s13] =	stream.linear.scatter [tilespmem:s18], [sflag:$0x5], $0x4000, $0x38;
	[tilespmem:$0x1E900] =	vst v63  }
0x37: {  	_ =	swait.ge [sflag:s17], $0x4000  }
0x38: {  	[sflag:s17] =	ssyncset.done $0x0  }
0x39: {  	[sflag:s17] =	ssyncadd.s32 $0xFFFFC000  }
0x3a: {  	[bflag:$0x0] =	sbarrier.arrive $0xFFFF  }
0x3b: {  	[tilespmem:s18], [sflag:$0x1] =	stream.indirect.gather [hbm4b:s4+s19], $0x80, s3, s19, $0xb8;
	[tilespmem:$0x1E900] =	vst v63  }
0x3c: {  	_ = 	snop  }
0x3d: {  	[tilespmem:s20], [sflag:$0x2] =	stream.indirect.gather [hbm4b:s4+s19], $0x80, s19, s19, $0xb8;
	[tilespmem:$0x1E900] =	vst v63  }
0x3e: {  	_ = 	snop  }
0x3f: {  	[tilespmem:s21], [sflag:$0x3] =	stream.linear.gather [hbm4b:s12+s3], $0x80, $0x38;
	[tilespmem:$0x1E900] =	vst v63  }
0x40: {  	_ = 	snop  }
0x41: {  	[tilespmem:s22], [sflag:$0x4] =	stream.linear.gather [hbm4b:s14+s3], $0x80, $0x38;
	[tilespmem:$0x1E900] =	vst v63  }
0x42: {  	_ =	swait.ge [sflag:s23], $0x4000  }
0x43: {  	[sflag:s23] =	ssyncset.done $0x0  }
0x44: {  	[sflag:s23] =	ssyncadd.s32 $0xFFFFC000  }
0x45: {  	_ =	swait.ge [sflag:s24], $0x80  }
0x46: {  	s29 =	simm.s32 $0x100;
	[sflag:s24] =	ssyncset.done $0x0  }
0x47: {  	s30 =	sand.u32 $0x7C00, s29;
	[sflag:s24] =	ssyncadd.s32 $0xFFFFFF80  }
0x48: {  	[spmem:s1] =	stream.indirect.scatter.add.f32 [tilespmem:s18], [sflag:$0x5], $0x80, s21, s19, $0xb8;
	[tilespmem:$0x1E900] =	vst v63  }
0x49: {  	s31 =	sand.u32 $0x300, s29;
	s30 =	sadd.s32 s6, s30;
	_ =	swait.ge [sflag:s17], $0x4000  }
0x4a: {  	s30 =	sor.u32 s31, s30;
	[sflag:s17] =	ssyncset.done $0x0  }
0x4b: {  	s29 =	simm.s32 $0x100;
	s30 =	sshrl.u32 s30, $0x3;
	[sflag:s17] =	ssyncadd.s32 $0xFFFFC000  }
0x4c: {  	[tilespmem:s18], [sflag:$0x1] =	stream.indirect.gather [hbm4b:s4+s19], $0x80, s29, s19, $0xb8;
	[tilespmem:$0x1E900] =	vst v63  }
0x4d: {  	s30 =	sadd.s32 s5, s30  }
0x4e: {  	[tilespmem:s21], [sflag:$0x3] =	stream.linear.gather [hbm4b:s30+s3], $0x80, $0x38;
	[tilespmem:$0x1E900] =	vst v63  }
0x4f: {  	_ =	swait.ge [sflag:s25], $0x4000  }
0x50: {  	[sflag:s25] =	ssyncset.done $0x0  }
0x51: {  	[sflag:s25] =	ssyncadd.s32 $0xFFFFC000  }
0x52: {  	_ =	swait.ge [sflag:s26], $0x80  }
0x53: {  	[sflag:s26] =	ssyncset.done $0x0  }
0x54: {  	[sflag:s26] =	ssyncadd.s32 $0xFFFFFF80  }
0x55: {  	[spmem:s1] =	stream.indirect.scatter.add.f32 [tilespmem:s20], [sflag:$0x5], $0x80, s22, s19, $0xb8;
	[tilespmem:$0x1E900] =	vst v63  }
0x56: {  	_ =	swait.ge [sflag:s17], $0x4000  }
0x57: {  	[sflag:s17] =	ssyncset.done $0x0  }
0x58: {  	s31 =	simm.s32 $0x180;
	s30 =	simm.s32 $0x180;
	[sflag:s17] =	ssyncadd.s32 $0xFFFFC000  }
0x59: {  	[tilespmem:s20], [sflag:$0x2] =	stream.indirect.gather [hbm4b:s4+s19], $0x80, s31, s19, $0xb8;
	[tilespmem:$0x1E900] =	vst v63  }
0x5a: {  	s31 =	sand.u32 $0x7C00, s30  }
0x5b: {  	s30 =	sand.u32 $0x380, s30;
	s31 =	sadd.s32 s6, s31  }
0x5c: {  	s31 =	sor.u32 s30, s31  }
0x5d: {  	s30 =	simm.s32 $0x280;
	s31 =	sshrl.u32 s31, $0x3  }
.LBB2_4:
0x5e: {  	p0 =	sne.s32 s30, $0x2780;
	s31 =	sadd.s32 s5, s31;
	s29 =	sadd.s32 $0x100, s29  }
0x5f: {  	[tilespmem:s22], [sflag:$0x4] =	stream.linear.gather [hbm4b:s31+s3], $0x80, $0x38;
	[tilespmem:$0x1E900] =	vst v63  }
0x60: {  	s31 =	smov.u32 s30;
	s30 =	sadd.s32 $0x100, s30;
	_ =	swait.ge [sflag:s23], $0x4000  }
0x61: {  	[sflag:s23] =	ssyncset.done $0x0  }
0x62: {  	[sflag:s23] =	ssyncadd.s32 $0xFFFFC000  }
0x63: {  	_ =	swait.ge [sflag:s24], $0x80  }
0x64: {  	[sflag:s24] =	ssyncset.done $0x0  }
0x65: {  	s0 =	sadd.s32 $0xFFFFFF80, s31;
	[sflag:s24] =	ssyncadd.s32 $0xFFFFFF80  }
0x66: {  	[spmem:s1] =	stream.indirect.scatter.add.f32 [tilespmem:s18], [sflag:$0x5], $0x80, s21, s19, $0xb8;
	[tilespmem:$0x1E900] =	vst v63  }
0x67: {  	s2 =	sand.u32 $0x7C00, s0;
	_ =	swait.ge [sflag:s17], $0x4000  }
0x68: {  	s0 =	sand.u32 $0x300, s0;
	s2 =	sadd.s32 s6, s2;
	[sflag:s17] =	ssyncset.done $0x0  }
0x69: {  	s0 =	sor.u32 s0, s2;
	[sflag:s17] =	ssyncadd.s32 $0xFFFFC000  }
0x6a: {  	[tilespmem:s18], [sflag:$0x1] =	stream.indirect.gather [hbm4b:s4+s19], $0x80, s29, s19, $0xb8;
	[tilespmem:$0x1E900] =	vst v63  }
0x6b: {  	s0 =	sshrl.u32 s0, $0x3  }
0x6c: {  	s0 =	sadd.s32 s5, s0  }
0x6d: {  	[tilespmem:s21], [sflag:$0x3] =	stream.linear.gather [hbm4b:s0+s3], $0x80, $0x38;
	[tilespmem:$0x1E900] =	vst v63  }
0x6e: {  	_ =	swait.ge [sflag:s25], $0x4000  }
0x6f: {  	[sflag:s25] =	ssyncset.done $0x0  }
0x70: {  	[sflag:s25] =	ssyncadd.s32 $0xFFFFC000  }
0x71: {  	_ =	swait.ge [sflag:s26], $0x80  }
0x72: {  	[sflag:s26] =	ssyncset.done $0x0  }
0x73: {  	s0 =	sand.u32 $0x7C00, s31;
	[sflag:s26] =	ssyncadd.s32 $0xFFFFFF80  }
0x74: {  	[spmem:s1] =	stream.indirect.scatter.add.f32 [tilespmem:s20], [sflag:$0x5], $0x80, s22, s19, $0xb8;
	[tilespmem:$0x1E900] =	vst v63  }
.Ltmp1:
0x75: {  	_ = 	snop;
	(pc) =	sbr.rel @p0 .LBB2_4-.Ltmp1, $4  }
0x76: {  	s2 =	sand.u32 $0x380, s31;
	s0 =	sadd.s32 s6, s0;
	_ =	swait.ge [sflag:s17], $0x4000  }
0x77: {  	s0 =	sor.u32 s2, s0;
	[sflag:s17] =	ssyncset.done $0x0  }
0x78: {  	s2 =	sadd.s32 $0x80, s29;
	s31 =	sshrl.u32 s0, $0x3;
	[sflag:s17] =	ssyncadd.s32 $0xFFFFC000  }
0x79: {  	[tilespmem:s20], [sflag:$0x2] =	stream.indirect.gather [hbm4b:s4+s19], $0x80, s2, s19, $0xb8;
	[tilespmem:$0x1E900] =	vst v63  }
0x7a: {  	s0 =	sadd.s32 s5, s31  }
0x7b: {  	[tilespmem:s22], [sflag:$0x4] =	stream.linear.gather [hbm4b:s0+s3], $0x80, $0x38;
	[tilespmem:$0x1E900] =	vst v63  }
0x7c: {  	_ =	swait.ge [sflag:s23], $0x4000  }
0x7d: {  	[sflag:s23] =	ssyncset.done $0x0  }
0x7e: {  	[sflag:s23] =	ssyncadd.s32 $0xFFFFC000  }
0x7f: {  	_ =	swait.ge [sflag:s24], $0x80  }
0x80: {  	[sflag:s24] =	ssyncset.done $0x0  }
0x81: {  	[sflag:s24] =	ssyncadd.s32 $0xFFFFFF80  }
0x82: {  	[spmem:s1] =	stream.indirect.scatter.add.f32 [tilespmem:s18], [sflag:$0x5], $0x80, s21, s19, $0xb8;
	[tilespmem:$0x1E900] =	vst v63  }
0x83: {  	_ =	swait.ge [sflag:s17], $0x4000  }
0x84: {  	[sflag:s17] =	ssyncset.done $0x0  }
0x85: {  	[sflag:s17] =	ssyncadd.s32 $0xFFFFC000  }
0x86: {  	_ =	swait.ge [sflag:s25], $0x4000  }
0x87: {  	[sflag:s25] =	ssyncset.done $0x0  }
0x88: {  	[sflag:s25] =	ssyncadd.s32 $0xFFFFC000  }
0x89: {  	_ =	swait.ge [sflag:s26], $0x80  }
0x8a: {  	[sflag:s26] =	ssyncset.done $0x0  }
0x8b: {  	[sflag:s26] =	ssyncadd.s32 $0xFFFFFF80  }
0x8c: {  	[spmem:s1] =	stream.indirect.scatter.add.f32 [tilespmem:s20], [sflag:$0x5], $0x80, s22, s19, $0xb8;
	[tilespmem:$0x1E900] =	vst v63  }
0x8d: {  	s31 =	stileid.u32;
	_ =	swait.ge [sflag:s17], $0x4000  }
0x8e: {  	s2 =	sshrl.u32 s7, $0x3;
	s28 =	sadd.s32 $0x1, s28;
	[sflag:s17] =	ssyncset.done $0x0  }
0x8f: {  	s0 =	sshll.u32 s31, $0x6;
	p0 =	sne.s32 s28, s16;
	[sflag:s17] =	ssyncadd.s32 $0xFFFFC000  }
.Ltmp2:
0x90: {  	s0 =	sor.u32 $0x1C05, s0;
	[bflag:$0x0] =	sbarrier.arrive $0xFFFF;
	(pc) =	sbr.rel @p0 .LBB2_1-.Ltmp2, $4  }
0x91: {  	[hbm:s15], [sflag:s0] =	dma.local [spmem:s2], $0x2800  }
0x92: {  	_ =	swait.ge [sflag:s17], $0x2800  }
0x93: {  	[sflag:s17] =	ssyncset.done $0x0  }
0x94: {  	[sflag:s17] =	ssyncadd.s32 $0xFFFFD800  }
0x95: {  	_ =	sfence.sel $0x180000  }
0x96: {  	[bflag:$0x0] =	sbarrier.arrive $0xFFFF  }
0x97: {  	_ =	strace $0x9000004D  }
0x98: {  	s0 =	stileid.u32;
	[bflag:$0x2] =	sbarrier.arrive $0xFFFF  }
0x99: {  	p0 =	sne.s32 s0, $0x0;
	s0 =	rddreg [dreg:$0x3]  }
0x9a: {  	s0 =	sadd.s32 @!p0 $0x100000, s0  }
0x9b: {  	[sflag:s0] =	ssyncadd.tile.s32 @!p0 $0x1;
	_ =	shalt  }
.Lfunc_end2:
_tile_overlayer_lowered:
.L_overlay_start_2:
0x9c: {  	(tag) =	ssettag $0x2  }
0x9d: {  	s0 =	rddreg [dreg:$0x0];
	s2 =	stileid.u32  }
0x9e: {  	s1 =	rddreg [dreg:$0x1];
	p0 =	sne.s32 s2, $0x0  }
0x9f: {  	s3 =	rddreg [dreg:$0x2];
	[bflag:$0x3] =	sbarrier.arrive $0xFFFF;
	s2 =	simm.s32 @!p0 $0x1C05  }
0xa0: {  	[timem:s3], [sflag:s2] =	dma.local @!p0 [hbm:s0], s1  }
0xa1: {  	s0 =	simm.s32 @!p0 $0x5  }
0xa2: {  	_ =	swait.ge @!p0 [sflag:s0], s1  }
0xa3: {  	s1 =	ssub.s32 @!p0 $0x0, s1;
	[sflag:s0] =	ssyncset.done @!p0 $0x0  }
0xa4: {  	[sflag:s0] =	ssyncadd.s32 @!p0 s1  }
0xa5: {  	[bflag:$0x3] =	sbarrier.arrive $0xFFFF  }
0xa6: {  	_ =	shalt  }

// kernel: kernel.19.cloned.1.call-start
scs
__scs_entry_jumppad:
0x0: {  	(pc) =	sbr.rel $0x88, $3  }
0x1: {  	(tag) =	ssettag $0x0;
	lr =	simm.s32 $0x1  }
0x2: {  	[smem:$0x3F9C] =	sst lr;
	_ =	strace $0xD0000000  }
0x3: {  	_ = 	snop  }
0x4: {  	_ = 	snop  }
0x5: {  	_ = 	snop  }
0x6: {  	_ = 	snop  }
0x7: {  	_ = 	snop  }
__scs_overlays_trampoline_lowered:
0x8: {  	[smem:$0x3FAB] =	sst s0  }
0x9: {  	[smem:$0x3FAC] =	sst s1  }
0xa: {  	[smem:$0x3FAD] =	sst s2  }
0xb: {  	[smem:$0x3FAE] =	sst s3  }
0xc: {  	[smem:$0x3FAF] =	sst s4  }
0xd: {  	[smem:$0x3FB0] =	sst s5  }
0xe: {  	[smem:$0x3FB1] =	sst s6  }
0xf: {  	[smem:$0x3FB2] =	sst s7  }
0x10: {  	[smem:$0x3FB3] =	sst s8  }
0x11: {  	[smem:$0x3FB4] =	sst s9;
	s0 =	simm.s32 @!p0 $0x0  }
0x12: {  	s1 =	sld [smem:$0x3F9A];
	s0 =	simm.s32 @p0 $0x1  }
0x13: {  	[smem:$0x3FB5] =	sst s0;
	s0 =	simm.s32 @!p1 $0x0  }
0x14: {  	s2 =	sld [smem:$0x3F99];
	s0 =	simm.s32 @p1 $0x1  }
0x15: {  	[smem:$0x3FB6] =	sst s0;
	s0 =	simm.s32 @!p2 $0x0  }
0x16: {  	s3 =	sld [smem:$0x3FDB];
	s0 =	simm.s32 @p2 $0x1  }
0x17: {  	s4 =	simm.s32 $0x1BF5;
	[smem:$0x3FB8] =	sst s0  }
0x18: {  	s0 =	sld [smem:$0x3F9B];
	_ =	swait.ge [sflag:s4], $0x0  }
0x19: {  	s7 =	sld [smem:$0x3F9C]  }
0x1a: {  	s8 =	sadd.s32 $0xFFFFE003, lr  }
0x1b: {  	s9 =	sadd.s32 $0xFFFFFEF7, lr;
	s5 =	simm.s32 $0xFFFFFFFF;
	p2 =	slt.u32 s8, $0xFFFFF086  }
0x1c: {  	p1 =	slt.u32 s9, $0xF7A;
	s5 =	simm.s32 @!p2 $0x0  }
0x1d: {  	s5 =	simm.s32 @p1 $0x1;
	p0 =	seq.s32 s7, s2  }
0x1e: {  	s7 =	smul.u32 @!p0 $0xF7A, s2;
	p2 =	seq.s32 @!p0 s5, $0x0  }
0x1f: {  	s9 =	smul.u32 $0xF7A, s1;
	s8 =	simm.s32 @!p0 $0x1BF5;
	p2 =	por !p2, p0  }
0x20: {  	[sflag:s8] =	ssyncset.s32 @!p0 $0xFFFFF086;
	s6 =	sadd.s32 @!p0 s3, s7;
	s7 =	simm.s32 @!p0 $0x108  }
0x21: {  	s3 =	sadd.s32 s3, s9;
	s6 =	sadd.s32 @!p0 $0x88, s6;
	s7 =	simm.s32 @p2 $0x1082  }
0x22: {  	[simem:s7], [sflag:s8] =	dma.local @!p0 [hbm:s6], $0xF7A  }
0x23: {  	s9 =	sor.u32 $0xD0000000, s2;
	s6 =	simm.s32 $0x108;
	_ =	swait.ge @!p0 [sflag:s8], $0x0  }
0x24: {  	s3 =	sadd.s32 $0x88, s3;
	s6 =	simm.s32 @!p1 $0x1082;
	[sflag:s4] =	ssyncset.s32 $0xFFFFF086  }
0x25: {  	[simem:s6], [sflag:s4] =	dma.local [hbm:s3], $0xF7A  }
0x26: {  	[smem:$0x3F9C] =	sst s1;
	(tag) =	ssettag s2;
	_ =	strace s9  }
0x27: {  	s1 =	sld [smem:$0x3FAC]  }
0x28: {  	s2 =	sld [smem:$0x3FAD]  }
0x29: {  	s4 =	sld [smem:$0x3FAF]  }
0x2a: {  	p0 =	seq.s32 s5, $0x0;
	s5 =	sld [smem:$0x3FB0]  }
0x2b: {  	s6 =	sld [smem:$0x3FB1]  }
0x2c: {  	s7 =	sld [smem:$0x3FB2]  }
0x2d: {  	s3 =	simm.s32 $0x108;
	s8 =	sld [smem:$0x3FB3]  }
0x2e: {  	s3 =	simm.s32 @!p0 $0x1082;
	s9 =	sld [smem:$0x3FB4]  }
0x2f: {  	lr =	sadd.s32 s0, s3;
	s0 =	sld [smem:$0x3FAB]  }
0x30: {  	s3 =	sld [smem:$0x3FAE]  }
0x31: {  	[smem:$0x3FB7] =	sst s10  }
0x32: {  	s10 =	sld [smem:$0x3FB5];
	_ =	sdelay $0x3  }
0x33: {  	p0 =	seq.s32 s10, $0x1;
	s10 =	sld [smem:$0x3FB7];
	_ =	sdelay $0x3  }
0x34: {  	[smem:$0x3FB7] =	sst s10  }
0x35: {  	s10 =	sld [smem:$0x3FB6];
	_ =	sdelay $0x3  }
0x36: {  	p1 =	seq.s32 s10, $0x1;
	s10 =	sld [smem:$0x3FB7];
	_ =	sdelay $0x3  }
0x37: {  	[smem:$0x3FB7] =	sst s10  }
0x38: {  	s10 =	sld [smem:$0x3FB8]  }
0x39: {  	_ = 	snop;
	(pc) =	sbr.ind lr, $3  }
0x3a: {  	_ = 	snop  }
0x3b: {  	_ = 	snop  }
0x3c: {  	p2 =	seq.s32 s10, $0x1;
	s10 =	sld [smem:$0x3FB7]  }
0x3d: {  	_ =	shalt  }
0x3e: {  	_ =	shalt  }
0x3f: {  	_ =	shalt  }
0x40: {  	_ =	shalt  }
0x41: {  	_ =	shalt  }
0x42: {  	_ =	shalt  }
0x43: {  	_ =	shalt  }
0x44: {  	_ =	shalt  }
0x45: {  	_ =	shalt  }
0x46: {  	_ =	shalt  }
0x47: {  	_ =	shalt  }
0x48: {  	_ =	shalt  }
0x49: {  	_ =	shalt  }
0x4a: {  	_ =	shalt  }
0x4b: {  	_ =	shalt  }
0x4c: {  	_ =	shalt  }
0x4d: {  	_ =	shalt  }
0x4e: {  	_ =	shalt  }
0x4f: {  	_ =	shalt  }
0x50: {  	_ =	shalt  }
0x51: {  	_ =	shalt  }
0x52: {  	_ =	shalt  }
0x53: {  	_ =	shalt  }
0x54: {  	_ =	shalt  }
0x55: {  	_ =	shalt  }
0x56: {  	_ =	shalt  }
0x57: {  	_ =	shalt  }
0x58: {  	_ =	shalt  }
0x59: {  	_ =	shalt  }
0x5a: {  	_ =	shalt  }
0x5b: {  	_ =	shalt  }
0x5c: {  	_ =	shalt  }
0x5d: {  	_ =	shalt  }
0x5e: {  	_ =	shalt  }
0x5f: {  	_ =	shalt  }
0x60: {  	_ =	shalt  }
0x61: {  	_ =	shalt  }
0x62: {  	_ =	shalt  }
0x63: {  	_ =	shalt  }
0x64: {  	_ =	shalt  }
0x65: {  	_ =	shalt  }
0x66: {  	_ =	shalt  }
0x67: {  	_ =	shalt  }
0x68: {  	_ =	shalt  }
0x69: {  	_ =	shalt  }
0x6a: {  	_ =	shalt  }
0x6b: {  	_ =	shalt  }
0x6c: {  	_ =	shalt  }
0x6d: {  	_ =	shalt  }
0x6e: {  	_ =	shalt  }
0x6f: {  	_ =	shalt  }
0x70: {  	_ =	shalt  }
0x71: {  	_ =	shalt  }
0x72: {  	_ =	shalt  }
0x73: {  	_ =	shalt  }
0x74: {  	_ =	shalt  }
0x75: {  	_ =	shalt  }
0x76: {  	_ =	shalt  }
0x77: {  	_ =	shalt  }
0x78: {  	_ =	shalt  }
0x79: {  	_ =	shalt  }
0x7a: {  	_ =	shalt  }
0x7b: {  	_ =	shalt  }
0x7c: {  	_ =	shalt  }
0x7d: {  	_ =	shalt  }
0x7e: {  	_ =	shalt  }
0x7f: {  	_ =	shalt  }
0x80: {  	_ =	shalt  }
0x81: {  	_ =	shalt  }
0x82: {  	_ =	shalt  }
0x83: {  	_ =	shalt  }
0x84: {  	_ =	shalt  }
0x85: {  	_ =	shalt  }
0x86: {  	_ =	shalt  }
0x87: {  	_ =	shalt  }
.Lfunc_end0:
.L_simem_size_0:
called_computation.3_lowered:
.L_overlay_start_0:
0x88: {  	s2 =	sld [smem:$0x3FD9]  }
0x89: {  	s3 =	sld [smem:$0x3FFE];
	_ =	sdelay $0x1  }
0x8a: {  	s1 =	srdreg.scid  }
0x8b: {  	s0 =	sand.u32 $0x1, s1  }
0x8c: {  	s17 =	sshll.u32 s0, $0xA;
	s2 =	sadd.s32 s3, s2  }
0x8d: {  	s2 =	sadd.s32 s2, s17  }
0x8e: {  	[smem:$0x3FC3] =	sst s2  }
0x8f: {  	_ = 	snop  }
0x90: {  	s2 =	sld [smem:$0x3FD0];
	(tm) =	ssettm $0x1  }
0x91: {  	s18 =	sld [smem:$0x3FFB];
	_ =	sdelay $0x3  }
0x92: {  	_ =	strace s18  }
0x93: {  	s3 =	sld [smem:$0x3FFC];
	_ =	sdelay $0x3  }
0x94: {  	_ =	strace s3  }
0x95: {  	s3 =	sld [smem:$0x3FFD];
	_ =	sdelay $0x3  }
0x96: {  	_ =	strace s3  }
0x97: {  	_ =	strace $0x8FFFFFFF  }
0x98: {  	s19 =	sld [smem:$0x3FDB];
	_ =	sdelay $0x1  }
0x99: {  	s4 =	simm.s32 $_scs_section_size  }
0x9a: {  	s5 =	simm.s32 $_size__tile_overlayer_lowered;
	s6 =	simm.s32 $_tile_overlayer_lowered  }
0x9b: {  	s22 =	simm.s32 $0x1BFF;
	s21 =	sshll.u32 s6, $0x1;
	s3 =	sadd.s32 s4, s19  }
0x9c: {  	s7 =	simm.s32 $0x0;
	s20 =	sshll.u32 s5, $0x1;
	s5 =	sadd.s32 s21, s3  }
0x9d: {  	[timem:s7], [sflag:s22] =	dma.local [hbm:s5], s20  }
0x9e: {  	_ =	swait.ge [sflag:s22], s20  }
0x9f: {  	s4 =	ssub.s32 $0x0, s20;
	[sflag:s22] =	ssyncset.done $0x0  }
0xa0: {  	[sflag:s22] =	ssyncadd.s32 s4;
	_ =	sdelay $0x1  }
0xa1: {  	s23 =	simm.s32 $0x1B8B  }
0xa2: {  	_ =	swait.ge [sflag:s23], $0x1  }
0xa3: {  	[sflag:s23] =	ssyncset.done $0x0  }
0xa4: {  	s25 =	simm.s32 $0x1B8E;
	s24 =	sld [smem:$0x3FFE];
	[sflag:s23] =	ssyncadd.s32 $0xFFFFFFFF  }
0xa5: {  	s26 =	simm.s32 $execute0_lowered;
	[smem:$0x3FD2] =	sst s25  }
0xa6: {  	s5 =	sshll.u32 s26, $0x1;
	_ =	strace $0x8000004F;
	[dreg:$0x1] =	wrdreg $0xFFFFFFFF  }
0xa7: {  	s28 =	simm.s32 $_size_execute0_lowered;
	s3 =	sadd.s32 s3, s5;
	[dreg:$0x0] =	wrdreg $0x0  }
0xa8: {  	s5 =	sshll.u32 s28, $0x1;
	[dreg:$0x2] =	wrdreg s3  }
0xa9: {  	[dreg:$0x3] =	wrdreg s5  }
0xaa: {  	[dreg:$0x4] =	wrdreg $0xC0  }
0xab: {  	_ =	task [dreg:s7], $0x5FFFF  }
0xac: {  	[dreg:$0x1] =	wrdreg $0xFFFFFFFF  }
0xad: {  	[dreg:$0x0] =	wrdreg $0x60  }
0xae: {  	[dreg:$0x2] =	wrdreg s24  }
0xaf: {  	[dreg:$0x3] =	wrdreg s2  }
0xb0: {  	[dreg:$0x4] =	wrdreg $0xA9000  }
0xb1: {  	[dreg:$0x5] =	wrdreg $0x9  }
0xb2: {  	_ =	task.clear_ibuf [dreg:s7], $0x6FFFF;
	_ =	strace $0x9000004F  }
0xb3: {  	s29 =	simm.s32 $0x9;
	_ =	strace $0x80000051  }
0xb4: {  	_ =	swait.ge [sflag:s29], $0x1  }
0xb5: {  	[sflag:s29] =	ssyncadd.s32 $0xFFFFFFFF  }
0xb6: {  	_ =	strace $0x90000051  }
0xb7: {  	_ =	sfence  }
0xb8: {  	s30 =	sld [smem:$0x0];
	_ =	sdelay $0x2  }
0xb9: {  	s31 =	sshll.u32 s1, $0xD;
	s1 =	sshrl.u32 s1, $0x2  }
0xba: {  	s3 =	sand.u32 $0x4000, s31;
	s1 =	sadd.s32 s1, s30  }
0xbb: {  	s0 =	sor.u32 s3, s0;
	s1 =	sshll.u32 s1, $0x11  }
0xbc: {  	s0 =	sor.u32 s1, s0  }
0xbd: {  	s0 =	sadd.s32 $0x8F2B, s0  }
0xbe: {  	[sflag:s0] =	ssyncadd.remote.s32 $0x1  }
0xbf: {  	_ =	sfence.sel $0xFFFF  }
0xc0: {  	[dreg:$0x0] =	wrdreg $0xFFFFFFFF;
	(pc) =	sbr.abs _section_cstart, $3  }
0xc1: {  	[dreg:$0x1] =	wrdreg $0xFFFFFFFF  }
0xc2: {  	_ =	task.clear_ibuf [dreg:s7], $0x2FFFF;
	_ =	strace $0x9FFFFFFF  }
0xc3: {  	(tm) =	ssettm $0x7FFFFFFF  }
tec
execute0_lowered:
.L_overlay_start_1:
0x0: {  	(tag) =	ssettag $0x1  }
0x1: {  	s7 =	rddreg [dreg:$0x0]  }
0x2: {  	s8 =	rddreg [dreg:$0x1]  }
0x3: {  	s1 =	rddreg [dreg:$0x2];
	s2 =	srdreg.scid  }
0x4: {  	s3 =	simm.s32 $0x0;
	s0 =	stileid.u32;
	s17 =	simm.s32 $0x5  }
0x5: {  	s18 =	simm.s32 $0x2900;
	s19 =	simm.s32 $0x80;
	s20 =	simm.s32 $0x6900  }
0x6: {  	s21 =	simm.s32 $0x2800;
	s22 =	simm.s32 $0x2880;
	s23 =	simm.s32 $0x1  }
0x7: {  	s24 =	simm.s32 $0x3;
	s25 =	simm.s32 $0x2;
	s26 =	simm.s32 $0x4  }
0x8: {  	s28 =	simm.s32 $0x0;
	s9 =	sand.u32 $0x1, s2;
	s6 =	smul.u32 $0x14000, s0  }
0x9: {  	[smem:$0x7FF] =	sst s3;
	s4 =	sadd.s32 $0xC400, s7;
	s11 =	smul.u32 $0x50000, s0  }
0xa: {  	s10 =	sshll.u32 s0, $0x1;
	s5 =	smul.u32 $0x140000, s9;
	_ =	strace $0x80000050  }
0xb: {  	s10 =	sor.u32 s9, s10;
	s9 =	ssub.s32 $0x2, s9;
	s29 =	sshrl.u32 s11, $0x2  }
0xc: {  	s30 =	sshrl.u32 s9, $0x1;
	s6 =	sadd.s32 s6, s5;
	s5 =	sadd.s32 $0x2400, s7  }
0xd: {  	s16 =	ssub.s32 s9, s30;
	s12 =	sshrl.u32 s6, $0x3;
	s6 =	smul.u32 $0x2800, s10  }
0xe: {  	s16 =	smax.u32 s16, $0x1;
	s15 =	sadd.s32 s12, s7;
	s7 =	sadd.s32 s29, s1  }
0xf: {  	s31 =	sshrl.u32 s6, $0x3;
	s9 =	sadd.s32 $0x4000, s7;
	s10 =	sadd.s32 $0x8000, s7  }
0x10: {  	s11 =	sadd.s32 $0xC000, s7;
	s13 =	sadd.s32 $0x10000, s7;
	s12 =	sadd.s32 s5, s31  }
0x11: {  	v0 =	vimm.f32 $0.0e+00;
	s15 =	sadd.s32 $0x34400, s15;
	s8 =	sadd.s32 s8, s31;
	s14 =	sadd.s32 $0x10, s12  }
.LBB2_1:
0x12: {  	[tilespmem:s3], [sflag:$0x5] =	stream.linear.gather [hbm4b:s8+s3], $0x2800, $0x38;
	[tilespmem:$0x1E900] =	vst v63  }
0x13: {  	_ =	swait.ge [sflag:s17], $0x2800  }
0x14: {  	[sflag:s17] =	ssyncset.done $0x0  }
0x15: {  	s29 =	simm.s32 $0x0;
	s30 =	simm.s32 $0x200;
	[sflag:s17] =	ssyncadd.s32 $0xFFFFD800  }
.LBB2_2:
0x16: {  	p0 =	sne.s32 s30, $0xFE00;
	[tilespmem:s29+$0x2970] =	vst v0  }
0x17: {  	[tilespmem:s29+$0x2900] =	vst v0  }
0x18: {  	[tilespmem:s29+$0x2910] =	vst v0  }
.Ltmp0:
0x19: {  	[tilespmem:s29+$0x2920] =	vst v0;
	(pc) =	sbr.rel @p0 .LBB2_2-.Ltmp0, $4  }
0x1a: {  	[tilespmem:s29+$0x2930] =	vst v0  }
0x1b: {  	[tilespmem:s29+$0x2940] =	vst v0  }
0x1c: {  	[tilespmem:s29+$0x2950] =	vst v0  }
0x1d: {  	[tilespmem:s29+$0x2960] =	vst v0;
	s29 =	sshra.s32 s30, $0x2;
	s30 =	sadd.s32 $0x200, s30  }
0x1e: {  	[tilespmem:s29+$0x2970] =	vst v0  }
0x1f: {  	[tilespmem:s29+$0x2900] =	vst v0  }
0x20: {  	[tilespmem:s29+$0x2910] =	vst v0  }
0x21: {  	[tilespmem:s29+$0x2920] =	vst v0  }
0x22: {  	[tilespmem:s29+$0x2930] =	vst v0  }
0x23: {  	[tilespmem:s29+$0x2940] =	vst v0  }
0x24: {  	[tilespmem:s29+$0x2950] =	vst v0  }
0x25: {  	[tilespmem:s29+$0x2960] =	vst v0  }
0x26: {  	[spmem:s7] =	stream.linear.scatter [tilespmem:s18], [sflag:$0x5], $0x4000, $0x38;
	[tilespmem:$0x1E900] =	vst v63  }
0x27: {  	_ =	swait.ge [sflag:s17], $0x4000  }
0x28: {  	[sflag:s17] =	ssyncset.done $0x0  }
0x29: {  	[sflag:s17] =	ssyncadd.s32 $0xFFFFC000  }
0x2a: {  	[spmem:s9] =	stream.linear.scatter [tilespmem:s18], [sflag:$0x5], $0x4000, $0x38;
	[tilespmem:$0x1E900] =	vst v63  }
0x2b: {  	_ =	swait.ge [sflag:s17], $0x4000  }
0x2c: {  	[sflag:s17] =	ssyncset.done $0x0  }
0x2d: {  	[sflag:s17] =	ssyncadd.s32 $0xFFFFC000  }
0x2e: {  	[spmem:s10] =	stream.linear.scatter [tilespmem:s18], [sflag:$0x5], $0x4000, $0x38;
	[tilespmem:$0x1E900] =	vst v63  }
0x2f: {  	_ =	swait.ge [sflag:s17], $0x4000  }
0x30: {  	[sflag:s17] =	ssyncset.done $0x0  }
0x31: {  	[sflag:s17] =	ssyncadd.s32 $0xFFFFC000  }
0x32: {  	[spmem:s11] =	stream.linear.scatter [tilespmem:s18], [sflag:$0x5], $0x4000, $0x38;
	[tilespmem:$0x1E900] =	vst v63  }
0x33: {  	_ =	swait.ge [sflag:s17], $0x4000  }
0x34: {  	[sflag:s17] =	ssyncset.done $0x0  }
0x35: {  	[sflag:s17] =	ssyncadd.s32 $0xFFFFC000  }
0x36: {  	[spmem:s13] =	stream.linear.scatter [tilespmem:s18], [sflag:$0x5], $0x4000, $0x38;
	[tilespmem:$0x1E900] =	vst v63  }
0x37: {  	_ =	swait.ge [sflag:s17], $0x4000  }
0x38: {  	[sflag:s17] =	ssyncset.done $0x0  }
0x39: {  	[sflag:s17] =	ssyncadd.s32 $0xFFFFC000  }
0x3a: {  	[bflag:$0x0] =	sbarrier.arrive $0xFFFF  }
0x3b: {  	[tilespmem:s18], [sflag:$0x1] =	stream.indirect.gather [hbm4b:s4+s19], $0x80, s3, s19, $0xb8;
	[tilespmem:$0x1E900] =	vst v63  }
0x3c: {  	_ = 	snop  }
0x3d: {  	[tilespmem:s20], [sflag:$0x2] =	stream.indirect.gather [hbm4b:s4+s19], $0x80, s19, s19, $0xb8;
	[tilespmem:$0x1E900] =	vst v63  }
0x3e: {  	_ = 	snop  }
0x3f: {  	[tilespmem:s21], [sflag:$0x3] =	stream.linear.gather [hbm4b:s12+s3], $0x80, $0x38;
	[tilespmem:$0x1E900] =	vst v63  }
0x40: {  	_ = 	snop  }
0x41: {  	[tilespmem:s22], [sflag:$0x4] =	stream.linear.gather [hbm4b:s14+s3], $0x80, $0x38;
	[tilespmem:$0x1E900] =	vst v63  }
0x42: {  	_ =	swait.ge [sflag:s23], $0x4000  }
0x43: {  	[sflag:s23] =	ssyncset.done $0x0  }
0x44: {  	[sflag:s23] =	ssyncadd.s32 $0xFFFFC000  }
0x45: {  	_ =	swait.ge [sflag:s24], $0x80  }
0x46: {  	s29 =	simm.s32 $0x100;
	[sflag:s24] =	ssyncset.done $0x0  }
0x47: {  	s30 =	sand.u32 $0x7C00, s29;
	[sflag:s24] =	ssyncadd.s32 $0xFFFFFF80  }
0x48: {  	[spmem:s1] =	stream.indirect.scatter.add.f32 [tilespmem:s18], [sflag:$0x5], $0x80, s21, s19, $0xb8;
	[tilespmem:$0x1E900] =	vst v63  }
0x49: {  	s31 =	sand.u32 $0x300, s29;
	s30 =	sadd.s32 s6, s30;
	_ =	swait.ge [sflag:s17], $0x4000  }
0x4a: {  	s30 =	sor.u32 s31, s30;
	[sflag:s17] =	ssyncset.done $0x0  }
0x4b: {  	s29 =	simm.s32 $0x100;
	s30 =	sshrl.u32 s30, $0x3;
	[sflag:s17] =	ssyncadd.s32 $0xFFFFC000  }
0x4c: {  	[tilespmem:s18], [sflag:$0x1] =	stream.indirect.gather [hbm4b:s4+s19], $0x80, s29, s19, $0xb8;
	[tilespmem:$0x1E900] =	vst v63  }
0x4d: {  	s30 =	sadd.s32 s5, s30  }
0x4e: {  	[tilespmem:s21], [sflag:$0x3] =	stream.linear.gather [hbm4b:s30+s3], $0x80, $0x38;
	[tilespmem:$0x1E900] =	vst v63  }
0x4f: {  	_ =	swait.ge [sflag:s25], $0x4000  }
0x50: {  	[sflag:s25] =	ssyncset.done $0x0  }
0x51: {  	[sflag:s25] =	ssyncadd.s32 $0xFFFFC000  }
0x52: {  	_ =	swait.ge [sflag:s26], $0x80  }
0x53: {  	[sflag:s26] =	ssyncset.done $0x0  }
0x54: {  	[sflag:s26] =	ssyncadd.s32 $0xFFFFFF80  }
0x55: {  	[spmem:s1] =	stream.indirect.scatter.add.f32 [tilespmem:s20], [sflag:$0x5], $0x80, s22, s19, $0xb8;
	[tilespmem:$0x1E900] =	vst v63  }
0x56: {  	_ =	swait.ge [sflag:s17], $0x4000  }
0x57: {  	[sflag:s17] =	ssyncset.done $0x0  }
0x58: {  	s31 =	simm.s32 $0x180;
	s30 =	simm.s32 $0x180;
	[sflag:s17] =	ssyncadd.s32 $0xFFFFC000  }
0x59: {  	[tilespmem:s20], [sflag:$0x2] =	stream.indirect.gather [hbm4b:s4+s19], $0x80, s31, s19, $0xb8;
	[tilespmem:$0x1E900] =	vst v63  }
0x5a: {  	s31 =	sand.u32 $0x7C00, s30  }
0x5b: {  	s30 =	sand.u32 $0x380, s30;
	s31 =	sadd.s32 s6, s31  }
0x5c: {  	s31 =	sor.u32 s30, s31  }
0x5d: {  	s30 =	simm.s32 $0x280;
	s31 =	sshrl.u32 s31, $0x3  }
.LBB2_4:
0x5e: {  	p0 =	sne.s32 s30, $0x2780;
	s31 =	sadd.s32 s5, s31;
	s29 =	sadd.s32 $0x100, s29  }
0x5f: {  	[tilespmem:s22], [sflag:$0x4] =	stream.linear.gather [hbm4b:s31+s3], $0x80, $0x38;
	[tilespmem:$0x1E900] =	vst v63  }
0x60: {  	s31 =	smov.u32 s30;
	s30 =	sadd.s32 $0x100, s30;
	_ =	swait.ge [sflag:s23], $0x4000  }
0x61: {  	[sflag:s23] =	ssyncset.done $0x0  }
0x62: {  	[sflag:s23] =	ssyncadd.s32 $0xFFFFC000  }
0x63: {  	_ =	swait.ge [sflag:s24], $0x80  }
0x64: {  	[sflag:s24] =	ssyncset.done $0x0  }
0x65: {  	s0 =	sadd.s32 $0xFFFFFF80, s31;
	[sflag:s24] =	ssyncadd.s32 $0xFFFFFF80  }
0x66: {  	[spmem:s1] =	stream.indirect.scatter.add.f32 [tilespmem:s18], [sflag:$0x5], $0x80, s21, s19, $0xb8;
	[tilespmem:$0x1E900] =	vst v63  }
0x67: {  	s2 =	sand.u32 $0x7C00, s0;
	_ =	swait.ge [sflag:s17], $0x4000  }
0x68: {  	s0 =	sand.u32 $0x300, s0;
	s2 =	sadd.s32 s6, s2;
	[sflag:s17] =	ssyncset.done $0x0  }
0x69: {  	s0 =	sor.u32 s0, s2;
	[sflag:s17] =	ssyncadd.s32 $0xFFFFC000  }
0x6a: {  	[tilespmem:s18], [sflag:$0x1] =	stream.indirect.gather [hbm4b:s4+s19], $0x80, s29, s19, $0xb8;
	[tilespmem:$0x1E900] =	vst v63  }
0x6b: {  	s0 =	sshrl.u32 s0, $0x3  }
0x6c: {  	s0 =	sadd.s32 s5, s0  }
0x6d: {  	[tilespmem:s21], [sflag:$0x3] =	stream.linear.gather [hbm4b:s0+s3], $0x80, $0x38;
	[tilespmem:$0x1E900] =	vst v63  }
0x6e: {  	_ =	swait.ge [sflag:s25], $0x4000  }
0x6f: {  	[sflag:s25] =	ssyncset.done $0x0  }
0x70: {  	[sflag:s25] =	ssyncadd.s32 $0xFFFFC000  }
0x71: {  	_ =	swait.ge [sflag:s26], $0x80  }
0x72: {  	[sflag:s26] =	ssyncset.done $0x0  }
0x73: {  	s0 =	sand.u32 $0x7C00, s31;
	[sflag:s26] =	ssyncadd.s32 $0xFFFFFF80  }
0x74: {  	[spmem:s1] =	stream.indirect.scatter.add.f32 [tilespmem:s20], [sflag:$0x5], $0x80, s22, s19, $0xb8;
	[tilespmem:$0x1E900] =	vst v63  }
.Ltmp1:
0x75: {  	_ = 	snop;
	(pc) =	sbr.rel @p0 .LBB2_4-.Ltmp1, $4  }
0x76: {  	s2 =	sand.u32 $0x380, s31;
	s0 =	sadd.s32 s6, s0;
	_ =	swait.ge [sflag:s17], $0x4000  }
0x77: {  	s0 =	sor.u32 s2, s0;
	[sflag:s17] =	ssyncset.done $0x0  }
0x78: {  	s2 =	sadd.s32 $0x80, s29;
	s31 =	sshrl.u32 s0, $0x3;
	[sflag:s17] =	ssyncadd.s32 $0xFFFFC000  }
0x79: {  	[tilespmem:s20], [sflag:$0x2] =	stream.indirect.gather [hbm4b:s4+s19], $0x80, s2, s19, $0xb8;
	[tilespmem:$0x1E900] =	vst v63  }
0x7a: {  	s0 =	sadd.s32 s5, s31  }
0x7b: {  	[tilespmem:s22], [sflag:$0x4] =	stream.linear.gather [hbm4b:s0+s3], $0x80, $0x38;
	[tilespmem:$0x1E900] =	vst v63  }
0x7c: {  	_ =	swait.ge [sflag:s23], $0x4000  }
0x7d: {  	[sflag:s23] =	ssyncset.done $0x0  }
0x7e: {  	[sflag:s23] =	ssyncadd.s32 $0xFFFFC000  }
0x7f: {  	_ =	swait.ge [sflag:s24], $0x80  }
0x80: {  	[sflag:s24] =	ssyncset.done $0x0  }
0x81: {  	[sflag:s24] =	ssyncadd.s32 $0xFFFFFF80  }
0x82: {  	[spmem:s1] =	stream.indirect.scatter.add.f32 [tilespmem:s18], [sflag:$0x5], $0x80, s21, s19, $0xb8;
	[tilespmem:$0x1E900] =	vst v63  }
0x83: {  	_ =	swait.ge [sflag:s17], $0x4000  }
0x84: {  	[sflag:s17] =	ssyncset.done $0x0  }
0x85: {  	[sflag:s17] =	ssyncadd.s32 $0xFFFFC000  }
0x86: {  	_ =	swait.ge [sflag:s25], $0x4000  }
0x87: {  	[sflag:s25] =	ssyncset.done $0x0  }
0x88: {  	[sflag:s25] =	ssyncadd.s32 $0xFFFFC000  }
0x89: {  	_ =	swait.ge [sflag:s26], $0x80  }
0x8a: {  	[sflag:s26] =	ssyncset.done $0x0  }
0x8b: {  	[sflag:s26] =	ssyncadd.s32 $0xFFFFFF80  }
0x8c: {  	[spmem:s1] =	stream.indirect.scatter.add.f32 [tilespmem:s20], [sflag:$0x5], $0x80, s22, s19, $0xb8;
	[tilespmem:$0x1E900] =	vst v63  }
0x8d: {  	s31 =	stileid.u32;
	_ =	swait.ge [sflag:s17], $0x4000  }
0x8e: {  	s2 =	sshrl.u32 s7, $0x3;
	s28 =	sadd.s32 $0x1, s28;
	[sflag:s17] =	ssyncset.done $0x0  }
0x8f: {  	s0 =	sshll.u32 s31, $0x6;
	p0 =	sne.s32 s28, s16;
	[sflag:s17] =	ssyncadd.s32 $0xFFFFC000  }
.Ltmp2:
0x90: {  	s0 =	sor.u32 $0x1C05, s0;
	[bflag:$0x0] =	sbarrier.arrive $0xFFFF;
	(pc) =	sbr.rel @p0 .LBB2_1-.Ltmp2, $4  }
0x91: {  	[hbm:s15], [sflag:s0] =	dma.local [spmem:s2], $0x2800  }
0x92: {  	_ =	swait.ge [sflag:s17], $0x2800  }
0x93: {  	[sflag:s17] =	ssyncset.done $0x0  }
0x94: {  	[sflag:s17] =	ssyncadd.s32 $0xFFFFD800  }
0x95: {  	_ =	sfence.sel $0x180000  }
0x96: {  	[bflag:$0x0] =	sbarrier.arrive $0xFFFF  }
0x97: {  	_ =	strace $0x90000050  }
0x98: {  	s0 =	stileid.u32;
	[bflag:$0x2] =	sbarrier.arrive $0xFFFF  }
0x99: {  	p0 =	sne.s32 s0, $0x0;
	s0 =	rddreg [dreg:$0x3]  }
0x9a: {  	s0 =	sadd.s32 @!p0 $0x100000, s0  }
0x9b: {  	[sflag:s0] =	ssyncadd.tile.s32 @!p0 $0x1;
	_ =	shalt  }
.Lfunc_end2:
_tile_overlayer_lowered:
.L_overlay_start_2:
0x9c: {  	(tag) =	ssettag $0x2  }
0x9d: {  	s0 =	rddreg [dreg:$0x0];
	s2 =	stileid.u32  }
0x9e: {  	s1 =	rddreg [dreg:$0x1];
	p0 =	sne.s32 s2, $0x0  }
0x9f: {  	s3 =	rddreg [dreg:$0x2];
	[bflag:$0x3] =	sbarrier.arrive $0xFFFF;
	s2 =	simm.s32 @!p0 $0x1C05  }
0xa0: {  	[timem:s3], [sflag:s2] =	dma.local @!p0 [hbm:s0], s1  }
0xa1: {  	s0 =	simm.s32 @!p0 $0x5  }
0xa2: {  	_ =	swait.ge @!p0 [sflag:s0], s1  }
0xa3: {  	s1 =	ssub.s32 @!p0 $0x0, s1;
	[sflag:s0] =	ssyncset.done @!p0 $0x0  }
0xa4: {  	[sflag:s0] =	ssyncadd.s32 @!p0 s1  }
0xa5: {  	[bflag:$0x3] =	sbarrier.arrive $0xFFFF  }
0xa6: {  	_ =	shalt  }

</sc_bundles>
